<compile_context>
chip_gen: v7x
topology: tpu7x:2x2x1
jax: 0.10.2.dev20260603
libtpu: 0.0.44.dev20260713+nightly
codegen_flags: <defaults>
</compile_context>

<pallas_src>
import functools

import jax
import jax.numpy as jnp
from jax import lax
from jax.experimental import pallas as pl
from jax.experimental.pallas import tpu as pltpu
from jax.experimental.pallas import tpu_sc as plsc

N_NODES = 10000
N_EDGES = 320000
D_FEAT = 128

NC = 2
NS = 16
NW = NC * NS
L = 16

CH = 128
EW = 10112
NCHUNK = EW // CH
E_PAD = EW * NW

N_PAD = 10240
RPT = N_PAD // NS
DUMP = 64
NDUMP = RPT // DUMP

_mesh = plsc.VectorSubcoreMesh(core_axis_name="c", subcore_axis_name="s")


@functools.partial(
    pl.kernel,
    out_type=jax.ShapeDtypeStruct((NC, N_PAD), jnp.float32),
    mesh=_mesh,
    scratch_types=[
        pltpu.VMEM((CH,), jnp.int32),
        pltpu.VMEM((N_PAD,), jnp.float32),
        pltpu.VMEM((RPT,), jnp.float32),
        pltpu.VMEM((RPT,), jnp.float32),
        pltpu.VMEM_SHARED((NS, N_PAD), jnp.float32),
    ],
    compiler_params=pltpu.CompilerParams(needs_layout_passes=False),
)
def _deg_kernel(dst_hbm, out_hbm, dst_v, deg_v, acc_v, tmp_v, deg_sh):
    c = lax.axis_index("c")
    s = lax.axis_index("s")
    wid = s * NC + c
    zero = jnp.zeros((L,), jnp.float32)
    ones = jnp.ones((L,), jnp.float32)

    @pl.loop(0, N_PAD // L)
    def _zero(i):
        deg_v[pl.ds(i * L, L)] = zero

    @pl.loop(0, NCHUNK)
    def _count(j):
        off = wid * EW + j * CH
        pltpu.sync_copy(dst_hbm.at[pl.ds(off, CH)], dst_v)
        for i in range(CH // L):
            idx = dst_v[pl.ds(i * L, L)]
            plsc.addupdate_scatter(deg_v, [idx], ones)

    pltpu.sync_copy(deg_v, deg_sh.at[s])
    plsc.subcore_barrier()

    base = s * RPT

    @pl.loop(0, RPT // L)
    def _zero2(i):
        acc_v[pl.ds(i * L, L)] = zero

    for p in range(NS):
        pltpu.sync_copy(deg_sh.at[p, pl.ds(base, RPT)], tmp_v)

        @pl.loop(0, RPT // L)
        def _add(q):
            o = q * L
            acc_v[pl.ds(o, L)] = acc_v[pl.ds(o, L)] + tmp_v[pl.ds(o, L)]

    pltpu.sync_copy(acc_v, out_hbm.at[c, pl.ds(base, RPT)])


@functools.partial(
    pl.kernel,
    out_type=jax.ShapeDtypeStruct((NC, N_PAD, D_FEAT), jnp.float32),
    mesh=_mesh,
    scratch_types=[
        pltpu.VMEM((CH,), jnp.int32),
        pltpu.VMEM((CH,), jnp.int32),
        pltpu.VMEM((CH, D_FEAT), jnp.float32),
        pltpu.VMEM((DUMP, D_FEAT), jnp.float32),
        pltpu.VMEM_SHARED((N_PAD, D_FEAT), jnp.float32),
        pltpu.SemaphoreType.DMA,
    ],
    compiler_params=pltpu.CompilerParams(needs_layout_passes=False),
)
def _agg_kernel(h_hbm, src_hbm, dst_hbm, out_hbm,
                src_v, dst_v, rows_v, buf_v, agg_sh, sem):
    c = lax.axis_index("c")
    s = lax.axis_index("s")
    wid = s * NC + c
    zero = jnp.zeros((L,), jnp.float32)

    @pl.loop(0, DUMP)
    def _zbuf(r):
        for q in range(D_FEAT // L):
            buf_v[r, pl.ds(q * L, L)] = zero

    base = s * RPT

    @pl.loop(0, NDUMP)
    def _zagg(j):
        pltpu.sync_copy(buf_v, agg_sh.at[pl.ds(base + j * DUMP, DUMP)])

    plsc.subcore_barrier()

    @pl.loop(0, NCHUNK)
    def _edges(j):
        off = wid * EW + j * CH
        pltpu.sync_copy(src_hbm.at[pl.ds(off, CH)], src_v)
        pltpu.sync_copy(dst_hbm.at[pl.ds(off, CH)], dst_v)
        pltpu.async_copy(h_hbm.at[src_v], rows_v, sem).wait()
        pltpu.sync_copy(rows_v, agg_sh.at[dst_v], add=True)

    plsc.subcore_barrier()

    @pl.loop(0, NDUMP)
    def _dump(j):
        r0 = base + j * DUMP
        pltpu.sync_copy(agg_sh.at[pl.ds(r0, DUMP)], buf_v)
        pltpu.sync_copy(buf_v, out_hbm.at[c, pl.ds(r0, DUMP)])


_RB = 1000


def _tc_init_body(f_ref, da_ref, db_ref, th_ref, h1_ref, hacc_ref):
    deg = jnp.maximum(da_ref[...] + db_ref[...], 1.0)
    dinv = 1.0 / jnp.sqrt(deg)
    f = f_ref[...]
    h1_ref[...] = f * dinv
    hacc_ref[...] = th_ref[0] * f


def _tc_round_body(k, f_ref, a0_ref, a1_ref, da_ref, db_ref, hacc_ref, th_ref,
                   fnew_ref, hout_ref, hnext_ref):
    deg = jnp.maximum(da_ref[...] + db_ref[...], 1.0)
    dinv = 1.0 / jnp.sqrt(deg)
    fnew = f_ref[...] - (a0_ref[...] + a1_ref[...]) * dinv
    fnew_ref[...] = fnew
    hout_ref[...] = hacc_ref[...] + th_ref[k] * fnew
    hnext_ref[...] = fnew * dinv


_row_spec = pl.BlockSpec((_RB, D_FEAT), lambda i: (i, 0))
_col_spec = pl.BlockSpec((_RB, 1), lambda i: (i, 0))
_smem_spec = pl.BlockSpec(memory_space=pltpu.MemorySpace.SMEM)
_fshape = jax.ShapeDtypeStruct((N_NODES, D_FEAT), jnp.float32)

_tc_init = pl.pallas_call(
    _tc_init_body,
    grid=(N_NODES // _RB,),
    in_specs=[_row_spec, _col_spec, _col_spec, _smem_spec],
    out_specs=[_row_spec, _row_spec],
    out_shape=[_fshape, _fshape],
)

_tc_round = [
    pl.pallas_call(
        functools.partial(_tc_round_body, k),
        grid=(N_NODES // _RB,),
        in_specs=[_row_spec, _row_spec, _row_spec, _col_spec, _col_spec,
                  _row_spec, _smem_spec],
        out_specs=[_row_spec, _row_spec, _row_spec],
        out_shape=[_fshape, _fshape, _fshape],
    )
    for k in range(4)
]


@jax.jit
def kernel(feat, edge_index, theta):
    pad = E_PAD - N_EDGES
    src = jnp.concatenate([edge_index[0], jnp.zeros((pad,), jnp.int32)])
    dst = jnp.concatenate(
        [edge_index[1], jnp.full((pad,), N_NODES, jnp.int32)])

    degp = _deg_kernel(dst)
    dega = degp[0, :N_NODES].reshape(N_NODES, 1)
    degb = degp[1, :N_NODES].reshape(N_NODES, 1)

    h, hacc = _tc_init(feat, dega, degb, theta)
    f = feat
    for k in range(1, 4):
        aggp = _agg_kernel(h, src, dst)
        f, hacc, h = _tc_round[k](
            f, aggp[0, :N_NODES], aggp[1, :N_NODES], dega, degb, hacc, theta)
    return hacc

# --- scband reference (transcript-rebuilt; emitter-appended) ---
"""Pipeline reference for scband-poly-conv-56255481643507 (READ-ONLY COPY).

The authoritative reference and input builder live on the scoring server;
editing this copy changes nothing except your own understanding.
"""

import jax, jax.numpy as jnp
import numpy as np

N = 10000
E = 320000
D_FEAT = 128
THETA = [1.0, -1.0, 0.5, -0.25]


def setup_inputs(seed: int = 0) -> dict:
    key = jax.random.key(seed)
    k1, k2 = jax.random.split(key)
    feat = jax.random.normal(k1, (N, D_FEAT), dtype=jnp.float32)
    edge_index = jax.random.randint(k2, (2, E), 0, N, dtype=jnp.int32)
    theta = jnp.array(THETA, dtype=jnp.float32)
    return {"feat": feat, "edge_index": edge_index, "theta": theta}


def reference(feat, edge_index, theta):
    src = edge_index[0]
    dst = edge_index[1]
    # in_degrees: count of incoming edges per node (dst side), clamped at 1
    deg = jnp.bincount(dst, length=N).astype(jnp.float32)
    deg = jnp.clip(deg, 1.0, None)
    d_invsqrt = (deg ** -0.5)[:, None]

    def unn_laplacian(f):
        # Feat * D^-1/2 A D^-1/2 : message = (f * D^-1/2)[src], sum at dst
        h = f * d_invsqrt
        agg = jax.ops.segment_sum(h[src], dst, num_segments=N)
        return f - agg * d_invsqrt

    k_total = theta.shape[0]
    h = theta[0] * feat
    f = feat
    for k in range(1, k_total):
        f = unn_laplacian(f)
        h = h + theta[k] * f
    return h

if __name__ == "__main__":
    import jax
    _d = setup_inputs()
    print(jax.jit(kernel)(*tuple(_d.values())))

</pallas_src>

<mosaic_0001>
#map = affine_map<(d0, d1) -> (0)>
#map1 = affine_map<(d0, d1) -> (0, 0)>
module attributes {stable_mosaic.version = 14 : i64} {
  func.func @_deg_kernel(%arg0: i32, %arg1: i32, %arg2: memref<323584xi32, #tpu.memory_space<hbm>>, %arg3: memref<2x10240xf32, #tpu.memory_space<hbm>>, %arg4: memref<128xi32, #tpu.memory_space<vmem>>, %arg5: memref<10240xf32, #tpu.memory_space<vmem>>, %arg6: memref<640xf32, #tpu.memory_space<vmem>>, %arg7: memref<640xf32, #tpu.memory_space<vmem>>, %arg8: memref<16x10240xf32, #tpu.memory_space<vmem_shared>>) attributes {dimension_semantics = [#tpu.dimension_semantics<core_parallel>, #tpu.dimension_semantics<subcore_parallel>], iteration_bounds = array<i64: 2, 16>, scalar_prefetch = 0 : i64, scratch_operands = 5 : i64, tpu.core_type = #tpu.core_type<sc_vector_subcore>, window_params = [{transform_indices = #map}, {transform_indices = #map1}]} {
    %mul3A = arith.constant 2 : i32
    %mul3A_0 = arith.muli %arg1, %mul3A : i32
    %add3A = arith.addi %mul3A_0, %arg0 : i32
    %broadcast_in_dim3A = arith.constant 0.000000e+00 : f32
    %broadcast_in_dim3A_1 = vector.broadcast %broadcast_in_dim3A : f32 to vector<16xf32>
    %broadcast_in_dim3A_2 = arith.constant 1.000000e+00 : f32
    %broadcast_in_dim3A_3 = vector.broadcast %broadcast_in_dim3A_2 : f32 to vector<16xf32>
    %scan3A = arith.constant 0 : i32
    %scan3A_4 = arith.constant 640 : i32
    %scan3A_5 = arith.addi %scan3A, %scan3A_4 : i32
    %scan3A_6 = arith.constant 1 : i32
    scf.for %scan3A_115 = %scan3A to %scan3A_5 step %scan3A_6  : i32 {
      %mul3A_116 = arith.constant 1 : i32
      %mul3A_117 = arith.muli %scan3A_115, %mul3A_116 : i32
      %add3A_118 = arith.constant 0 : i32
      %add3A_119 = arith.addi %add3A_118, %mul3A_117 : i32
      %mul3A_120 = arith.constant 16 : i32
      %mul3A_121 = arith.muli %add3A_119, %mul3A_120 : i32
      %swap3A = arith.index_cast %mul3A_121 : i32 to index
      %swap3A_122 = tpu.vector_load %arg5[%swap3A] {strides = array<i32>} : memref<10240xf32, #tpu.memory_space<vmem>>, vector<16xf32>,
      tpu.vector_store %arg5[%swap3A], %broadcast_in_dim3A_1 {strides = array<i32>} : memref<10240xf32, #tpu.memory_space<vmem>>, vector<16xf32>,
    }
    %scan3A_7 = arith.constant 640 : i32
    %scan3A_8 = arith.constant 0 : i32
    %scan3A_9 = arith.constant 79 : i32
    %scan3A_10 = arith.addi %scan3A_8, %scan3A_9 : i32
    %scan3A_11 = arith.constant 1 : i32
    scf.for %scan3A_115 = %scan3A_8 to %scan3A_10 step %scan3A_11  : i32 {
      %mul3A_116 = arith.constant 1 : i32
      %mul3A_117 = arith.muli %scan3A_115, %mul3A_116 : i32
      %add3A_118 = arith.constant 0 : i32
      %add3A_119 = arith.addi %add3A_118, %mul3A_117 : i32
      %mul3A_120 = arith.constant 10112 : i32
      %mul3A_121 = arith.muli %add3A, %mul3A_120 : i32
      %mul3A_122 = arith.constant 128 : i32
      %mul3A_123 = arith.muli %add3A_119, %mul3A_122 : i32
      %add3A_124 = arith.addi %mul3A_121, %mul3A_123 : i32
      "tpu.region"() ({
        %run_scoped3A_140 = tpu.sem_alloc : memref<!tpu.dma_semaphore, #tpu.memory_space<semaphore_mem>>
        %dma_start3A = tpu.memref_slice %arg2[%add3A_124] : memref<323584xi32, #tpu.memory_space<hbm>> -> memref<128xi32, #tpu.memory_space<hbm>>
        %dma_start3A_141 = tpu.memref_slice %arg2[%add3A_124] : memref<323584xi32, #tpu.memory_space<hbm>> -> memref<128xi32, #tpu.memory_space<hbm>>
        tpu.enqueue_dma source(%dma_start3A_141 : memref<128xi32, #tpu.memory_space<hbm>>) target(%arg4 : memref<128xi32, #tpu.memory_space<vmem>>) target_semaphore(%run_scoped3A_140 : memref<!tpu.dma_semaphore, #tpu.memory_space<semaphore_mem>>)
        %dma_wait3A = tpu.memref_slice %arg2[%add3A_124] : memref<323584xi32, #tpu.memory_space<hbm>> -> memref<128xi32, #tpu.memory_space<hbm>>
        %dma_wait3A_142 = tpu.memref_slice %arg2[%add3A_124] : memref<323584xi32, #tpu.memory_space<hbm>> -> memref<128xi32, #tpu.memory_space<hbm>>
        tpu.wait_dma2 semaphore(%run_scoped3A_140 : memref<!tpu.dma_semaphore, #tpu.memory_space<semaphore_mem>>) src(%dma_wait3A_142 : memref<128xi32, #tpu.memory_space<hbm>>) dst(%arg4 : memref<128xi32, #tpu.memory_space<vmem>>)
        tpu.yield
      }) : () -> ()
      %get3A = arith.constant 0 : index
      %get3A_125 = tpu.vector_load %arg4[%get3A] {strides = array<i32>} : memref<128xi32, #tpu.memory_space<vmem>>, vector<16xi32>,
      tpu.vector_store_idx %arg5[%get3A_125], %broadcast_in_dim3A_3 {add = true} : memref<10240xf32, #tpu.memory_space<vmem>>[vector<16xi32>], vector<16xf32>,
      %get3A_126 = arith.constant 16 : index
      %get3A_127 = tpu.vector_load %arg4[%get3A_126] {strides = array<i32>} : memref<128xi32, #tpu.memory_space<vmem>>, vector<16xi32>,
      tpu.vector_store_idx %arg5[%get3A_127], %broadcast_in_dim3A_3 {add = true} : memref<10240xf32, #tpu.memory_space<vmem>>[vector<16xi32>], vector<16xf32>,
      %get3A_128 = arith.constant 32 : index
      %get3A_129 = tpu.vector_load %arg4[%get3A_128] {strides = array<i32>} : memref<128xi32, #tpu.memory_space<vmem>>, vector<16xi32>,
      tpu.vector_store_idx %arg5[%get3A_129], %broadcast_in_dim3A_3 {add = true} : memref<10240xf32, #tpu.memory_space<vmem>>[vector<16xi32>], vector<16xf32>,
      %get3A_130 = arith.constant 48 : index
      %get3A_131 = tpu.vector_load %arg4[%get3A_130] {strides = array<i32>} : memref<128xi32, #tpu.memory_space<vmem>>, vector<16xi32>,
      tpu.vector_store_idx %arg5[%get3A_131], %broadcast_in_dim3A_3 {add = true} : memref<10240xf32, #tpu.memory_space<vmem>>[vector<16xi32>], vector<16xf32>,
      %get3A_132 = arith.constant 64 : index
      %get3A_133 = tpu.vector_load %arg4[%get3A_132] {strides = array<i32>} : memref<128xi32, #tpu.memory_space<vmem>>, vector<16xi32>,
      tpu.vector_store_idx %arg5[%get3A_133], %broadcast_in_dim3A_3 {add = true} : memref<10240xf32, #tpu.memory_space<vmem>>[vector<16xi32>], vector<16xf32>,
      %get3A_134 = arith.constant 80 : index
      %get3A_135 = tpu.vector_load %arg4[%get3A_134] {strides = array<i32>} : memref<128xi32, #tpu.memory_space<vmem>>, vector<16xi32>,
      tpu.vector_store_idx %arg5[%get3A_135], %broadcast_in_dim3A_3 {add = true} : memref<10240xf32, #tpu.memory_space<vmem>>[vector<16xi32>], vector<16xf32>,
      %get3A_136 = arith.constant 96 : index
      %get3A_137 = tpu.vector_load %arg4[%get3A_136] {strides = array<i32>} : memref<128xi32, #tpu.memory_space<vmem>>, vector<16xi32>,
      tpu.vector_store_idx %arg5[%get3A_137], %broadcast_in_dim3A_3 {add = true} : memref<10240xf32, #tpu.memory_space<vmem>>[vector<16xi32>], vector<16xf32>,
      %get3A_138 = arith.constant 112 : index
      %get3A_139 = tpu.vector_load %arg4[%get3A_138] {strides = array<i32>} : memref<128xi32, #tpu.memory_space<vmem>>, vector<16xi32>,
      tpu.vector_store_idx %arg5[%get3A_139], %broadcast_in_dim3A_3 {add = true} : memref<10240xf32, #tpu.memory_space<vmem>>[vector<16xi32>], vector<16xf32>,
    }
    %scan3A_12 = arith.constant 79 : i32
    "tpu.region"() ({
      %run_scoped3A_115 = tpu.sem_alloc : memref<!tpu.dma_semaphore, #tpu.memory_space<semaphore_mem>>
      %dma_start3A = arith.constant 0 : i32
      %dma_start3A_116 = tpu.memref_slice %arg8[%arg1, %dma_start3A] : memref<16x10240xf32, #tpu.memory_space<vmem_shared>> -> memref<1x10240xf32, #tpu.memory_space<vmem_shared>>
      %dma_start3A_117 = tpu.memref_squeeze %dma_start3A_116 : memref<1x10240xf32, #tpu.memory_space<vmem_shared>> -> memref<10240xf32, #tpu.memory_space<vmem_shared>>
      %dma_start3A_118 = arith.constant 0 : i32
      %dma_start3A_119 = tpu.memref_slice %arg8[%arg1, %dma_start3A_118] : memref<16x10240xf32, #tpu.memory_space<vmem_shared>> -> memref<1x10240xf32, #tpu.memory_space<vmem_shared>>
      %dma_start3A_120 = tpu.memref_squeeze %dma_start3A_119 : memref<1x10240xf32, #tpu.memory_space<vmem_shared>> -> memref<10240xf32, #tpu.memory_space<vmem_shared>>
      tpu.enqueue_dma source(%arg5 : memref<10240xf32, #tpu.memory_space<vmem>>) target(%dma_start3A_120 : memref<10240xf32, #tpu.memory_space<vmem_shared>>) target_semaphore(%run_scoped3A_115 : memref<!tpu.dma_semaphore, #tpu.memory_space<semaphore_mem>>)
      %dma_wait3A = arith.constant 0 : i32
      %dma_wait3A_121 = tpu.memref_slice %arg8[%arg1, %dma_wait3A] : memref<16x10240xf32, #tpu.memory_space<vmem_shared>> -> memref<1x10240xf32, #tpu.memory_space<vmem_shared>>
      %dma_wait3A_122 = tpu.memref_squeeze %dma_wait3A_121 : memref<1x10240xf32, #tpu.memory_space<vmem_shared>> -> memref<10240xf32, #tpu.memory_space<vmem_shared>>
      %dma_wait3A_123 = arith.constant 0 : i32
      %dma_wait3A_124 = tpu.memref_slice %arg8[%arg1, %dma_wait3A_123] : memref<16x10240xf32, #tpu.memory_space<vmem_shared>> -> memref<1x10240xf32, #tpu.memory_space<vmem_shared>>
      %dma_wait3A_125 = tpu.memref_squeeze %dma_wait3A_124 : memref<1x10240xf32, #tpu.memory_space<vmem_shared>> -> memref<10240xf32, #tpu.memory_space<vmem_shared>>
      tpu.wait_dma2 semaphore(%run_scoped3A_115 : memref<!tpu.dma_semaphore, #tpu.memory_space<semaphore_mem>>) src(%arg5 : memref<10240xf32, #tpu.memory_space<vmem>>) dst(%dma_wait3A_125 : memref<10240xf32, #tpu.memory_space<vmem_shared>>)
      tpu.yield
    }) : () -> ()
    %barrier3A = arith.constant 0 : index
    tpu.barrier barrier_id(%barrier3A)
    %mul3A_13 = arith.constant 640 : i32
    %mul3A_14 = arith.muli %arg1, %mul3A_13 : i32
    %scan3A_15 = arith.constant 0 : i32
    %scan3A_16 = arith.constant 40 : i32
    %scan3A_17 = arith.addi %scan3A_15, %scan3A_16 : i32
    %scan3A_18 = arith.constant 1 : i32
    scf.for %scan3A_115 = %scan3A_15 to %scan3A_17 step %scan3A_18  : i32 {
      %mul3A_116 = arith.constant 1 : i32
      %mul3A_117 = arith.muli %scan3A_115, %mul3A_116 : i32
      %add3A_118 = arith.constant 0 : i32
      %add3A_119 = arith.addi %add3A_118, %mul3A_117 : i32
      %mul3A_120 = arith.constant 16 : i32
      %mul3A_121 = arith.muli %add3A_119, %mul3A_120 : i32
      %swap3A = arith.index_cast %mul3A_121 : i32 to index
      %swap3A_122 = tpu.vector_load %arg6[%swap3A] {strides = array<i32>} : memref<640xf32, #tpu.memory_space<vmem>>, vector<16xf32>,
      tpu.vector_store %arg6[%swap3A], %broadcast_in_dim3A_1 {strides = array<i32>} : memref<640xf32, #tpu.memory_space<vmem>>, vector<16xf32>,
    }
    %scan3A_19 = arith.constant 40 : i32
    %run_scoped3A = arith.constant 0 : i32
    "tpu.region"() ({
      %run_scoped3A_115 = tpu.sem_alloc : memref<!tpu.dma_semaphore, #tpu.memory_space<semaphore_mem>>
      %dma_start3A = tpu.memref_slice %arg8[%run_scoped3A, %mul3A_14] : memref<16x10240xf32, #tpu.memory_space<vmem_shared>> -> memref<1x640xf32, #tpu.memory_space<vmem_shared>>
      %dma_start3A_116 = tpu.memref_squeeze %dma_start3A : memref<1x640xf32, #tpu.memory_space<vmem_shared>> -> memref<640xf32, #tpu.memory_space<vmem_shared>>
      %dma_start3A_117 = tpu.memref_slice %arg8[%run_scoped3A, %mul3A_14] : memref<16x10240xf32, #tpu.memory_space<vmem_shared>> -> memref<1x640xf32, #tpu.memory_space<vmem_shared>>
      %dma_start3A_118 = tpu.memref_squeeze %dma_start3A_117 : memref<1x640xf32, #tpu.memory_space<vmem_shared>> -> memref<640xf32, #tpu.memory_space<vmem_shared>>
      tpu.enqueue_dma source(%dma_start3A_118 : memref<640xf32, #tpu.memory_space<vmem_shared>>) target(%arg7 : memref<640xf32, #tpu.memory_space<vmem>>) target_semaphore(%run_scoped3A_115 : memref<!tpu.dma_semaphore, #tpu.memory_space<semaphore_mem>>)
      %dma_wait3A = tpu.memref_slice %arg8[%run_scoped3A, %mul3A_14] : memref<16x10240xf32, #tpu.memory_space<vmem_shared>> -> memref<1x640xf32, #tpu.memory_space<vmem_shared>>
      %dma_wait3A_119 = tpu.memref_squeeze %dma_wait3A : memref<1x640xf32, #tpu.memory_space<vmem_shared>> -> memref<640xf32, #tpu.memory_space<vmem_shared>>
      %dma_wait3A_120 = tpu.memref_slice %arg8[%run_scoped3A, %mul3A_14] : memref<16x10240xf32, #tpu.memory_space<vmem_shared>> -> memref<1x640xf32, #tpu.memory_space<vmem_shared>>
      %dma_wait3A_121 = tpu.memref_squeeze %dma_wait3A_120 : memref<1x640xf32, #tpu.memory_space<vmem_shared>> -> memref<640xf32, #tpu.memory_space<vmem_shared>>
      tpu.wait_dma2 semaphore(%run_scoped3A_115 : memref<!tpu.dma_semaphore, #tpu.memory_space<semaphore_mem>>) src(%dma_wait3A_121 : memref<640xf32, #tpu.memory_space<vmem_shared>>) dst(%arg7 : memref<640xf32, #tpu.memory_space<vmem>>)
      tpu.yield
    }) : () -> ()
    %scan3A_20 = arith.constant 0 : i32
    %scan3A_21 = arith.constant 40 : i32
    %scan3A_22 = arith.addi %scan3A_20, %scan3A_21 : i32
    %scan3A_23 = arith.constant 1 : i32
    scf.for %scan3A_115 = %scan3A_20 to %scan3A_22 step %scan3A_23  : i32 {
      %mul3A_116 = arith.constant 1 : i32
      %mul3A_117 = arith.muli %scan3A_115, %mul3A_116 : i32
      %add3A_118 = arith.constant 0 : i32
      %add3A_119 = arith.addi %add3A_118, %mul3A_117 : i32
      %mul3A_120 = arith.constant 16 : i32
      %mul3A_121 = arith.muli %add3A_119, %mul3A_120 : i32
      %get3A = arith.index_cast %mul3A_121 : i32 to index
      %get3A_122 = tpu.vector_load %arg6[%get3A] {strides = array<i32>} : memref<640xf32, #tpu.memory_space<vmem>>, vector<16xf32>,
      %get3A_123 = arith.index_cast %mul3A_121 : i32 to index
      %get3A_124 = tpu.vector_load %arg7[%get3A_123] {strides = array<i32>} : memref<640xf32, #tpu.memory_space<vmem>>, vector<16xf32>,
      %add3A_125 = arith.addf %get3A_122, %get3A_124 : vector<16xf32>
      %swap3A = arith.index_cast %mul3A_121 : i32 to index
      %swap3A_126 = tpu.vector_load %arg6[%swap3A] {strides = array<i32>} : memref<640xf32, #tpu.memory_space<vmem>>, vector<16xf32>,
      tpu.vector_store %arg6[%swap3A], %add3A_125 {strides = array<i32>} : memref<640xf32, #tpu.memory_space<vmem>>, vector<16xf32>,
    }
    %scan3A_24 = arith.constant 40 : i32
    %run_scoped3A_25 = arith.constant 1 : i32
    "tpu.region"() ({
      %run_scoped3A_115 = tpu.sem_alloc : memref<!tpu.dma_semaphore, #tpu.memory_space<semaphore_mem>>
      %dma_start3A = tpu.memref_slice %arg8[%run_scoped3A_25, %mul3A_14] : memref<16x10240xf32, #tpu.memory_space<vmem_shared>> -> memref<1x640xf32, #tpu.memory_space<vmem_shared>>
      %dma_start3A_116 = tpu.memref_squeeze %dma_start3A : memref<1x640xf32, #tpu.memory_space<vmem_shared>> -> memref<640xf32, #tpu.memory_space<vmem_shared>>
      %dma_start3A_117 = tpu.memref_slice %arg8[%run_scoped3A_25, %mul3A_14] : memref<16x10240xf32, #tpu.memory_space<vmem_shared>> -> memref<1x640xf32, #tpu.memory_space<vmem_shared>>
      %dma_start3A_118 = tpu.memref_squeeze %dma_start3A_117 : memref<1x640xf32, #tpu.memory_space<vmem_shared>> -> memref<640xf32, #tpu.memory_space<vmem_shared>>
      tpu.enqueue_dma source(%dma_start3A_118 : memref<640xf32, #tpu.memory_space<vmem_shared>>) target(%arg7 : memref<640xf32, #tpu.memory_space<vmem>>) target_semaphore(%run_scoped3A_115 : memref<!tpu.dma_semaphore, #tpu.memory_space<semaphore_mem>>)
      %dma_wait3A = tpu.memref_slice %arg8[%run_scoped3A_25, %mul3A_14] : memref<16x10240xf32, #tpu.memory_space<vmem_shared>> -> memref<1x640xf32, #tpu.memory_space<vmem_shared>>
      %dma_wait3A_119 = tpu.memref_squeeze %dma_wait3A : memref<1x640xf32, #tpu.memory_space<vmem_shared>> -> memref<640xf32, #tpu.memory_space<vmem_shared>>
      %dma_wait3A_120 = tpu.memref_slice %arg8[%run_scoped3A_25, %mul3A_14] : memref<16x10240xf32, #tpu.memory_space<vmem_shared>> -> memref<1x640xf32, #tpu.memory_space<vmem_shared>>
      %dma_wait3A_121 = tpu.memref_squeeze %dma_wait3A_120 : memref<1x640xf32, #tpu.memory_space<vmem_shared>> -> memref<640xf32, #tpu.memory_space<vmem_shared>>
      tpu.wait_dma2 semaphore(%run_scoped3A_115 : memref<!tpu.dma_semaphore, #tpu.memory_space<semaphore_mem>>) src(%dma_wait3A_121 : memref<640xf32, #tpu.memory_space<vmem_shared>>) dst(%arg7 : memref<640xf32, #tpu.memory_space<vmem>>)
      tpu.yield
    }) : () -> ()
    %scan3A_26 = arith.constant 0 : i32
    %scan3A_27 = arith.constant 40 : i32
    %scan3A_28 = arith.addi %scan3A_26, %scan3A_27 : i32
    %scan3A_29 = arith.constant 1 : i32
    scf.for %scan3A_115 = %scan3A_26 to %scan3A_28 step %scan3A_29  : i32 {
      %mul3A_116 = arith.constant 1 : i32
      %mul3A_117 = arith.muli %scan3A_115, %mul3A_116 : i32
      %add3A_118 = arith.constant 0 : i32
      %add3A_119 = arith.addi %add3A_118, %mul3A_117 : i32
      %mul3A_120 = arith.constant 16 : i32
      %mul3A_121 = arith.muli %add3A_119, %mul3A_120 : i32
      %get3A = arith.index_cast %mul3A_121 : i32 to index
      %get3A_122 = tpu.vector_load %arg6[%get3A] {strides = array<i32>} : memref<640xf32, #tpu.memory_space<vmem>>, vector<16xf32>,
      %get3A_123 = arith.index_cast %mul3A_121 : i32 to index
      %get3A_124 = tpu.vector_load %arg7[%get3A_123] {strides = array<i32>} : memref<640xf32, #tpu.memory_space<vmem>>, vector<16xf32>,
      %add3A_125 = arith.addf %get3A_122, %get3A_124 : vector<16xf32>
      %swap3A = arith.index_cast %mul3A_121 : i32 to index
      %swap3A_126 = tpu.vector_load %arg6[%swap3A] {strides = array<i32>} : memref<640xf32, #tpu.memory_space<vmem>>, vector<16xf32>,
      tpu.vector_store %arg6[%swap3A], %add3A_125 {strides = array<i32>} : memref<640xf32, #tpu.memory_space<vmem>>, vector<16xf32>,
    }
    %scan3A_30 = arith.constant 40 : i32
    %run_scoped3A_31 = arith.constant 2 : i32
    "tpu.region"() ({
      %run_scoped3A_115 = tpu.sem_alloc : memref<!tpu.dma_semaphore, #tpu.memory_space<semaphore_mem>>
      %dma_start3A = tpu.memref_slice %arg8[%run_scoped3A_31, %mul3A_14] : memref<16x10240xf32, #tpu.memory_space<vmem_shared>> -> memref<1x640xf32, #tpu.memory_space<vmem_shared>>
      %dma_start3A_116 = tpu.memref_squeeze %dma_start3A : memref<1x640xf32, #tpu.memory_space<vmem_shared>> -> memref<640xf32, #tpu.memory_space<vmem_shared>>
      %dma_start3A_117 = tpu.memref_slice %arg8[%run_scoped3A_31, %mul3A_14] : memref<16x10240xf32, #tpu.memory_space<vmem_shared>> -> memref<1x640xf32, #tpu.memory_space<vmem_shared>>
      %dma_start3A_118 = tpu.memref_squeeze %dma_start3A_117 : memref<1x640xf32, #tpu.memory_space<vmem_shared>> -> memref<640xf32, #tpu.memory_space<vmem_shared>>
      tpu.enqueue_dma source(%dma_start3A_118 : memref<640xf32, #tpu.memory_space<vmem_shared>>) target(%arg7 : memref<640xf32, #tpu.memory_space<vmem>>) target_semaphore(%run_scoped3A_115 : memref<!tpu.dma_semaphore, #tpu.memory_space<semaphore_mem>>)
      %dma_wait3A = tpu.memref_slice %arg8[%run_scoped3A_31, %mul3A_14] : memref<16x10240xf32, #tpu.memory_space<vmem_shared>> -> memref<1x640xf32, #tpu.memory_space<vmem_shared>>
      %dma_wait3A_119 = tpu.memref_squeeze %dma_wait3A : memref<1x640xf32, #tpu.memory_space<vmem_shared>> -> memref<640xf32, #tpu.memory_space<vmem_shared>>
      %dma_wait3A_120 = tpu.memref_slice %arg8[%run_scoped3A_31, %mul3A_14] : memref<16x10240xf32, #tpu.memory_space<vmem_shared>> -> memref<1x640xf32, #tpu.memory_space<vmem_shared>>
      %dma_wait3A_121 = tpu.memref_squeeze %dma_wait3A_120 : memref<1x640xf32, #tpu.memory_space<vmem_shared>> -> memref<640xf32, #tpu.memory_space<vmem_shared>>
      tpu.wait_dma2 semaphore(%run_scoped3A_115 : memref<!tpu.dma_semaphore, #tpu.memory_space<semaphore_mem>>) src(%dma_wait3A_121 : memref<640xf32, #tpu.memory_space<vmem_shared>>) dst(%arg7 : memref<640xf32, #tpu.memory_space<vmem>>)
      tpu.yield
    }) : () -> ()
    %scan3A_32 = arith.constant 0 : i32
    %scan3A_33 = arith.constant 40 : i32
    %scan3A_34 = arith.addi %scan3A_32, %scan3A_33 : i32
    %scan3A_35 = arith.constant 1 : i32
    scf.for %scan3A_115 = %scan3A_32 to %scan3A_34 step %scan3A_35  : i32 {
      %mul3A_116 = arith.constant 1 : i32
      %mul3A_117 = arith.muli %scan3A_115, %mul3A_116 : i32
      %add3A_118 = arith.constant 0 : i32
      %add3A_119 = arith.addi %add3A_118, %mul3A_117 : i32
      %mul3A_120 = arith.constant 16 : i32
      %mul3A_121 = arith.muli %add3A_119, %mul3A_120 : i32
      %get3A = arith.index_cast %mul3A_121 : i32 to index
      %get3A_122 = tpu.vector_load %arg6[%get3A] {strides = array<i32>} : memref<640xf32, #tpu.memory_space<vmem>>, vector<16xf32>,
      %get3A_123 = arith.index_cast %mul3A_121 : i32 to index
      %get3A_124 = tpu.vector_load %arg7[%get3A_123] {strides = array<i32>} : memref<640xf32, #tpu.memory_space<vmem>>, vector<16xf32>,
      %add3A_125 = arith.addf %get3A_122, %get3A_124 : vector<16xf32>
      %swap3A = arith.index_cast %mul3A_121 : i32 to index
      %swap3A_126 = tpu.vector_load %arg6[%swap3A] {strides = array<i32>} : memref<640xf32, #tpu.memory_space<vmem>>, vector<16xf32>,
      tpu.vector_store %arg6[%swap3A], %add3A_125 {strides = array<i32>} : memref<640xf32, #tpu.memory_space<vmem>>, vector<16xf32>,
    }
    %scan3A_36 = arith.constant 40 : i32
    %run_scoped3A_37 = arith.constant 3 : i32
    "tpu.region"() ({
      %run_scoped3A_115 = tpu.sem_alloc : memref<!tpu.dma_semaphore, #tpu.memory_space<semaphore_mem>>
      %dma_start3A = tpu.memref_slice %arg8[%run_scoped3A_37, %mul3A_14] : memref<16x10240xf32, #tpu.memory_space<vmem_shared>> -> memref<1x640xf32, #tpu.memory_space<vmem_shared>>
      %dma_start3A_116 = tpu.memref_squeeze %dma_start3A : memref<1x640xf32, #tpu.memory_space<vmem_shared>> -> memref<640xf32, #tpu.memory_space<vmem_shared>>
      %dma_start3A_117 = tpu.memref_slice %arg8[%run_scoped3A_37, %mul3A_14] : memref<16x10240xf32, #tpu.memory_space<vmem_shared>> -> memref<1x640xf32, #tpu.memory_space<vmem_shared>>
      %dma_start3A_118 = tpu.memref_squeeze %dma_start3A_117 : memref<1x640xf32, #tpu.memory_space<vmem_shared>> -> memref<640xf32, #tpu.memory_space<vmem_shared>>
      tpu.enqueue_dma source(%dma_start3A_118 : memref<640xf32, #tpu.memory_space<vmem_shared>>) target(%arg7 : memref<640xf32, #tpu.memory_space<vmem>>) target_semaphore(%run_scoped3A_115 : memref<!tpu.dma_semaphore, #tpu.memory_space<semaphore_mem>>)
      %dma_wait3A = tpu.memref_slice %arg8[%run_scoped3A_37, %mul3A_14] : memref<16x10240xf32, #tpu.memory_space<vmem_shared>> -> memref<1x640xf32, #tpu.memory_space<vmem_shared>>
      %dma_wait3A_119 = tpu.memref_squeeze %dma_wait3A : memref<1x640xf32, #tpu.memory_space<vmem_shared>> -> memref<640xf32, #tpu.memory_space<vmem_shared>>
      %dma_wait3A_120 = tpu.memref_slice %arg8[%run_scoped3A_37, %mul3A_14] : memref<16x10240xf32, #tpu.memory_space<vmem_shared>> -> memref<1x640xf32, #tpu.memory_space<vmem_shared>>
      %dma_wait3A_121 = tpu.memref_squeeze %dma_wait3A_120 : memref<1x640xf32, #tpu.memory_space<vmem_shared>> -> memref<640xf32, #tpu.memory_space<vmem_shared>>
      tpu.wait_dma2 semaphore(%run_scoped3A_115 : memref<!tpu.dma_semaphore, #tpu.memory_space<semaphore_mem>>) src(%dma_wait3A_121 : memref<640xf32, #tpu.memory_space<vmem_shared>>) dst(%arg7 : memref<640xf32, #tpu.memory_space<vmem>>)
      tpu.yield
    }) : () -> ()
    %scan3A_38 = arith.constant 0 : i32
    %scan3A_39 = arith.constant 40 : i32
    %scan3A_40 = arith.addi %scan3A_38, %scan3A_39 : i32
    %scan3A_41 = arith.constant 1 : i32
    scf.for %scan3A_115 = %scan3A_38 to %scan3A_40 step %scan3A_41  : i32 {
      %mul3A_116 = arith.constant 1 : i32
      %mul3A_117 = arith.muli %scan3A_115, %mul3A_116 : i32
      %add3A_118 = arith.constant 0 : i32
      %add3A_119 = arith.addi %add3A_118, %mul3A_117 : i32
      %mul3A_120 = arith.constant 16 : i32
      %mul3A_121 = arith.muli %add3A_119, %mul3A_120 : i32
      %get3A = arith.index_cast %mul3A_121 : i32 to index
      %get3A_122 = tpu.vector_load %arg6[%get3A] {strides = array<i32>} : memref<640xf32, #tpu.memory_space<vmem>>, vector<16xf32>,
      %get3A_123 = arith.index_cast %mul3A_121 : i32 to index
      %get3A_124 = tpu.vector_load %arg7[%get3A_123] {strides = array<i32>} : memref<640xf32, #tpu.memory_space<vmem>>, vector<16xf32>,
      %add3A_125 = arith.addf %get3A_122, %get3A_124 : vector<16xf32>
      %swap3A = arith.index_cast %mul3A_121 : i32 to index
      %swap3A_126 = tpu.vector_load %arg6[%swap3A] {strides = array<i32>} : memref<640xf32, #tpu.memory_space<vmem>>, vector<16xf32>,
      tpu.vector_store %arg6[%swap3A], %add3A_125 {strides = array<i32>} : memref<640xf32, #tpu.memory_space<vmem>>, vector<16xf32>,
    }
    %scan3A_42 = arith.constant 40 : i32
    %run_scoped3A_43 = arith.constant 4 : i32
    "tpu.region"() ({
      %run_scoped3A_115 = tpu.sem_alloc : memref<!tpu.dma_semaphore, #tpu.memory_space<semaphore_mem>>
      %dma_start3A = tpu.memref_slice %arg8[%run_scoped3A_43, %mul3A_14] : memref<16x10240xf32, #tpu.memory_space<vmem_shared>> -> memref<1x640xf32, #tpu.memory_space<vmem_shared>>
      %dma_start3A_116 = tpu.memref_squeeze %dma_start3A : memref<1x640xf32, #tpu.memory_space<vmem_shared>> -> memref<640xf32, #tpu.memory_space<vmem_shared>>
      %dma_start3A_117 = tpu.memref_slice %arg8[%run_scoped3A_43, %mul3A_14] : memref<16x10240xf32, #tpu.memory_space<vmem_shared>> -> memref<1x640xf32, #tpu.memory_space<vmem_shared>>
      %dma_start3A_118 = tpu.memref_squeeze %dma_start3A_117 : memref<1x640xf32, #tpu.memory_space<vmem_shared>> -> memref<640xf32, #tpu.memory_space<vmem_shared>>
      tpu.enqueue_dma source(%dma_start3A_118 : memref<640xf32, #tpu.memory_space<vmem_shared>>) target(%arg7 : memref<640xf32, #tpu.memory_space<vmem>>) target_semaphore(%run_scoped3A_115 : memref<!tpu.dma_semaphore, #tpu.memory_space<semaphore_mem>>)
      %dma_wait3A = tpu.memref_slice %arg8[%run_scoped3A_43, %mul3A_14] : memref<16x10240xf32, #tpu.memory_space<vmem_shared>> -> memref<1x640xf32, #tpu.memory_space<vmem_shared>>
      %dma_wait3A_119 = tpu.memref_squeeze %dma_wait3A : memref<1x640xf32, #tpu.memory_space<vmem_shared>> -> memref<640xf32, #tpu.memory_space<vmem_shared>>
      %dma_wait3A_120 = tpu.memref_slice %arg8[%run_scoped3A_43, %mul3A_14] : memref<16x10240xf32, #tpu.memory_space<vmem_shared>> -> memref<1x640xf32, #tpu.memory_space<vmem_shared>>
      %dma_wait3A_121 = tpu.memref_squeeze %dma_wait3A_120 : memref<1x640xf32, #tpu.memory_space<vmem_shared>> -> memref<640xf32, #tpu.memory_space<vmem_shared>>
      tpu.wait_dma2 semaphore(%run_scoped3A_115 : memref<!tpu.dma_semaphore, #tpu.memory_space<semaphore_mem>>) src(%dma_wait3A_121 : memref<640xf32, #tpu.memory_space<vmem_shared>>) dst(%arg7 : memref<640xf32, #tpu.memory_space<vmem>>)
      tpu.yield
    }) : () -> ()
    %scan3A_44 = arith.constant 0 : i32
    %scan3A_45 = arith.constant 40 : i32
    %scan3A_46 = arith.addi %scan3A_44, %scan3A_45 : i32
    %scan3A_47 = arith.constant 1 : i32
    scf.for %scan3A_115 = %scan3A_44 to %scan3A_46 step %scan3A_47  : i32 {
      %mul3A_116 = arith.constant 1 : i32
      %mul3A_117 = arith.muli %scan3A_115, %mul3A_116 : i32
      %add3A_118 = arith.constant 0 : i32
      %add3A_119 = arith.addi %add3A_118, %mul3A_117 : i32
      %mul3A_120 = arith.constant 16 : i32
      %mul3A_121 = arith.muli %add3A_119, %mul3A_120 : i32
      %get3A = arith.index_cast %mul3A_121 : i32 to index
      %get3A_122 = tpu.vector_load %arg6[%get3A] {strides = array<i32>} : memref<640xf32, #tpu.memory_space<vmem>>, vector<16xf32>,
      %get3A_123 = arith.index_cast %mul3A_121 : i32 to index
      %get3A_124 = tpu.vector_load %arg7[%get3A_123] {strides = array<i32>} : memref<640xf32, #tpu.memory_space<vmem>>, vector<16xf32>,
      %add3A_125 = arith.addf %get3A_122, %get3A_124 : vector<16xf32>
      %swap3A = arith.index_cast %mul3A_121 : i32 to index
      %swap3A_126 = tpu.vector_load %arg6[%swap3A] {strides = array<i32>} : memref<640xf32, #tpu.memory_space<vmem>>, vector<16xf32>,
      tpu.vector_store %arg6[%swap3A], %add3A_125 {strides = array<i32>} : memref<640xf32, #tpu.memory_space<vmem>>, vector<16xf32>,
    }
    %scan3A_48 = arith.constant 40 : i32
    %run_scoped3A_49 = arith.constant 5 : i32
    "tpu.region"() ({
      %run_scoped3A_115 = tpu.sem_alloc : memref<!tpu.dma_semaphore, #tpu.memory_space<semaphore_mem>>
      %dma_start3A = tpu.memref_slice %arg8[%run_scoped3A_49, %mul3A_14] : memref<16x10240xf32, #tpu.memory_space<vmem_shared>> -> memref<1x640xf32, #tpu.memory_space<vmem_shared>>
      %dma_start3A_116 = tpu.memref_squeeze %dma_start3A : memref<1x640xf32, #tpu.memory_space<vmem_shared>> -> memref<640xf32, #tpu.memory_space<vmem_shared>>
      %dma_start3A_117 = tpu.memref_slice %arg8[%run_scoped3A_49, %mul3A_14] : memref<16x10240xf32, #tpu.memory_space<vmem_shared>> -> memref<1x640xf32, #tpu.memory_space<vmem_shared>>
      %dma_start3A_118 = tpu.memref_squeeze %dma_start3A_117 : memref<1x640xf32, #tpu.memory_space<vmem_shared>> -> memref<640xf32, #tpu.memory_space<vmem_shared>>
      tpu.enqueue_dma source(%dma_start3A_118 : memref<640xf32, #tpu.memory_space<vmem_shared>>) target(%arg7 : memref<640xf32, #tpu.memory_space<vmem>>) target_semaphore(%run_scoped3A_115 : memref<!tpu.dma_semaphore, #tpu.memory_space<semaphore_mem>>)
      %dma_wait3A = tpu.memref_slice %arg8[%run_scoped3A_49, %mul3A_14] : memref<16x10240xf32, #tpu.memory_space<vmem_shared>> -> memref<1x640xf32, #tpu.memory_space<vmem_shared>>
      %dma_wait3A_119 = tpu.memref_squeeze %dma_wait3A : memref<1x640xf32, #tpu.memory_space<vmem_shared>> -> memref<640xf32, #tpu.memory_space<vmem_shared>>
      %dma_wait3A_120 = tpu.memref_slice %arg8[%run_scoped3A_49, %mul3A_14] : memref<16x10240xf32, #tpu.memory_space<vmem_shared>> -> memref<1x640xf32, #tpu.memory_space<vmem_shared>>
      %dma_wait3A_121 = tpu.memref_squeeze %dma_wait3A_120 : memref<1x640xf32, #tpu.memory_space<vmem_shared>> -> memref<640xf32, #tpu.memory_space<vmem_shared>>
      tpu.wait_dma2 semaphore(%run_scoped3A_115 : memref<!tpu.dma_semaphore, #tpu.memory_space<semaphore_mem>>) src(%dma_wait3A_121 : memref<640xf32, #tpu.memory_space<vmem_shared>>) dst(%arg7 : memref<640xf32, #tpu.memory_space<vmem>>)
      tpu.yield
    }) : () -> ()
    %scan3A_50 = arith.constant 0 : i32
    %scan3A_51 = arith.constant 40 : i32
    %scan3A_52 = arith.addi %scan3A_50, %scan3A_51 : i32
    %scan3A_53 = arith.constant 1 : i32
    scf.for %scan3A_115 = %scan3A_50 to %scan3A_52 step %scan3A_53  : i32 {
      %mul3A_116 = arith.constant 1 : i32
      %mul3A_117 = arith.muli %scan3A_115, %mul3A_116 : i32
      %add3A_118 = arith.constant 0 : i32
      %add3A_119 = arith.addi %add3A_118, %mul3A_117 : i32
      %mul3A_120 = arith.constant 16 : i32
      %mul3A_121 = arith.muli %add3A_119, %mul3A_120 : i32
      %get3A = arith.index_cast %mul3A_121 : i32 to index
      %get3A_122 = tpu.vector_load %arg6[%get3A] {strides = array<i32>} : memref<640xf32, #tpu.memory_space<vmem>>, vector<16xf32>,
      %get3A_123 = arith.index_cast %mul3A_121 : i32 to index
      %get3A_124 = tpu.vector_load %arg7[%get3A_123] {strides = array<i32>} : memref<640xf32, #tpu.memory_space<vmem>>, vector<16xf32>,
      %add3A_125 = arith.addf %get3A_122, %get3A_124 : vector<16xf32>
      %swap3A = arith.index_cast %mul3A_121 : i32 to index
      %swap3A_126 = tpu.vector_load %arg6[%swap3A] {strides = array<i32>} : memref<640xf32, #tpu.memory_space<vmem>>, vector<16xf32>,
      tpu.vector_store %arg6[%swap3A], %add3A_125 {strides = array<i32>} : memref<640xf32, #tpu.memory_space<vmem>>, vector<16xf32>,
    }
    %scan3A_54 = arith.constant 40 : i32
    %run_scoped3A_55 = arith.constant 6 : i32
    "tpu.region"() ({
      %run_scoped3A_115 = tpu.sem_alloc : memref<!tpu.dma_semaphore, #tpu.memory_space<semaphore_mem>>
      %dma_start3A = tpu.memref_slice %arg8[%run_scoped3A_55, %mul3A_14] : memref<16x10240xf32, #tpu.memory_space<vmem_shared>> -> memref<1x640xf32, #tpu.memory_space<vmem_shared>>
      %dma_start3A_116 = tpu.memref_squeeze %dma_start3A : memref<1x640xf32, #tpu.memory_space<vmem_shared>> -> memref<640xf32, #tpu.memory_space<vmem_shared>>
      %dma_start3A_117 = tpu.memref_slice %arg8[%run_scoped3A_55, %mul3A_14] : memref<16x10240xf32, #tpu.memory_space<vmem_shared>> -> memref<1x640xf32, #tpu.memory_space<vmem_shared>>
      %dma_start3A_118 = tpu.memref_squeeze %dma_start3A_117 : memref<1x640xf32, #tpu.memory_space<vmem_shared>> -> memref<640xf32, #tpu.memory_space<vmem_shared>>
      tpu.enqueue_dma source(%dma_start3A_118 : memref<640xf32, #tpu.memory_space<vmem_shared>>) target(%arg7 : memref<640xf32, #tpu.memory_space<vmem>>) target_semaphore(%run_scoped3A_115 : memref<!tpu.dma_semaphore, #tpu.memory_space<semaphore_mem>>)
      %dma_wait3A = tpu.memref_slice %arg8[%run_scoped3A_55, %mul3A_14] : memref<16x10240xf32, #tpu.memory_space<vmem_shared>> -> memref<1x640xf32, #tpu.memory_space<vmem_shared>>
      %dma_wait3A_119 = tpu.memref_squeeze %dma_wait3A : memref<1x640xf32, #tpu.memory_space<vmem_shared>> -> memref<640xf32, #tpu.memory_space<vmem_shared>>
      %dma_wait3A_120 = tpu.memref_slice %arg8[%run_scoped3A_55, %mul3A_14] : memref<16x10240xf32, #tpu.memory_space<vmem_shared>> -> memref<1x640xf32, #tpu.memory_space<vmem_shared>>
      %dma_wait3A_121 = tpu.memref_squeeze %dma_wait3A_120 : memref<1x640xf32, #tpu.memory_space<vmem_shared>> -> memref<640xf32, #tpu.memory_space<vmem_shared>>
      tpu.wait_dma2 semaphore(%run_scoped3A_115 : memref<!tpu.dma_semaphore, #tpu.memory_space<semaphore_mem>>) src(%dma_wait3A_121 : memref<640xf32, #tpu.memory_space<vmem_shared>>) dst(%arg7 : memref<640xf32, #tpu.memory_space<vmem>>)
      tpu.yield
    }) : () -> ()
    %scan3A_56 = arith.constant 0 : i32
    %scan3A_57 = arith.constant 40 : i32
    %scan3A_58 = arith.addi %scan3A_56, %scan3A_57 : i32
    %scan3A_59 = arith.constant 1 : i32
    scf.for %scan3A_115 = %scan3A_56 to %scan3A_58 step %scan3A_59  : i32 {
      %mul3A_116 = arith.constant 1 : i32
      %mul3A_117 = arith.muli %scan3A_115, %mul3A_116 : i32
      %add3A_118 = arith.constant 0 : i32
      %add3A_119 = arith.addi %add3A_118, %mul3A_117 : i32
      %mul3A_120 = arith.constant 16 : i32
      %mul3A_121 = arith.muli %add3A_119, %mul3A_120 : i32
      %get3A = arith.index_cast %mul3A_121 : i32 to index
      %get3A_122 = tpu.vector_load %arg6[%get3A] {strides = array<i32>} : memref<640xf32, #tpu.memory_space<vmem>>, vector<16xf32>,
      %get3A_123 = arith.index_cast %mul3A_121 : i32 to index
      %get3A_124 = tpu.vector_load %arg7[%get3A_123] {strides = array<i32>} : memref<640xf32, #tpu.memory_space<vmem>>, vector<16xf32>,
      %add3A_125 = arith.addf %get3A_122, %get3A_124 : vector<16xf32>
      %swap3A = arith.index_cast %mul3A_121 : i32 to index
      %swap3A_126 = tpu.vector_load %arg6[%swap3A] {strides = array<i32>} : memref<640xf32, #tpu.memory_space<vmem>>, vector<16xf32>,
      tpu.vector_store %arg6[%swap3A], %add3A_125 {strides = array<i32>} : memref<640xf32, #tpu.memory_space<vmem>>, vector<16xf32>,
    }
    %scan3A_60 = arith.constant 40 : i32
    %run_scoped3A_61 = arith.constant 7 : i32
    "tpu.region"() ({
      %run_scoped3A_115 = tpu.sem_alloc : memref<!tpu.dma_semaphore, #tpu.memory_space<semaphore_mem>>
      %dma_start3A = tpu.memref_slice %arg8[%run_scoped3A_61, %mul3A_14] : memref<16x10240xf32, #tpu.memory_space<vmem_shared>> -> memref<1x640xf32, #tpu.memory_space<vmem_shared>>
      %dma_start3A_116 = tpu.memref_squeeze %dma_start3A : memref<1x640xf32, #tpu.memory_space<vmem_shared>> -> memref<640xf32, #tpu.memory_space<vmem_shared>>
      %dma_start3A_117 = tpu.memref_slice %arg8[%run_scoped3A_61, %mul3A_14] : memref<16x10240xf32, #tpu.memory_space<vmem_shared>> -> memref<1x640xf32, #tpu.memory_space<vmem_shared>>
      %dma_start3A_118 = tpu.memref_squeeze %dma_start3A_117 : memref<1x640xf32, #tpu.memory_space<vmem_shared>> -> memref<640xf32, #tpu.memory_space<vmem_shared>>
      tpu.enqueue_dma source(%dma_start3A_118 : memref<640xf32, #tpu.memory_space<vmem_shared>>) target(%arg7 : memref<640xf32, #tpu.memory_space<vmem>>) target_semaphore(%run_scoped3A_115 : memref<!tpu.dma_semaphore, #tpu.memory_space<semaphore_mem>>)
      %dma_wait3A = tpu.memref_slice %arg8[%run_scoped3A_61, %mul3A_14] : memref<16x10240xf32, #tpu.memory_space<vmem_shared>> -> memref<1x640xf32, #tpu.memory_space<vmem_shared>>
      %dma_wait3A_119 = tpu.memref_squeeze %dma_wait3A : memref<1x640xf32, #tpu.memory_space<vmem_shared>> -> memref<640xf32, #tpu.memory_space<vmem_shared>>
      %dma_wait3A_120 = tpu.memref_slice %arg8[%run_scoped3A_61, %mul3A_14] : memref<16x10240xf32, #tpu.memory_space<vmem_shared>> -> memref<1x640xf32, #tpu.memory_space<vmem_shared>>
      %dma_wait3A_121 = tpu.memref_squeeze %dma_wait3A_120 : memref<1x640xf32, #tpu.memory_space<vmem_shared>> -> memref<640xf32, #tpu.memory_space<vmem_shared>>
      tpu.wait_dma2 semaphore(%run_scoped3A_115 : memref<!tpu.dma_semaphore, #tpu.memory_space<semaphore_mem>>) src(%dma_wait3A_121 : memref<640xf32, #tpu.memory_space<vmem_shared>>) dst(%arg7 : memref<640xf32, #tpu.memory_space<vmem>>)
      tpu.yield
    }) : () -> ()
    %scan3A_62 = arith.constant 0 : i32
    %scan3A_63 = arith.constant 40 : i32
    %scan3A_64 = arith.addi %scan3A_62, %scan3A_63 : i32
    %scan3A_65 = arith.constant 1 : i32
    scf.for %scan3A_115 = %scan3A_62 to %scan3A_64 step %scan3A_65  : i32 {
      %mul3A_116 = arith.constant 1 : i32
      %mul3A_117 = arith.muli %scan3A_115, %mul3A_116 : i32
      %add3A_118 = arith.constant 0 : i32
      %add3A_119 = arith.addi %add3A_118, %mul3A_117 : i32
      %mul3A_120 = arith.constant 16 : i32
      %mul3A_121 = arith.muli %add3A_119, %mul3A_120 : i32
      %get3A = arith.index_cast %mul3A_121 : i32 to index
      %get3A_122 = tpu.vector_load %arg6[%get3A] {strides = array<i32>} : memref<640xf32, #tpu.memory_space<vmem>>, vector<16xf32>,
      %get3A_123 = arith.index_cast %mul3A_121 : i32 to index
      %get3A_124 = tpu.vector_load %arg7[%get3A_123] {strides = array<i32>} : memref<640xf32, #tpu.memory_space<vmem>>, vector<16xf32>,
      %add3A_125 = arith.addf %get3A_122, %get3A_124 : vector<16xf32>
      %swap3A = arith.index_cast %mul3A_121 : i32 to index
      %swap3A_126 = tpu.vector_load %arg6[%swap3A] {strides = array<i32>} : memref<640xf32, #tpu.memory_space<vmem>>, vector<16xf32>,
      tpu.vector_store %arg6[%swap3A], %add3A_125 {strides = array<i32>} : memref<640xf32, #tpu.memory_space<vmem>>, vector<16xf32>,
    }
    %scan3A_66 = arith.constant 40 : i32
    %run_scoped3A_67 = arith.constant 8 : i32
    "tpu.region"() ({
      %run_scoped3A_115 = tpu.sem_alloc : memref<!tpu.dma_semaphore, #tpu.memory_space<semaphore_mem>>
      %dma_start3A = tpu.memref_slice %arg8[%run_scoped3A_67, %mul3A_14] : memref<16x10240xf32, #tpu.memory_space<vmem_shared>> -> memref<1x640xf32, #tpu.memory_space<vmem_shared>>
      %dma_start3A_116 = tpu.memref_squeeze %dma_start3A : memref<1x640xf32, #tpu.memory_space<vmem_shared>> -> memref<640xf32, #tpu.memory_space<vmem_shared>>
      %dma_start3A_117 = tpu.memref_slice %arg8[%run_scoped3A_67, %mul3A_14] : memref<16x10240xf32, #tpu.memory_space<vmem_shared>> -> memref<1x640xf32, #tpu.memory_space<vmem_shared>>
      %dma_start3A_118 = tpu.memref_squeeze %dma_start3A_117 : memref<1x640xf32, #tpu.memory_space<vmem_shared>> -> memref<640xf32, #tpu.memory_space<vmem_shared>>
      tpu.enqueue_dma source(%dma_start3A_118 : memref<640xf32, #tpu.memory_space<vmem_shared>>) target(%arg7 : memref<640xf32, #tpu.memory_space<vmem>>) target_semaphore(%run_scoped3A_115 : memref<!tpu.dma_semaphore, #tpu.memory_space<semaphore_mem>>)
      %dma_wait3A = tpu.memref_slice %arg8[%run_scoped3A_67, %mul3A_14] : memref<16x10240xf32, #tpu.memory_space<vmem_shared>> -> memref<1x640xf32, #tpu.memory_space<vmem_shared>>
      %dma_wait3A_119 = tpu.memref_squeeze %dma_wait3A : memref<1x640xf32, #tpu.memory_space<vmem_shared>> -> memref<640xf32, #tpu.memory_space<vmem_shared>>
      %dma_wait3A_120 = tpu.memref_slice %arg8[%run_scoped3A_67, %mul3A_14] : memref<16x10240xf32, #tpu.memory_space<vmem_shared>> -> memref<1x640xf32, #tpu.memory_space<vmem_shared>>
      %dma_wait3A_121 = tpu.memref_squeeze %dma_wait3A_120 : memref<1x640xf32, #tpu.memory_space<vmem_shared>> -> memref<640xf32, #tpu.memory_space<vmem_shared>>
      tpu.wait_dma2 semaphore(%run_scoped3A_115 : memref<!tpu.dma_semaphore, #tpu.memory_space<semaphore_mem>>) src(%dma_wait3A_121 : memref<640xf32, #tpu.memory_space<vmem_shared>>) dst(%arg7 : memref<640xf32, #tpu.memory_space<vmem>>)
      tpu.yield
    }) : () -> ()
    %scan3A_68 = arith.constant 0 : i32
    %scan3A_69 = arith.constant 40 : i32
    %scan3A_70 = arith.addi %scan3A_68, %scan3A_69 : i32
    %scan3A_71 = arith.constant 1 : i32
    scf.for %scan3A_115 = %scan3A_68 to %scan3A_70 step %scan3A_71  : i32 {
      %mul3A_116 = arith.constant 1 : i32
      %mul3A_117 = arith.muli %scan3A_115, %mul3A_116 : i32
      %add3A_118 = arith.constant 0 : i32
      %add3A_119 = arith.addi %add3A_118, %mul3A_117 : i32
      %mul3A_120 = arith.constant 16 : i32
      %mul3A_121 = arith.muli %add3A_119, %mul3A_120 : i32
      %get3A = arith.index_cast %mul3A_121 : i32 to index
      %get3A_122 = tpu.vector_load %arg6[%get3A] {strides = array<i32>} : memref<640xf32, #tpu.memory_space<vmem>>, vector<16xf32>,
      %get3A_123 = arith.index_cast %mul3A_121 : i32 to index
      %get3A_124 = tpu.vector_load %arg7[%get3A_123] {strides = array<i32>} : memref<640xf32, #tpu.memory_space<vmem>>, vector<16xf32>,
      %add3A_125 = arith.addf %get3A_122, %get3A_124 : vector<16xf32>
      %swap3A = arith.index_cast %mul3A_121 : i32 to index
      %swap3A_126 = tpu.vector_load %arg6[%swap3A] {strides = array<i32>} : memref<640xf32, #tpu.memory_space<vmem>>, vector<16xf32>,
      tpu.vector_store %arg6[%swap3A], %add3A_125 {strides = array<i32>} : memref<640xf32, #tpu.memory_space<vmem>>, vector<16xf32>,
    }
    %scan3A_72 = arith.constant 40 : i32
    %run_scoped3A_73 = arith.constant 9 : i32
    "tpu.region"() ({
      %run_scoped3A_115 = tpu.sem_alloc : memref<!tpu.dma_semaphore, #tpu.memory_space<semaphore_mem>>
      %dma_start3A = tpu.memref_slice %arg8[%run_scoped3A_73, %mul3A_14] : memref<16x10240xf32, #tpu.memory_space<vmem_shared>> -> memref<1x640xf32, #tpu.memory_space<vmem_shared>>
      %dma_start3A_116 = tpu.memref_squeeze %dma_start3A : memref<1x640xf32, #tpu.memory_space<vmem_shared>> -> memref<640xf32, #tpu.memory_space<vmem_shared>>
      %dma_start3A_117 = tpu.memref_slice %arg8[%run_scoped3A_73, %mul3A_14] : memref<16x10240xf32, #tpu.memory_space<vmem_shared>> -> memref<1x640xf32, #tpu.memory_space<vmem_shared>>
      %dma_start3A_118 = tpu.memref_squeeze %dma_start3A_117 : memref<1x640xf32, #tpu.memory_space<vmem_shared>> -> memref<640xf32, #tpu.memory_space<vmem_shared>>
      tpu.enqueue_dma source(%dma_start3A_118 : memref<640xf32, #tpu.memory_space<vmem_shared>>) target(%arg7 : memref<640xf32, #tpu.memory_space<vmem>>) target_semaphore(%run_scoped3A_115 : memref<!tpu.dma_semaphore, #tpu.memory_space<semaphore_mem>>)
      %dma_wait3A = tpu.memref_slice %arg8[%run_scoped3A_73, %mul3A_14] : memref<16x10240xf32, #tpu.memory_space<vmem_shared>> -> memref<1x640xf32, #tpu.memory_space<vmem_shared>>
      %dma_wait3A_119 = tpu.memref_squeeze %dma_wait3A : memref<1x640xf32, #tpu.memory_space<vmem_shared>> -> memref<640xf32, #tpu.memory_space<vmem_shared>>
      %dma_wait3A_120 = tpu.memref_slice %arg8[%run_scoped3A_73, %mul3A_14] : memref<16x10240xf32, #tpu.memory_space<vmem_shared>> -> memref<1x640xf32, #tpu.memory_space<vmem_shared>>
      %dma_wait3A_121 = tpu.memref_squeeze %dma_wait3A_120 : memref<1x640xf32, #tpu.memory_space<vmem_shared>> -> memref<640xf32, #tpu.memory_space<vmem_shared>>
      tpu.wait_dma2 semaphore(%run_scoped3A_115 : memref<!tpu.dma_semaphore, #tpu.memory_space<semaphore_mem>>) src(%dma_wait3A_121 : memref<640xf32, #tpu.memory_space<vmem_shared>>) dst(%arg7 : memref<640xf32, #tpu.memory_space<vmem>>)
      tpu.yield
    }) : () -> ()
    %scan3A_74 = arith.constant 0 : i32
    %scan3A_75 = arith.constant 40 : i32
    %scan3A_76 = arith.addi %scan3A_74, %scan3A_75 : i32
    %scan3A_77 = arith.constant 1 : i32
    scf.for %scan3A_115 = %scan3A_74 to %scan3A_76 step %scan3A_77  : i32 {
      %mul3A_116 = arith.constant 1 : i32
      %mul3A_117 = arith.muli %scan3A_115, %mul3A_116 : i32
      %add3A_118 = arith.constant 0 : i32
      %add3A_119 = arith.addi %add3A_118, %mul3A_117 : i32
      %mul3A_120 = arith.constant 16 : i32
      %mul3A_121 = arith.muli %add3A_119, %mul3A_120 : i32
      %get3A = arith.index_cast %mul3A_121 : i32 to index
      %get3A_122 = tpu.vector_load %arg6[%get3A] {strides = array<i32>} : memref<640xf32, #tpu.memory_space<vmem>>, vector<16xf32>,
      %get3A_123 = arith.index_cast %mul3A_121 : i32 to index
      %get3A_124 = tpu.vector_load %arg7[%get3A_123] {strides = array<i32>} : memref<640xf32, #tpu.memory_space<vmem>>, vector<16xf32>,
      %add3A_125 = arith.addf %get3A_122, %get3A_124 : vector<16xf32>
      %swap3A = arith.index_cast %mul3A_121 : i32 to index
      %swap3A_126 = tpu.vector_load %arg6[%swap3A] {strides = array<i32>} : memref<640xf32, #tpu.memory_space<vmem>>, vector<16xf32>,
      tpu.vector_store %arg6[%swap3A], %add3A_125 {strides = array<i32>} : memref<640xf32, #tpu.memory_space<vmem>>, vector<16xf32>,
    }
    %scan3A_78 = arith.constant 40 : i32
    %run_scoped3A_79 = arith.constant 10 : i32
    "tpu.region"() ({
      %run_scoped3A_115 = tpu.sem_alloc : memref<!tpu.dma_semaphore, #tpu.memory_space<semaphore_mem>>
      %dma_start3A = tpu.memref_slice %arg8[%run_scoped3A_79, %mul3A_14] : memref<16x10240xf32, #tpu.memory_space<vmem_shared>> -> memref<1x640xf32, #tpu.memory_space<vmem_shared>>
      %dma_start3A_116 = tpu.memref_squeeze %dma_start3A : memref<1x640xf32, #tpu.memory_space<vmem_shared>> -> memref<640xf32, #tpu.memory_space<vmem_shared>>
      %dma_start3A_117 = tpu.memref_slice %arg8[%run_scoped3A_79, %mul3A_14] : memref<16x10240xf32, #tpu.memory_space<vmem_shared>> -> memref<1x640xf32, #tpu.memory_space<vmem_shared>>
      %dma_start3A_118 = tpu.memref_squeeze %dma_start3A_117 : memref<1x640xf32, #tpu.memory_space<vmem_shared>> -> memref<640xf32, #tpu.memory_space<vmem_shared>>
      tpu.enqueue_dma source(%dma_start3A_118 : memref<640xf32, #tpu.memory_space<vmem_shared>>) target(%arg7 : memref<640xf32, #tpu.memory_space<vmem>>) target_semaphore(%run_scoped3A_115 : memref<!tpu.dma_semaphore, #tpu.memory_space<semaphore_mem>>)
      %dma_wait3A = tpu.memref_slice %arg8[%run_scoped3A_79, %mul3A_14] : memref<16x10240xf32, #tpu.memory_space<vmem_shared>> -> memref<1x640xf32, #tpu.memory_space<vmem_shared>>
      %dma_wait3A_119 = tpu.memref_squeeze %dma_wait3A : memref<1x640xf32, #tpu.memory_space<vmem_shared>> -> memref<640xf32, #tpu.memory_space<vmem_shared>>
      %dma_wait3A_120 = tpu.memref_slice %arg8[%run_scoped3A_79, %mul3A_14] : memref<16x10240xf32, #tpu.memory_space<vmem_shared>> -> memref<1x640xf32, #tpu.memory_space<vmem_shared>>
      %dma_wait3A_121 = tpu.memref_squeeze %dma_wait3A_120 : memref<1x640xf32, #tpu.memory_space<vmem_shared>> -> memref<640xf32, #tpu.memory_space<vmem_shared>>
      tpu.wait_dma2 semaphore(%run_scoped3A_115 : memref<!tpu.dma_semaphore, #tpu.memory_space<semaphore_mem>>) src(%dma_wait3A_121 : memref<640xf32, #tpu.memory_space<vmem_shared>>) dst(%arg7 : memref<640xf32, #tpu.memory_space<vmem>>)
      tpu.yield
    }) : () -> ()
    %scan3A_80 = arith.constant 0 : i32
    %scan3A_81 = arith.constant 40 : i32
    %scan3A_82 = arith.addi %scan3A_80, %scan3A_81 : i32
    %scan3A_83 = arith.constant 1 : i32
    scf.for %scan3A_115 = %scan3A_80 to %scan3A_82 step %scan3A_83  : i32 {
      %mul3A_116 = arith.constant 1 : i32
      %mul3A_117 = arith.muli %scan3A_115, %mul3A_116 : i32
      %add3A_118 = arith.constant 0 : i32
      %add3A_119 = arith.addi %add3A_118, %mul3A_117 : i32
      %mul3A_120 = arith.constant 16 : i32
      %mul3A_121 = arith.muli %add3A_119, %mul3A_120 : i32
      %get3A = arith.index_cast %mul3A_121 : i32 to index
      %get3A_122 = tpu.vector_load %arg6[%get3A] {strides = array<i32>} : memref<640xf32, #tpu.memory_space<vmem>>, vector<16xf32>,
      %get3A_123 = arith.index_cast %mul3A_121 : i32 to index
      %get3A_124 = tpu.vector_load %arg7[%get3A_123] {strides = array<i32>} : memref<640xf32, #tpu.memory_space<vmem>>, vector<16xf32>,
      %add3A_125 = arith.addf %get3A_122, %get3A_124 : vector<16xf32>
      %swap3A = arith.index_cast %mul3A_121 : i32 to index
      %swap3A_126 = tpu.vector_load %arg6[%swap3A] {strides = array<i32>} : memref<640xf32, #tpu.memory_space<vmem>>, vector<16xf32>,
      tpu.vector_store %arg6[%swap3A], %add3A_125 {strides = array<i32>} : memref<640xf32, #tpu.memory_space<vmem>>, vector<16xf32>,
    }
    %scan3A_84 = arith.constant 40 : i32
    %run_scoped3A_85 = arith.constant 11 : i32
    "tpu.region"() ({
      %run_scoped3A_115 = tpu.sem_alloc : memref<!tpu.dma_semaphore, #tpu.memory_space<semaphore_mem>>
      %dma_start3A = tpu.memref_slice %arg8[%run_scoped3A_85, %mul3A_14] : memref<16x10240xf32, #tpu.memory_space<vmem_shared>> -> memref<1x640xf32, #tpu.memory_space<vmem_shared>>
      %dma_start3A_116 = tpu.memref_squeeze %dma_start3A : memref<1x640xf32, #tpu.memory_space<vmem_shared>> -> memref<640xf32, #tpu.memory_space<vmem_shared>>
      %dma_start3A_117 = tpu.memref_slice %arg8[%run_scoped3A_85, %mul3A_14] : memref<16x10240xf32, #tpu.memory_space<vmem_shared>> -> memref<1x640xf32, #tpu.memory_space<vmem_shared>>
      %dma_start3A_118 = tpu.memref_squeeze %dma_start3A_117 : memref<1x640xf32, #tpu.memory_space<vmem_shared>> -> memref<640xf32, #tpu.memory_space<vmem_shared>>
      tpu.enqueue_dma source(%dma_start3A_118 : memref<640xf32, #tpu.memory_space<vmem_shared>>) target(%arg7 : memref<640xf32, #tpu.memory_space<vmem>>) target_semaphore(%run_scoped3A_115 : memref<!tpu.dma_semaphore, #tpu.memory_space<semaphore_mem>>)
      %dma_wait3A = tpu.memref_slice %arg8[%run_scoped3A_85, %mul3A_14] : memref<16x10240xf32, #tpu.memory_space<vmem_shared>> -> memref<1x640xf32, #tpu.memory_space<vmem_shared>>
      %dma_wait3A_119 = tpu.memref_squeeze %dma_wait3A : memref<1x640xf32, #tpu.memory_space<vmem_shared>> -> memref<640xf32, #tpu.memory_space<vmem_shared>>
      %dma_wait3A_120 = tpu.memref_slice %arg8[%run_scoped3A_85, %mul3A_14] : memref<16x10240xf32, #tpu.memory_space<vmem_shared>> -> memref<1x640xf32, #tpu.memory_space<vmem_shared>>
      %dma_wait3A_121 = tpu.memref_squeeze %dma_wait3A_120 : memref<1x640xf32, #tpu.memory_space<vmem_shared>> -> memref<640xf32, #tpu.memory_space<vmem_shared>>
      tpu.wait_dma2 semaphore(%run_scoped3A_115 : memref<!tpu.dma_semaphore, #tpu.memory_space<semaphore_mem>>) src(%dma_wait3A_121 : memref<640xf32, #tpu.memory_space<vmem_shared>>) dst(%arg7 : memref<640xf32, #tpu.memory_space<vmem>>)
      tpu.yield
    }) : () -> ()
    %scan3A_86 = arith.constant 0 : i32
    %scan3A_87 = arith.constant 40 : i32
    %scan3A_88 = arith.addi %scan3A_86, %scan3A_87 : i32
    %scan3A_89 = arith.constant 1 : i32
    scf.for %scan3A_115 = %scan3A_86 to %scan3A_88 step %scan3A_89  : i32 {
      %mul3A_116 = arith.constant 1 : i32
      %mul3A_117 = arith.muli %scan3A_115, %mul3A_116 : i32
      %add3A_118 = arith.constant 0 : i32
      %add3A_119 = arith.addi %add3A_118, %mul3A_117 : i32
      %mul3A_120 = arith.constant 16 : i32
      %mul3A_121 = arith.muli %add3A_119, %mul3A_120 : i32
      %get3A = arith.index_cast %mul3A_121 : i32 to index
      %get3A_122 = tpu.vector_load %arg6[%get3A] {strides = array<i32>} : memref<640xf32, #tpu.memory_space<vmem>>, vector<16xf32>,
      %get3A_123 = arith.index_cast %mul3A_121 : i32 to index
      %get3A_124 = tpu.vector_load %arg7[%get3A_123] {strides = array<i32>} : memref<640xf32, #tpu.memory_space<vmem>>, vector<16xf32>,
      %add3A_125 = arith.addf %get3A_122, %get3A_124 : vector<16xf32>
      %swap3A = arith.index_cast %mul3A_121 : i32 to index
      %swap3A_126 = tpu.vector_load %arg6[%swap3A] {strides = array<i32>} : memref<640xf32, #tpu.memory_space<vmem>>, vector<16xf32>,
      tpu.vector_store %arg6[%swap3A], %add3A_125 {strides = array<i32>} : memref<640xf32, #tpu.memory_space<vmem>>, vector<16xf32>,
    }
    %scan3A_90 = arith.constant 40 : i32
    %run_scoped3A_91 = arith.constant 12 : i32
    "tpu.region"() ({
      %run_scoped3A_115 = tpu.sem_alloc : memref<!tpu.dma_semaphore, #tpu.memory_space<semaphore_mem>>
      %dma_start3A = tpu.memref_slice %arg8[%run_scoped3A_91, %mul3A_14] : memref<16x10240xf32, #tpu.memory_space<vmem_shared>> -> memref<1x640xf32, #tpu.memory_space<vmem_shared>>
      %dma_start3A_116 = tpu.memref_squeeze %dma_start3A : memref<1x640xf32, #tpu.memory_space<vmem_shared>> -> memref<640xf32, #tpu.memory_space<vmem_shared>>
      %dma_start3A_117 = tpu.memref_slice %arg8[%run_scoped3A_91, %mul3A_14] : memref<16x10240xf32, #tpu.memory_space<vmem_shared>> -> memref<1x640xf32, #tpu.memory_space<vmem_shared>>
      %dma_start3A_118 = tpu.memref_squeeze %dma_start3A_117 : memref<1x640xf32, #tpu.memory_space<vmem_shared>> -> memref<640xf32, #tpu.memory_space<vmem_shared>>
      tpu.enqueue_dma source(%dma_start3A_118 : memref<640xf32, #tpu.memory_space<vmem_shared>>) target(%arg7 : memref<640xf32, #tpu.memory_space<vmem>>) target_semaphore(%run_scoped3A_115 : memref<!tpu.dma_semaphore, #tpu.memory_space<semaphore_mem>>)
      %dma_wait3A = tpu.memref_slice %arg8[%run_scoped3A_91, %mul3A_14] : memref<16x10240xf32, #tpu.memory_space<vmem_shared>> -> memref<1x640xf32, #tpu.memory_space<vmem_shared>>
      %dma_wait3A_119 = tpu.memref_squeeze %dma_wait3A : memref<1x640xf32, #tpu.memory_space<vmem_shared>> -> memref<640xf32, #tpu.memory_space<vmem_shared>>
      %dma_wait3A_120 = tpu.memref_slice %arg8[%run_scoped3A_91, %mul3A_14] : memref<16x10240xf32, #tpu.memory_space<vmem_shared>> -> memref<1x640xf32, #tpu.memory_space<vmem_shared>>
      %dma_wait3A_121 = tpu.memref_squeeze %dma_wait3A_120 : memref<1x640xf32, #tpu.memory_space<vmem_shared>> -> memref<640xf32, #tpu.memory_space<vmem_shared>>
      tpu.wait_dma2 semaphore(%run_scoped3A_115 : memref<!tpu.dma_semaphore, #tpu.memory_space<semaphore_mem>>) src(%dma_wait3A_121 : memref<640xf32, #tpu.memory_space<vmem_shared>>) dst(%arg7 : memref<640xf32, #tpu.memory_space<vmem>>)
      tpu.yield
    }) : () -> ()
    %scan3A_92 = arith.constant 0 : i32
    %scan3A_93 = arith.constant 40 : i32
    %scan3A_94 = arith.addi %scan3A_92, %scan3A_93 : i32
    %scan3A_95 = arith.constant 1 : i32
    scf.for %scan3A_115 = %scan3A_92 to %scan3A_94 step %scan3A_95  : i32 {
      %mul3A_116 = arith.constant 1 : i32
      %mul3A_117 = arith.muli %scan3A_115, %mul3A_116 : i32
      %add3A_118 = arith.constant 0 : i32
      %add3A_119 = arith.addi %add3A_118, %mul3A_117 : i32
      %mul3A_120 = arith.constant 16 : i32
      %mul3A_121 = arith.muli %add3A_119, %mul3A_120 : i32
      %get3A = arith.index_cast %mul3A_121 : i32 to index
      %get3A_122 = tpu.vector_load %arg6[%get3A] {strides = array<i32>} : memref<640xf32, #tpu.memory_space<vmem>>, vector<16xf32>,
      %get3A_123 = arith.index_cast %mul3A_121 : i32 to index
      %get3A_124 = tpu.vector_load %arg7[%get3A_123] {strides = array<i32>} : memref<640xf32, #tpu.memory_space<vmem>>, vector<16xf32>,
      %add3A_125 = arith.addf %get3A_122, %get3A_124 : vector<16xf32>
      %swap3A = arith.index_cast %mul3A_121 : i32 to index
      %swap3A_126 = tpu.vector_load %arg6[%swap3A] {strides = array<i32>} : memref<640xf32, #tpu.memory_space<vmem>>, vector<16xf32>,
      tpu.vector_store %arg6[%swap3A], %add3A_125 {strides = array<i32>} : memref<640xf32, #tpu.memory_space<vmem>>, vector<16xf32>,
    }
    %scan3A_96 = arith.constant 40 : i32
    %run_scoped3A_97 = arith.constant 13 : i32
    "tpu.region"() ({
      %run_scoped3A_115 = tpu.sem_alloc : memref<!tpu.dma_semaphore, #tpu.memory_space<semaphore_mem>>
      %dma_start3A = tpu.memref_slice %arg8[%run_scoped3A_97, %mul3A_14] : memref<16x10240xf32, #tpu.memory_space<vmem_shared>> -> memref<1x640xf32, #tpu.memory_space<vmem_shared>>
      %dma_start3A_116 = tpu.memref_squeeze %dma_start3A : memref<1x640xf32, #tpu.memory_space<vmem_shared>> -> memref<640xf32, #tpu.memory_space<vmem_shared>>
      %dma_start3A_117 = tpu.memref_slice %arg8[%run_scoped3A_97, %mul3A_14] : memref<16x10240xf32, #tpu.memory_space<vmem_shared>> -> memref<1x640xf32, #tpu.memory_space<vmem_shared>>
      %dma_start3A_118 = tpu.memref_squeeze %dma_start3A_117 : memref<1x640xf32, #tpu.memory_space<vmem_shared>> -> memref<640xf32, #tpu.memory_space<vmem_shared>>
      tpu.enqueue_dma source(%dma_start3A_118 : memref<640xf32, #tpu.memory_space<vmem_shared>>) target(%arg7 : memref<640xf32, #tpu.memory_space<vmem>>) target_semaphore(%run_scoped3A_115 : memref<!tpu.dma_semaphore, #tpu.memory_space<semaphore_mem>>)
      %dma_wait3A = tpu.memref_slice %arg8[%run_scoped3A_97, %mul3A_14] : memref<16x10240xf32, #tpu.memory_space<vmem_shared>> -> memref<1x640xf32, #tpu.memory_space<vmem_shared>>
      %dma_wait3A_119 = tpu.memref_squeeze %dma_wait3A : memref<1x640xf32, #tpu.memory_space<vmem_shared>> -> memref<640xf32, #tpu.memory_space<vmem_shared>>
      %dma_wait3A_120 = tpu.memref_slice %arg8[%run_scoped3A_97, %mul3A_14] : memref<16x10240xf32, #tpu.memory_space<vmem_shared>> -> memref<1x640xf32, #tpu.memory_space<vmem_shared>>
      %dma_wait3A_121 = tpu.memref_squeeze %dma_wait3A_120 : memref<1x640xf32, #tpu.memory_space<vmem_shared>> -> memref<640xf32, #tpu.memory_space<vmem_shared>>
      tpu.wait_dma2 semaphore(%run_scoped3A_115 : memref<!tpu.dma_semaphore, #tpu.memory_space<semaphore_mem>>) src(%dma_wait3A_121 : memref<640xf32, #tpu.memory_space<vmem_shared>>) dst(%arg7 : memref<640xf32, #tpu.memory_space<vmem>>)
      tpu.yield
    }) : () -> ()
    %scan3A_98 = arith.constant 0 : i32
    %scan3A_99 = arith.constant 40 : i32
    %scan3A_100 = arith.addi %scan3A_98, %scan3A_99 : i32
    %scan3A_101 = arith.constant 1 : i32
    scf.for %scan3A_115 = %scan3A_98 to %scan3A_100 step %scan3A_101  : i32 {
      %mul3A_116 = arith.constant 1 : i32
      %mul3A_117 = arith.muli %scan3A_115, %mul3A_116 : i32
      %add3A_118 = arith.constant 0 : i32
      %add3A_119 = arith.addi %add3A_118, %mul3A_117 : i32
      %mul3A_120 = arith.constant 16 : i32
      %mul3A_121 = arith.muli %add3A_119, %mul3A_120 : i32
      %get3A = arith.index_cast %mul3A_121 : i32 to index
      %get3A_122 = tpu.vector_load %arg6[%get3A] {strides = array<i32>} : memref<640xf32, #tpu.memory_space<vmem>>, vector<16xf32>,
      %get3A_123 = arith.index_cast %mul3A_121 : i32 to index
      %get3A_124 = tpu.vector_load %arg7[%get3A_123] {strides = array<i32>} : memref<640xf32, #tpu.memory_space<vmem>>, vector<16xf32>,
      %add3A_125 = arith.addf %get3A_122, %get3A_124 : vector<16xf32>
      %swap3A = arith.index_cast %mul3A_121 : i32 to index
      %swap3A_126 = tpu.vector_load %arg6[%swap3A] {strides = array<i32>} : memref<640xf32, #tpu.memory_space<vmem>>, vector<16xf32>,
      tpu.vector_store %arg6[%swap3A], %add3A_125 {strides = array<i32>} : memref<640xf32, #tpu.memory_space<vmem>>, vector<16xf32>,
    }
    %scan3A_102 = arith.constant 40 : i32
    %run_scoped3A_103 = arith.constant 14 : i32
    "tpu.region"() ({
      %run_scoped3A_115 = tpu.sem_alloc : memref<!tpu.dma_semaphore, #tpu.memory_space<semaphore_mem>>
      %dma_start3A = tpu.memref_slice %arg8[%run_scoped3A_103, %mul3A_14] : memref<16x10240xf32, #tpu.memory_space<vmem_shared>> -> memref<1x640xf32, #tpu.memory_space<vmem_shared>>
      %dma_start3A_116 = tpu.memref_squeeze %dma_start3A : memref<1x640xf32, #tpu.memory_space<vmem_shared>> -> memref<640xf32, #tpu.memory_space<vmem_shared>>
      %dma_start3A_117 = tpu.memref_slice %arg8[%run_scoped3A_103, %mul3A_14] : memref<16x10240xf32, #tpu.memory_space<vmem_shared>> -> memref<1x640xf32, #tpu.memory_space<vmem_shared>>
      %dma_start3A_118 = tpu.memref_squeeze %dma_start3A_117 : memref<1x640xf32, #tpu.memory_space<vmem_shared>> -> memref<640xf32, #tpu.memory_space<vmem_shared>>
      tpu.enqueue_dma source(%dma_start3A_118 : memref<640xf32, #tpu.memory_space<vmem_shared>>) target(%arg7 : memref<640xf32, #tpu.memory_space<vmem>>) target_semaphore(%run_scoped3A_115 : memref<!tpu.dma_semaphore, #tpu.memory_space<semaphore_mem>>)
      %dma_wait3A = tpu.memref_slice %arg8[%run_scoped3A_103, %mul3A_14] : memref<16x10240xf32, #tpu.memory_space<vmem_shared>> -> memref<1x640xf32, #tpu.memory_space<vmem_shared>>
      %dma_wait3A_119 = tpu.memref_squeeze %dma_wait3A : memref<1x640xf32, #tpu.memory_space<vmem_shared>> -> memref<640xf32, #tpu.memory_space<vmem_shared>>
      %dma_wait3A_120 = tpu.memref_slice %arg8[%run_scoped3A_103, %mul3A_14] : memref<16x10240xf32, #tpu.memory_space<vmem_shared>> -> memref<1x640xf32, #tpu.memory_space<vmem_shared>>
      %dma_wait3A_121 = tpu.memref_squeeze %dma_wait3A_120 : memref<1x640xf32, #tpu.memory_space<vmem_shared>> -> memref<640xf32, #tpu.memory_space<vmem_shared>>
      tpu.wait_dma2 semaphore(%run_scoped3A_115 : memref<!tpu.dma_semaphore, #tpu.memory_space<semaphore_mem>>) src(%dma_wait3A_121 : memref<640xf32, #tpu.memory_space<vmem_shared>>) dst(%arg7 : memref<640xf32, #tpu.memory_space<vmem>>)
      tpu.yield
    }) : () -> ()
    %scan3A_104 = arith.constant 0 : i32
    %scan3A_105 = arith.constant 40 : i32
    %scan3A_106 = arith.addi %scan3A_104, %scan3A_105 : i32
    %scan3A_107 = arith.constant 1 : i32
    scf.for %scan3A_115 = %scan3A_104 to %scan3A_106 step %scan3A_107  : i32 {
      %mul3A_116 = arith.constant 1 : i32
      %mul3A_117 = arith.muli %scan3A_115, %mul3A_116 : i32
      %add3A_118 = arith.constant 0 : i32
      %add3A_119 = arith.addi %add3A_118, %mul3A_117 : i32
      %mul3A_120 = arith.constant 16 : i32
      %mul3A_121 = arith.muli %add3A_119, %mul3A_120 : i32
      %get3A = arith.index_cast %mul3A_121 : i32 to index
      %get3A_122 = tpu.vector_load %arg6[%get3A] {strides = array<i32>} : memref<640xf32, #tpu.memory_space<vmem>>, vector<16xf32>,
      %get3A_123 = arith.index_cast %mul3A_121 : i32 to index
      %get3A_124 = tpu.vector_load %arg7[%get3A_123] {strides = array<i32>} : memref<640xf32, #tpu.memory_space<vmem>>, vector<16xf32>,
      %add3A_125 = arith.addf %get3A_122, %get3A_124 : vector<16xf32>
      %swap3A = arith.index_cast %mul3A_121 : i32 to index
      %swap3A_126 = tpu.vector_load %arg6[%swap3A] {strides = array<i32>} : memref<640xf32, #tpu.memory_space<vmem>>, vector<16xf32>,
      tpu.vector_store %arg6[%swap3A], %add3A_125 {strides = array<i32>} : memref<640xf32, #tpu.memory_space<vmem>>, vector<16xf32>,
    }
    %scan3A_108 = arith.constant 40 : i32
    %run_scoped3A_109 = arith.constant 15 : i32
    "tpu.region"() ({
      %run_scoped3A_115 = tpu.sem_alloc : memref<!tpu.dma_semaphore, #tpu.memory_space<semaphore_mem>>
      %dma_start3A = tpu.memref_slice %arg8[%run_scoped3A_109, %mul3A_14] : memref<16x10240xf32, #tpu.memory_space<vmem_shared>> -> memref<1x640xf32, #tpu.memory_space<vmem_shared>>
      %dma_start3A_116 = tpu.memref_squeeze %dma_start3A : memref<1x640xf32, #tpu.memory_space<vmem_shared>> -> memref<640xf32, #tpu.memory_space<vmem_shared>>
      %dma_start3A_117 = tpu.memref_slice %arg8[%run_scoped3A_109, %mul3A_14] : memref<16x10240xf32, #tpu.memory_space<vmem_shared>> -> memref<1x640xf32, #tpu.memory_space<vmem_shared>>
      %dma_start3A_118 = tpu.memref_squeeze %dma_start3A_117 : memref<1x640xf32, #tpu.memory_space<vmem_shared>> -> memref<640xf32, #tpu.memory_space<vmem_shared>>
      tpu.enqueue_dma source(%dma_start3A_118 : memref<640xf32, #tpu.memory_space<vmem_shared>>) target(%arg7 : memref<640xf32, #tpu.memory_space<vmem>>) target_semaphore(%run_scoped3A_115 : memref<!tpu.dma_semaphore, #tpu.memory_space<semaphore_mem>>)
      %dma_wait3A = tpu.memref_slice %arg8[%run_scoped3A_109, %mul3A_14] : memref<16x10240xf32, #tpu.memory_space<vmem_shared>> -> memref<1x640xf32, #tpu.memory_space<vmem_shared>>
      %dma_wait3A_119 = tpu.memref_squeeze %dma_wait3A : memref<1x640xf32, #tpu.memory_space<vmem_shared>> -> memref<640xf32, #tpu.memory_space<vmem_shared>>
      %dma_wait3A_120 = tpu.memref_slice %arg8[%run_scoped3A_109, %mul3A_14] : memref<16x10240xf32, #tpu.memory_space<vmem_shared>> -> memref<1x640xf32, #tpu.memory_space<vmem_shared>>
      %dma_wait3A_121 = tpu.memref_squeeze %dma_wait3A_120 : memref<1x640xf32, #tpu.memory_space<vmem_shared>> -> memref<640xf32, #tpu.memory_space<vmem_shared>>
      tpu.wait_dma2 semaphore(%run_scoped3A_115 : memref<!tpu.dma_semaphore, #tpu.memory_space<semaphore_mem>>) src(%dma_wait3A_121 : memref<640xf32, #tpu.memory_space<vmem_shared>>) dst(%arg7 : memref<640xf32, #tpu.memory_space<vmem>>)
      tpu.yield
    }) : () -> ()
    %scan3A_110 = arith.constant 0 : i32
    %scan3A_111 = arith.constant 40 : i32
    %scan3A_112 = arith.addi %scan3A_110, %scan3A_111 : i32
    %scan3A_113 = arith.constant 1 : i32
    scf.for %scan3A_115 = %scan3A_110 to %scan3A_112 step %scan3A_113  : i32 {
      %mul3A_116 = arith.constant 1 : i32
      %mul3A_117 = arith.muli %scan3A_115, %mul3A_116 : i32
      %add3A_118 = arith.constant 0 : i32
      %add3A_119 = arith.addi %add3A_118, %mul3A_117 : i32
      %mul3A_120 = arith.constant 16 : i32
      %mul3A_121 = arith.muli %add3A_119, %mul3A_120 : i32
      %get3A = arith.index_cast %mul3A_121 : i32 to index
      %get3A_122 = tpu.vector_load %arg6[%get3A] {strides = array<i32>} : memref<640xf32, #tpu.memory_space<vmem>>, vector<16xf32>,
      %get3A_123 = arith.index_cast %mul3A_121 : i32 to index
      %get3A_124 = tpu.vector_load %arg7[%get3A_123] {strides = array<i32>} : memref<640xf32, #tpu.memory_space<vmem>>, vector<16xf32>,
      %add3A_125 = arith.addf %get3A_122, %get3A_124 : vector<16xf32>
      %swap3A = arith.index_cast %mul3A_121 : i32 to index
      %swap3A_126 = tpu.vector_load %arg6[%swap3A] {strides = array<i32>} : memref<640xf32, #tpu.memory_space<vmem>>, vector<16xf32>,
      tpu.vector_store %arg6[%swap3A], %add3A_125 {strides = array<i32>} : memref<640xf32, #tpu.memory_space<vmem>>, vector<16xf32>,
    }
    %scan3A_114 = arith.constant 40 : i32
    "tpu.region"() ({
      %run_scoped3A_115 = tpu.sem_alloc : memref<!tpu.dma_semaphore, #tpu.memory_space<semaphore_mem>>
      %dma_start3A = tpu.memref_slice %arg3[%arg0, %mul3A_14] : memref<2x10240xf32, #tpu.memory_space<hbm>> -> memref<1x640xf32, #tpu.memory_space<hbm>>
      %dma_start3A_116 = tpu.memref_squeeze %dma_start3A : memref<1x640xf32, #tpu.memory_space<hbm>> -> memref<640xf32, #tpu.memory_space<hbm>>
      %dma_start3A_117 = tpu.memref_slice %arg3[%arg0, %mul3A_14] : memref<2x10240xf32, #tpu.memory_space<hbm>> -> memref<1x640xf32, #tpu.memory_space<hbm>>
      %dma_start3A_118 = tpu.memref_squeeze %dma_start3A_117 : memref<1x640xf32, #tpu.memory_space<hbm>> -> memref<640xf32, #tpu.memory_space<hbm>>
      tpu.enqueue_dma source(%arg6 : memref<640xf32, #tpu.memory_space<vmem>>) target(%dma_start3A_118 : memref<640xf32, #tpu.memory_space<hbm>>) target_semaphore(%run_scoped3A_115 : memref<!tpu.dma_semaphore, #tpu.memory_space<semaphore_mem>>)
      %dma_wait3A = tpu.memref_slice %arg3[%arg0, %mul3A_14] : memref<2x10240xf32, #tpu.memory_space<hbm>> -> memref<1x640xf32, #tpu.memory_space<hbm>>
      %dma_wait3A_119 = tpu.memref_squeeze %dma_wait3A : memref<1x640xf32, #tpu.memory_space<hbm>> -> memref<640xf32, #tpu.memory_space<hbm>>
      %dma_wait3A_120 = tpu.memref_slice %arg3[%arg0, %mul3A_14] : memref<2x10240xf32, #tpu.memory_space<hbm>> -> memref<1x640xf32, #tpu.memory_space<hbm>>
      %dma_wait3A_121 = tpu.memref_squeeze %dma_wait3A_120 : memref<1x640xf32, #tpu.memory_space<hbm>> -> memref<640xf32, #tpu.memory_space<hbm>>
      tpu.wait_dma2 semaphore(%run_scoped3A_115 : memref<!tpu.dma_semaphore, #tpu.memory_space<semaphore_mem>>) src(%arg6 : memref<640xf32, #tpu.memory_space<vmem>>) dst(%dma_wait3A_121 : memref<640xf32, #tpu.memory_space<hbm>>)
      tpu.yield
    }) : () -> ()
    return
  }
}

#map = affine_map<(d0, d1) -> (0, 0)>
#map1 = affine_map<(d0, d1) -> (0)>
#map2 = affine_map<(d0, d1) -> (0, 0, 0)>
module attributes {stable_mosaic.version = 14 : i64} {
  func.func @_agg_kernel(%arg0: i32, %arg1: i32, %arg2: memref<10000x128xf32, #tpu.memory_space<hbm>>, %arg3: memref<323584xi32, #tpu.memory_space<hbm>>, %arg4: memref<323584xi32, #tpu.memory_space<hbm>>, %arg5: memref<2x10240x128xf32, #tpu.memory_space<hbm>>, %arg6: memref<128xi32, #tpu.memory_space<vmem>>, %arg7: memref<128xi32, #tpu.memory_space<vmem>>, %arg8: memref<128x128xf32, #tpu.memory_space<vmem>>, %arg9: memref<64x128xf32, #tpu.memory_space<vmem>>, %arg10: memref<10240x128xf32, #tpu.memory_space<vmem_shared>>, %arg11: memref<!tpu.dma_semaphore, #tpu.memory_space<semaphore_mem>>) attributes {dimension_semantics = [#tpu.dimension_semantics<core_parallel>, #tpu.dimension_semantics<subcore_parallel>], iteration_bounds = array<i64: 2, 16>, scalar_prefetch = 0 : i64, scratch_operands = 6 : i64, tpu.core_type = #tpu.core_type<sc_vector_subcore>, window_params = [{transform_indices = #map}, {transform_indices = #map1}, {transform_indices = #map1}, {transform_indices = #map2}]} {
    %mul3A = arith.constant 2 : i32
    %mul3A_0 = arith.muli %arg1, %mul3A : i32
    %add3A = arith.addi %mul3A_0, %arg0 : i32
    %broadcast_in_dim3A = arith.constant 0.000000e+00 : f32
    %broadcast_in_dim3A_1 = vector.broadcast %broadcast_in_dim3A : f32 to vector<16xf32>
    %scan3A = arith.constant 0 : i32
    %scan3A_2 = arith.constant 64 : i32
    %scan3A_3 = arith.addi %scan3A, %scan3A_2 : i32
    %scan3A_4 = arith.constant 1 : i32
    scf.for %scan3A_24 = %scan3A to %scan3A_3 step %scan3A_4  : i32 {
      %mul3A_25 = arith.constant 1 : i32
      %mul3A_26 = arith.muli %scan3A_24, %mul3A_25 : i32
      %add3A_27 = arith.constant 0 : i32
      %add3A_28 = arith.addi %add3A_27, %mul3A_26 : i32
      %swap3A = arith.index_cast %add3A_28 : i32 to index
      %swap3A_29 = arith.constant 0 : index
      %swap3A_30 = tpu.vector_load %arg9[%swap3A, %swap3A_29] {strides = array<i32>} : memref<64x128xf32, #tpu.memory_space<vmem>>, vector<16xf32>,
      tpu.vector_store %arg9[%swap3A, %swap3A_29], %broadcast_in_dim3A_1 {strides = array<i32>} : memref<64x128xf32, #tpu.memory_space<vmem>>, vector<16xf32>,
      %swap3A_31 = arith.index_cast %add3A_28 : i32 to index
      %swap3A_32 = arith.constant 16 : index
      %swap3A_33 = tpu.vector_load %arg9[%swap3A_31, %swap3A_32] {strides = array<i32>} : memref<64x128xf32, #tpu.memory_space<vmem>>, vector<16xf32>,
      tpu.vector_store %arg9[%swap3A_31, %swap3A_32], %broadcast_in_dim3A_1 {strides = array<i32>} : memref<64x128xf32, #tpu.memory_space<vmem>>, vector<16xf32>,
      %swap3A_34 = arith.index_cast %add3A_28 : i32 to index
      %swap3A_35 = arith.constant 32 : index
      %swap3A_36 = tpu.vector_load %arg9[%swap3A_34, %swap3A_35] {strides = array<i32>} : memref<64x128xf32, #tpu.memory_space<vmem>>, vector<16xf32>,
      tpu.vector_store %arg9[%swap3A_34, %swap3A_35], %broadcast_in_dim3A_1 {strides = array<i32>} : memref<64x128xf32, #tpu.memory_space<vmem>>, vector<16xf32>,
      %swap3A_37 = arith.index_cast %add3A_28 : i32 to index
      %swap3A_38 = arith.constant 48 : index
      %swap3A_39 = tpu.vector_load %arg9[%swap3A_37, %swap3A_38] {strides = array<i32>} : memref<64x128xf32, #tpu.memory_space<vmem>>, vector<16xf32>,
      tpu.vector_store %arg9[%swap3A_37, %swap3A_38], %broadcast_in_dim3A_1 {strides = array<i32>} : memref<64x128xf32, #tpu.memory_space<vmem>>, vector<16xf32>,
      %swap3A_40 = arith.index_cast %add3A_28 : i32 to index
      %swap3A_41 = arith.constant 64 : index
      %swap3A_42 = tpu.vector_load %arg9[%swap3A_40, %swap3A_41] {strides = array<i32>} : memref<64x128xf32, #tpu.memory_space<vmem>>, vector<16xf32>,
      tpu.vector_store %arg9[%swap3A_40, %swap3A_41], %broadcast_in_dim3A_1 {strides = array<i32>} : memref<64x128xf32, #tpu.memory_space<vmem>>, vector<16xf32>,
      %swap3A_43 = arith.index_cast %add3A_28 : i32 to index
      %swap3A_44 = arith.constant 80 : index
      %swap3A_45 = tpu.vector_load %arg9[%swap3A_43, %swap3A_44] {strides = array<i32>} : memref<64x128xf32, #tpu.memory_space<vmem>>, vector<16xf32>,
      tpu.vector_store %arg9[%swap3A_43, %swap3A_44], %broadcast_in_dim3A_1 {strides = array<i32>} : memref<64x128xf32, #tpu.memory_space<vmem>>, vector<16xf32>,
      %swap3A_46 = arith.index_cast %add3A_28 : i32 to index
      %swap3A_47 = arith.constant 96 : index
      %swap3A_48 = tpu.vector_load %arg9[%swap3A_46, %swap3A_47] {strides = array<i32>} : memref<64x128xf32, #tpu.memory_space<vmem>>, vector<16xf32>,
      tpu.vector_store %arg9[%swap3A_46, %swap3A_47], %broadcast_in_dim3A_1 {strides = array<i32>} : memref<64x128xf32, #tpu.memory_space<vmem>>, vector<16xf32>,
      %swap3A_49 = arith.index_cast %add3A_28 : i32 to index
      %swap3A_50 = arith.constant 112 : index
      %swap3A_51 = tpu.vector_load %arg9[%swap3A_49, %swap3A_50] {strides = array<i32>} : memref<64x128xf32, #tpu.memory_space<vmem>>, vector<16xf32>,
      tpu.vector_store %arg9[%swap3A_49, %swap3A_50], %broadcast_in_dim3A_1 {strides = array<i32>} : memref<64x128xf32, #tpu.memory_space<vmem>>, vector<16xf32>,
    }
    %scan3A_5 = arith.constant 64 : i32
    %mul3A_6 = arith.constant 640 : i32
    %mul3A_7 = arith.muli %arg1, %mul3A_6 : i32
    %scan3A_8 = arith.constant 0 : i32
    %scan3A_9 = arith.constant 10 : i32
    %scan3A_10 = arith.addi %scan3A_8, %scan3A_9 : i32
    %scan3A_11 = arith.constant 1 : i32
    scf.for %scan3A_24 = %scan3A_8 to %scan3A_10 step %scan3A_11  : i32 {
      %mul3A_25 = arith.constant 1 : i32
      %mul3A_26 = arith.muli %scan3A_24, %mul3A_25 : i32
      %add3A_27 = arith.constant 0 : i32
      %add3A_28 = arith.addi %add3A_27, %mul3A_26 : i32
      %mul3A_29 = arith.constant 64 : i32
      %mul3A_30 = arith.muli %add3A_28, %mul3A_29 : i32
      %add3A_31 = arith.addi %mul3A_7, %mul3A_30 : i32
      "tpu.region"() ({
        %run_scoped3A = tpu.sem_alloc : memref<!tpu.dma_semaphore, #tpu.memory_space<semaphore_mem>>
        %dma_start3A = arith.constant 0 : i32
        %dma_start3A_32 = tpu.memref_slice %arg10[%add3A_31, %dma_start3A] : memref<10240x128xf32, #tpu.memory_space<vmem_shared>> -> memref<64x128xf32, #tpu.memory_space<vmem_shared>>
        %dma_start3A_33 = arith.constant 0 : i32
        %dma_start3A_34 = tpu.memref_slice %arg10[%add3A_31, %dma_start3A_33] : memref<10240x128xf32, #tpu.memory_space<vmem_shared>> -> memref<64x128xf32, #tpu.memory_space<vmem_shared>>
        tpu.enqueue_dma source(%arg9 : memref<64x128xf32, #tpu.memory_space<vmem>>) target(%dma_start3A_34 : memref<64x128xf32, #tpu.memory_space<vmem_shared>>) target_semaphore(%run_scoped3A : memref<!tpu.dma_semaphore, #tpu.memory_space<semaphore_mem>>)
        %dma_wait3A = arith.constant 0 : i32
        %dma_wait3A_35 = tpu.memref_slice %arg10[%add3A_31, %dma_wait3A] : memref<10240x128xf32, #tpu.memory_space<vmem_shared>> -> memref<64x128xf32, #tpu.memory_space<vmem_shared>>
        %dma_wait3A_36 = arith.constant 0 : i32
        %dma_wait3A_37 = tpu.memref_slice %arg10[%add3A_31, %dma_wait3A_36] : memref<10240x128xf32, #tpu.memory_space<vmem_shared>> -> memref<64x128xf32, #tpu.memory_space<vmem_shared>>
        tpu.wait_dma2 semaphore(%run_scoped3A : memref<!tpu.dma_semaphore, #tpu.memory_space<semaphore_mem>>) src(%arg9 : memref<64x128xf32, #tpu.memory_space<vmem>>) dst(%dma_wait3A_37 : memref<64x128xf32, #tpu.memory_space<vmem_shared>>)
        tpu.yield
      }) : () -> ()
    }
    %scan3A_12 = arith.constant 10 : i32
    %barrier3A = arith.constant 0 : index
    tpu.barrier barrier_id(%barrier3A)
    %scan3A_13 = arith.constant 0 : i32
    %scan3A_14 = arith.constant 79 : i32
    %scan3A_15 = arith.addi %scan3A_13, %scan3A_14 : i32
    %scan3A_16 = arith.constant 1 : i32
    scf.for %scan3A_24 = %scan3A_13 to %scan3A_15 step %scan3A_16  : i32 {
      %mul3A_25 = arith.constant 1 : i32
      %mul3A_26 = arith.muli %scan3A_24, %mul3A_25 : i32
      %add3A_27 = arith.constant 0 : i32
      %add3A_28 = arith.addi %add3A_27, %mul3A_26 : i32
      %mul3A_29 = arith.constant 10112 : i32
      %mul3A_30 = arith.muli %add3A, %mul3A_29 : i32
      %mul3A_31 = arith.constant 128 : i32
      %mul3A_32 = arith.muli %add3A_28, %mul3A_31 : i32
      %add3A_33 = arith.addi %mul3A_30, %mul3A_32 : i32
      "tpu.region"() ({
        %run_scoped3A = tpu.sem_alloc : memref<!tpu.dma_semaphore, #tpu.memory_space<semaphore_mem>>
        %dma_start3A_38 = tpu.memref_slice %arg3[%add3A_33] : memref<323584xi32, #tpu.memory_space<hbm>> -> memref<128xi32, #tpu.memory_space<hbm>>
        %dma_start3A_39 = tpu.memref_slice %arg3[%add3A_33] : memref<323584xi32, #tpu.memory_space<hbm>> -> memref<128xi32, #tpu.memory_space<hbm>>
        tpu.enqueue_dma source(%dma_start3A_39 : memref<128xi32, #tpu.memory_space<hbm>>) target(%arg6 : memref<128xi32, #tpu.memory_space<vmem>>) target_semaphore(%run_scoped3A : memref<!tpu.dma_semaphore, #tpu.memory_space<semaphore_mem>>)
        %dma_wait3A_40 = tpu.memref_slice %arg3[%add3A_33] : memref<323584xi32, #tpu.memory_space<hbm>> -> memref<128xi32, #tpu.memory_space<hbm>>
        %dma_wait3A_41 = tpu.memref_slice %arg3[%add3A_33] : memref<323584xi32, #tpu.memory_space<hbm>> -> memref<128xi32, #tpu.memory_space<hbm>>
        tpu.wait_dma2 semaphore(%run_scoped3A : memref<!tpu.dma_semaphore, #tpu.memory_space<semaphore_mem>>) src(%dma_wait3A_41 : memref<128xi32, #tpu.memory_space<hbm>>) dst(%arg6 : memref<128xi32, #tpu.memory_space<vmem>>)
        tpu.yield
      }) : () -> ()
      "tpu.region"() ({
        %run_scoped3A = tpu.sem_alloc : memref<!tpu.dma_semaphore, #tpu.memory_space<semaphore_mem>>
        %dma_start3A_38 = tpu.memref_slice %arg4[%add3A_33] : memref<323584xi32, #tpu.memory_space<hbm>> -> memref<128xi32, #tpu.memory_space<hbm>>
        %dma_start3A_39 = tpu.memref_slice %arg4[%add3A_33] : memref<323584xi32, #tpu.memory_space<hbm>> -> memref<128xi32, #tpu.memory_space<hbm>>
        tpu.enqueue_dma source(%dma_start3A_39 : memref<128xi32, #tpu.memory_space<hbm>>) target(%arg7 : memref<128xi32, #tpu.memory_space<vmem>>) target_semaphore(%run_scoped3A : memref<!tpu.dma_semaphore, #tpu.memory_space<semaphore_mem>>)
        %dma_wait3A_40 = tpu.memref_slice %arg4[%add3A_33] : memref<323584xi32, #tpu.memory_space<hbm>> -> memref<128xi32, #tpu.memory_space<hbm>>
        %dma_wait3A_41 = tpu.memref_slice %arg4[%add3A_33] : memref<323584xi32, #tpu.memory_space<hbm>> -> memref<128xi32, #tpu.memory_space<hbm>>
        tpu.wait_dma2 semaphore(%run_scoped3A : memref<!tpu.dma_semaphore, #tpu.memory_space<semaphore_mem>>) src(%dma_wait3A_41 : memref<128xi32, #tpu.memory_space<hbm>>) dst(%arg7 : memref<128xi32, #tpu.memory_space<vmem>>)
        tpu.yield
      }) : () -> ()
      %dma_start3A = arith.constant 0 : i32
      %dma_start3A_34 = arith.constant 0 : i32
      %dma_start3A_35 = tpu.memref_slice %arg2[%dma_start3A, %dma_start3A_34] : memref<10000x128xf32, #tpu.memory_space<hbm>> -> memref<10000x128xf32, #tpu.memory_space<hbm>>
      tpu.enqueue_indirect_dma source(%dma_start3A_35 : memref<10000x128xf32, #tpu.memory_space<hbm>>) target(%arg8 : memref<128x128xf32, #tpu.memory_space<vmem>>) offsets(%arg6 : memref<128xi32, #tpu.memory_space<vmem>>) semaphore(%arg11 : memref<!tpu.dma_semaphore, #tpu.memory_space<semaphore_mem>>)
      %dma_wait3A = arith.constant 0 : i32
      %dma_wait3A_36 = arith.constant 0 : i32
      %dma_wait3A_37 = tpu.memref_slice %arg2[%dma_wait3A, %dma_wait3A_36] : memref<10000x128xf32, #tpu.memory_space<hbm>> -> memref<10000x128xf32, #tpu.memory_space<hbm>>
      tpu.wait_indirect_dma semaphore(%arg11 : memref<!tpu.dma_semaphore, #tpu.memory_space<semaphore_mem>>) src(%dma_wait3A_37 : memref<10000x128xf32, #tpu.memory_space<hbm>>) dst(%arg8 : memref<128x128xf32, #tpu.memory_space<vmem>>)
      "tpu.region"() ({
        %run_scoped3A = tpu.sem_alloc : memref<!tpu.dma_semaphore, #tpu.memory_space<semaphore_mem>>
        %dma_start3A_38 = arith.constant 0 : i32
        %dma_start3A_39 = arith.constant 0 : i32
        %dma_start3A_40 = tpu.memref_slice %arg10[%dma_start3A_38, %dma_start3A_39] : memref<10240x128xf32, #tpu.memory_space<vmem_shared>> -> memref<10240x128xf32, #tpu.memory_space<vmem_shared>>
        tpu.enqueue_indirect_dma source(%arg8 : memref<128x128xf32, #tpu.memory_space<vmem>>) target(%dma_start3A_40 : memref<10240x128xf32, #tpu.memory_space<vmem_shared>>) offsets(%arg7 : memref<128xi32, #tpu.memory_space<vmem>>) semaphore(%run_scoped3A : memref<!tpu.dma_semaphore, #tpu.memory_space<semaphore_mem>>) {add = true}
        %dma_wait3A_41 = arith.constant 0 : i32
        %dma_wait3A_42 = arith.constant 0 : i32
        %dma_wait3A_43 = tpu.memref_slice %arg10[%dma_wait3A_41, %dma_wait3A_42] : memref<10240x128xf32, #tpu.memory_space<vmem_shared>> -> memref<10240x128xf32, #tpu.memory_space<vmem_shared>>
        tpu.wait_indirect_dma semaphore(%run_scoped3A : memref<!tpu.dma_semaphore, #tpu.memory_space<semaphore_mem>>) src(%arg8 : memref<128x128xf32, #tpu.memory_space<vmem>>) dst(%dma_wait3A_43 : memref<10240x128xf32, #tpu.memory_space<vmem_shared>>)
        tpu.yield
      }) : () -> ()
    }
    %scan3A_17 = arith.constant 79 : i32
    %barrier3A_18 = arith.constant 0 : index
    tpu.barrier barrier_id(%barrier3A_18)
    %scan3A_19 = arith.constant 0 : i32
    %scan3A_20 = arith.constant 10 : i32
    %scan3A_21 = arith.addi %scan3A_19, %scan3A_20 : i32
    %scan3A_22 = arith.constant 1 : i32
    scf.for %scan3A_24 = %scan3A_19 to %scan3A_21 step %scan3A_22  : i32 {
      %mul3A_25 = arith.constant 1 : i32
      %mul3A_26 = arith.muli %scan3A_24, %mul3A_25 : i32
      %add3A_27 = arith.constant 0 : i32
      %add3A_28 = arith.addi %add3A_27, %mul3A_26 : i32
      %mul3A_29 = arith.constant 64 : i32
      %mul3A_30 = arith.muli %add3A_28, %mul3A_29 : i32
      %add3A_31 = arith.addi %mul3A_7, %mul3A_30 : i32
      "tpu.region"() ({
        %run_scoped3A = tpu.sem_alloc : memref<!tpu.dma_semaphore, #tpu.memory_space<semaphore_mem>>
        %dma_start3A = arith.constant 0 : i32
        %dma_start3A_32 = tpu.memref_slice %arg10[%add3A_31, %dma_start3A] : memref<10240x128xf32, #tpu.memory_space<vmem_shared>> -> memref<64x128xf32, #tpu.memory_space<vmem_shared>>
        %dma_start3A_33 = arith.constant 0 : i32
        %dma_start3A_34 = tpu.memref_slice %arg10[%add3A_31, %dma_start3A_33] : memref<10240x128xf32, #tpu.memory_space<vmem_shared>> -> memref<64x128xf32, #tpu.memory_space<vmem_shared>>
        tpu.enqueue_dma source(%dma_start3A_34 : memref<64x128xf32, #tpu.memory_space<vmem_shared>>) target(%arg9 : memref<64x128xf32, #tpu.memory_space<vmem>>) target_semaphore(%run_scoped3A : memref<!tpu.dma_semaphore, #tpu.memory_space<semaphore_mem>>)
        %dma_wait3A = arith.constant 0 : i32
        %dma_wait3A_35 = tpu.memref_slice %arg10[%add3A_31, %dma_wait3A] : memref<10240x128xf32, #tpu.memory_space<vmem_shared>> -> memref<64x128xf32, #tpu.memory_space<vmem_shared>>
        %dma_wait3A_36 = arith.constant 0 : i32
        %dma_wait3A_37 = tpu.memref_slice %arg10[%add3A_31, %dma_wait3A_36] : memref<10240x128xf32, #tpu.memory_space<vmem_shared>> -> memref<64x128xf32, #tpu.memory_space<vmem_shared>>
        tpu.wait_dma2 semaphore(%run_scoped3A : memref<!tpu.dma_semaphore, #tpu.memory_space<semaphore_mem>>) src(%dma_wait3A_37 : memref<64x128xf32, #tpu.memory_space<vmem_shared>>) dst(%arg9 : memref<64x128xf32, #tpu.memory_space<vmem>>)
        tpu.yield
      }) : () -> ()
      "tpu.region"() ({
        %run_scoped3A = tpu.sem_alloc : memref<!tpu.dma_semaphore, #tpu.memory_space<semaphore_mem>>
        %dma_start3A = arith.constant 0 : i32
        %dma_start3A_32 = tpu.memref_slice %arg5[%arg0, %add3A_31, %dma_start3A] : memref<2x10240x128xf32, #tpu.memory_space<hbm>> -> memref<1x64x128xf32, #tpu.memory_space<hbm>>
        %dma_start3A_33 = tpu.memref_squeeze %dma_start3A_32 : memref<1x64x128xf32, #tpu.memory_space<hbm>> -> memref<64x128xf32, #tpu.memory_space<hbm>>
        %dma_start3A_34 = arith.constant 0 : i32
        %dma_start3A_35 = tpu.memref_slice %arg5[%arg0, %add3A_31, %dma_start3A_34] : memref<2x10240x128xf32, #tpu.memory_space<hbm>> -> memref<1x64x128xf32, #tpu.memory_space<hbm>>
        %dma_start3A_36 = tpu.memref_squeeze %dma_start3A_35 : memref<1x64x128xf32, #tpu.memory_space<hbm>> -> memref<64x128xf32, #tpu.memory_space<hbm>>
        tpu.enqueue_dma source(%arg9 : memref<64x128xf32, #tpu.memory_space<vmem>>) target(%dma_start3A_36 : memref<64x128xf32, #tpu.memory_space<hbm>>) target_semaphore(%run_scoped3A : memref<!tpu.dma_semaphore, #tpu.memory_space<semaphore_mem>>)
        %dma_wait3A = arith.constant 0 : i32
        %dma_wait3A_37 = tpu.memref_slice %arg5[%arg0, %add3A_31, %dma_wait3A] : memref<2x10240x128xf32, #tpu.memory_space<hbm>> -> memref<1x64x128xf32, #tpu.memory_space<hbm>>
        %dma_wait3A_38 = tpu.memref_squeeze %dma_wait3A_37 : memref<1x64x128xf32, #tpu.memory_space<hbm>> -> memref<64x128xf32, #tpu.memory_space<hbm>>
        %dma_wait3A_39 = arith.constant 0 : i32
        %dma_wait3A_40 = tpu.memref_slice %arg5[%arg0, %add3A_31, %dma_wait3A_39] : memref<2x10240x128xf32, #tpu.memory_space<hbm>> -> memref<1x64x128xf32, #tpu.memory_space<hbm>>
        %dma_wait3A_41 = tpu.memref_squeeze %dma_wait3A_40 : memref<1x64x128xf32, #tpu.memory_space<hbm>> -> memref<64x128xf32, #tpu.memory_space<hbm>>
        tpu.wait_dma2 semaphore(%run_scoped3A : memref<!tpu.dma_semaphore, #tpu.memory_space<semaphore_mem>>) src(%arg9 : memref<64x128xf32, #tpu.memory_space<vmem>>) dst(%dma_wait3A_41 : memref<64x128xf32, #tpu.memory_space<hbm>>)
        tpu.yield
      }) : () -> ()
    }
    %scan3A_23 = arith.constant 10 : i32
    return
  }
}

#map = affine_map<(d0, d1) -> (0, 0)>
#map1 = affine_map<(d0, d1) -> (0)>
#map2 = affine_map<(d0, d1) -> (0, 0, 0)>
module attributes {stable_mosaic.version = 14 : i64} {
  func.func @_agg_kernel(%arg0: i32, %arg1: i32, %arg2: memref<10000x128xf32, #tpu.memory_space<hbm>>, %arg3: memref<323584xi32, #tpu.memory_space<hbm>>, %arg4: memref<323584xi32, #tpu.memory_space<hbm>>, %arg5: memref<2x10240x128xf32, #tpu.memory_space<hbm>>, %arg6: memref<128xi32, #tpu.memory_space<vmem>>, %arg7: memref<128xi32, #tpu.memory_space<vmem>>, %arg8: memref<128x128xf32, #tpu.memory_space<vmem>>, %arg9: memref<64x128xf32, #tpu.memory_space<vmem>>, %arg10: memref<10240x128xf32, #tpu.memory_space<vmem_shared>>, %arg11: memref<!tpu.dma_semaphore, #tpu.memory_space<semaphore_mem>>) attributes {dimension_semantics = [#tpu.dimension_semantics<core_parallel>, #tpu.dimension_semantics<subcore_parallel>], iteration_bounds = array<i64: 2, 16>, scalar_prefetch = 0 : i64, scratch_operands = 6 : i64, tpu.core_type = #tpu.core_type<sc_vector_subcore>, window_params = [{transform_indices = #map}, {transform_indices = #map1}, {transform_indices = #map1}, {transform_indices = #map2}]} {
    %mul3A = arith.constant 2 : i32
    %mul3A_0 = arith.muli %arg1, %mul3A : i32
    %add3A = arith.addi %mul3A_0, %arg0 : i32
    %broadcast_in_dim3A = arith.constant 0.000000e+00 : f32
    %broadcast_in_dim3A_1 = vector.broadcast %broadcast_in_dim3A : f32 to vector<16xf32>
    %scan3A = arith.constant 0 : i32
    %scan3A_2 = arith.constant 64 : i32
    %scan3A_3 = arith.addi %scan3A, %scan3A_2 : i32
    %scan3A_4 = arith.constant 1 : i32
    scf.for %scan3A_24 = %scan3A to %scan3A_3 step %scan3A_4  : i32 {
      %mul3A_25 = arith.constant 1 : i32
      %mul3A_26 = arith.muli %scan3A_24, %mul3A_25 : i32
      %add3A_27 = arith.constant 0 : i32
      %add3A_28 = arith.addi %add3A_27, %mul3A_26 : i32
      %swap3A = arith.index_cast %add3A_28 : i32 to index
      %swap3A_29 = arith.constant 0 : index
      %swap3A_30 = tpu.vector_load %arg9[%swap3A, %swap3A_29] {strides = array<i32>} : memref<64x128xf32, #tpu.memory_space<vmem>>, vector<16xf32>,
      tpu.vector_store %arg9[%swap3A, %swap3A_29], %broadcast_in_dim3A_1 {strides = array<i32>} : memref<64x128xf32, #tpu.memory_space<vmem>>, vector<16xf32>,
      %swap3A_31 = arith.index_cast %add3A_28 : i32 to index
      %swap3A_32 = arith.constant 16 : index
      %swap3A_33 = tpu.vector_load %arg9[%swap3A_31, %swap3A_32] {strides = array<i32>} : memref<64x128xf32, #tpu.memory_space<vmem>>, vector<16xf32>,
      tpu.vector_store %arg9[%swap3A_31, %swap3A_32], %broadcast_in_dim3A_1 {strides = array<i32>} : memref<64x128xf32, #tpu.memory_space<vmem>>, vector<16xf32>,
      %swap3A_34 = arith.index_cast %add3A_28 : i32 to index
      %swap3A_35 = arith.constant 32 : index
      %swap3A_36 = tpu.vector_load %arg9[%swap3A_34, %swap3A_35] {strides = array<i32>} : memref<64x128xf32, #tpu.memory_space<vmem>>, vector<16xf32>,
      tpu.vector_store %arg9[%swap3A_34, %swap3A_35], %broadcast_in_dim3A_1 {strides = array<i32>} : memref<64x128xf32, #tpu.memory_space<vmem>>, vector<16xf32>,
      %swap3A_37 = arith.index_cast %add3A_28 : i32 to index
      %swap3A_38 = arith.constant 48 : index
      %swap3A_39 = tpu.vector_load %arg9[%swap3A_37, %swap3A_38] {strides = array<i32>} : memref<64x128xf32, #tpu.memory_space<vmem>>, vector<16xf32>,
      tpu.vector_store %arg9[%swap3A_37, %swap3A_38], %broadcast_in_dim3A_1 {strides = array<i32>} : memref<64x128xf32, #tpu.memory_space<vmem>>, vector<16xf32>,
      %swap3A_40 = arith.index_cast %add3A_28 : i32 to index
      %swap3A_41 = arith.constant 64 : index
      %swap3A_42 = tpu.vector_load %arg9[%swap3A_40, %swap3A_41] {strides = array<i32>} : memref<64x128xf32, #tpu.memory_space<vmem>>, vector<16xf32>,
      tpu.vector_store %arg9[%swap3A_40, %swap3A_41], %broadcast_in_dim3A_1 {strides = array<i32>} : memref<64x128xf32, #tpu.memory_space<vmem>>, vector<16xf32>,
      %swap3A_43 = arith.index_cast %add3A_28 : i32 to index
      %swap3A_44 = arith.constant 80 : index
      %swap3A_45 = tpu.vector_load %arg9[%swap3A_43, %swap3A_44] {strides = array<i32>} : memref<64x128xf32, #tpu.memory_space<vmem>>, vector<16xf32>,
      tpu.vector_store %arg9[%swap3A_43, %swap3A_44], %broadcast_in_dim3A_1 {strides = array<i32>} : memref<64x128xf32, #tpu.memory_space<vmem>>, vector<16xf32>,
      %swap3A_46 = arith.index_cast %add3A_28 : i32 to index
      %swap3A_47 = arith.constant 96 : index
      %swap3A_48 = tpu.vector_load %arg9[%swap3A_46, %swap3A_47] {strides = array<i32>} : memref<64x128xf32, #tpu.memory_space<vmem>>, vector<16xf32>,
      tpu.vector_store %arg9[%swap3A_46, %swap3A_47], %broadcast_in_dim3A_1 {strides = array<i32>} : memref<64x128xf32, #tpu.memory_space<vmem>>, vector<16xf32>,
      %swap3A_49 = arith.index_cast %add3A_28 : i32 to index
      %swap3A_50 = arith.constant 112 : index
      %swap3A_51 = tpu.vector_load %arg9[%swap3A_49, %swap3A_50] {strides = array<i32>} : memref<64x128xf32, #tpu.memory_space<vmem>>, vector<16xf32>,
      tpu.vector_store %arg9[%swap3A_49, %swap3A_50], %broadcast_in_dim3A_1 {strides = array<i32>} : memref<64x128xf32, #tpu.memory_space<vmem>>, vector<16xf32>,
    }
    %scan3A_5 = arith.constant 64 : i32
    %mul3A_6 = arith.constant 640 : i32
    %mul3A_7 = arith.muli %arg1, %mul3A_6 : i32
    %scan3A_8 = arith.constant 0 : i32
    %scan3A_9 = arith.constant 10 : i32
    %scan3A_10 = arith.addi %scan3A_8, %scan3A_9 : i32
    %scan3A_11 = arith.constant 1 : i32
    scf.for %scan3A_24 = %scan3A_8 to %scan3A_10 step %scan3A_11  : i32 {
      %mul3A_25 = arith.constant 1 : i32
      %mul3A_26 = arith.muli %scan3A_24, %mul3A_25 : i32
      %add3A_27 = arith.constant 0 : i32
      %add3A_28 = arith.addi %add3A_27, %mul3A_26 : i32
      %mul3A_29 = arith.constant 64 : i32
      %mul3A_30 = arith.muli %add3A_28, %mul3A_29 : i32
      %add3A_31 = arith.addi %mul3A_7, %mul3A_30 : i32
      "tpu.region"() ({
        %run_scoped3A = tpu.sem_alloc : memref<!tpu.dma_semaphore, #tpu.memory_space<semaphore_mem>>
        %dma_start3A = arith.constant 0 : i32
        %dma_start3A_32 = tpu.memref_slice %arg10[%add3A_31, %dma_start3A] : memref<10240x128xf32, #tpu.memory_space<vmem_shared>> -> memref<64x128xf32, #tpu.memory_space<vmem_shared>>
        %dma_start3A_33 = arith.constant 0 : i32
        %dma_start3A_34 = tpu.memref_slice %arg10[%add3A_31, %dma_start3A_33] : memref<10240x128xf32, #tpu.memory_space<vmem_shared>> -> memref<64x128xf32, #tpu.memory_space<vmem_shared>>
        tpu.enqueue_dma source(%arg9 : memref<64x128xf32, #tpu.memory_space<vmem>>) target(%dma_start3A_34 : memref<64x128xf32, #tpu.memory_space<vmem_shared>>) target_semaphore(%run_scoped3A : memref<!tpu.dma_semaphore, #tpu.memory_space<semaphore_mem>>)
        %dma_wait3A = arith.constant 0 : i32
        %dma_wait3A_35 = tpu.memref_slice %arg10[%add3A_31, %dma_wait3A] : memref<10240x128xf32, #tpu.memory_space<vmem_shared>> -> memref<64x128xf32, #tpu.memory_space<vmem_shared>>
        %dma_wait3A_36 = arith.constant 0 : i32
        %dma_wait3A_37 = tpu.memref_slice %arg10[%add3A_31, %dma_wait3A_36] : memref<10240x128xf32, #tpu.memory_space<vmem_shared>> -> memref<64x128xf32, #tpu.memory_space<vmem_shared>>
        tpu.wait_dma2 semaphore(%run_scoped3A : memref<!tpu.dma_semaphore, #tpu.memory_space<semaphore_mem>>) src(%arg9 : memref<64x128xf32, #tpu.memory_space<vmem>>) dst(%dma_wait3A_37 : memref<64x128xf32, #tpu.memory_space<vmem_shared>>)
        tpu.yield
      }) : () -> ()
    }
    %scan3A_12 = arith.constant 10 : i32
    %barrier3A = arith.constant 0 : index
    tpu.barrier barrier_id(%barrier3A)
    %scan3A_13 = arith.constant 0 : i32
    %scan3A_14 = arith.constant 79 : i32
    %scan3A_15 = arith.addi %scan3A_13, %scan3A_14 : i32
    %scan3A_16 = arith.constant 1 : i32
    scf.for %scan3A_24 = %scan3A_13 to %scan3A_15 step %scan3A_16  : i32 {
      %mul3A_25 = arith.constant 1 : i32
      %mul3A_26 = arith.muli %scan3A_24, %mul3A_25 : i32
      %add3A_27 = arith.constant 0 : i32
      %add3A_28 = arith.addi %add3A_27, %mul3A_26 : i32
      %mul3A_29 = arith.constant 10112 : i32
      %mul3A_30 = arith.muli %add3A, %mul3A_29 : i32
      %mul3A_31 = arith.constant 128 : i32
      %mul3A_32 = arith.muli %add3A_28, %mul3A_31 : i32
      %add3A_33 = arith.addi %mul3A_30, %mul3A_32 : i32
      "tpu.region"() ({
        %run_scoped3A = tpu.sem_alloc : memref<!tpu.dma_semaphore, #tpu.memory_space<semaphore_mem>>
        %dma_start3A_38 = tpu.memref_slice %arg3[%add3A_33] : memref<323584xi32, #tpu.memory_space<hbm>> -> memref<128xi32, #tpu.memory_space<hbm>>
        %dma_start3A_39 = tpu.memref_slice %arg3[%add3A_33] : memref<323584xi32, #tpu.memory_space<hbm>> -> memref<128xi32, #tpu.memory_space<hbm>>
        tpu.enqueue_dma source(%dma_start3A_39 : memref<128xi32, #tpu.memory_space<hbm>>) target(%arg6 : memref<128xi32, #tpu.memory_space<vmem>>) target_semaphore(%run_scoped3A : memref<!tpu.dma_semaphore, #tpu.memory_space<semaphore_mem>>)
        %dma_wait3A_40 = tpu.memref_slice %arg3[%add3A_33] : memref<323584xi32, #tpu.memory_space<hbm>> -> memref<128xi32, #tpu.memory_space<hbm>>
        %dma_wait3A_41 = tpu.memref_slice %arg3[%add3A_33] : memref<323584xi32, #tpu.memory_space<hbm>> -> memref<128xi32, #tpu.memory_space<hbm>>
        tpu.wait_dma2 semaphore(%run_scoped3A : memref<!tpu.dma_semaphore, #tpu.memory_space<semaphore_mem>>) src(%dma_wait3A_41 : memref<128xi32, #tpu.memory_space<hbm>>) dst(%arg6 : memref<128xi32, #tpu.memory_space<vmem>>)
        tpu.yield
      }) : () -> ()
      "tpu.region"() ({
        %run_scoped3A = tpu.sem_alloc : memref<!tpu.dma_semaphore, #tpu.memory_space<semaphore_mem>>
        %dma_start3A_38 = tpu.memref_slice %arg4[%add3A_33] : memref<323584xi32, #tpu.memory_space<hbm>> -> memref<128xi32, #tpu.memory_space<hbm>>
        %dma_start3A_39 = tpu.memref_slice %arg4[%add3A_33] : memref<323584xi32, #tpu.memory_space<hbm>> -> memref<128xi32, #tpu.memory_space<hbm>>
        tpu.enqueue_dma source(%dma_start3A_39 : memref<128xi32, #tpu.memory_space<hbm>>) target(%arg7 : memref<128xi32, #tpu.memory_space<vmem>>) target_semaphore(%run_scoped3A : memref<!tpu.dma_semaphore, #tpu.memory_space<semaphore_mem>>)
        %dma_wait3A_40 = tpu.memref_slice %arg4[%add3A_33] : memref<323584xi32, #tpu.memory_space<hbm>> -> memref<128xi32, #tpu.memory_space<hbm>>
        %dma_wait3A_41 = tpu.memref_slice %arg4[%add3A_33] : memref<323584xi32, #tpu.memory_space<hbm>> -> memref<128xi32, #tpu.memory_space<hbm>>
        tpu.wait_dma2 semaphore(%run_scoped3A : memref<!tpu.dma_semaphore, #tpu.memory_space<semaphore_mem>>) src(%dma_wait3A_41 : memref<128xi32, #tpu.memory_space<hbm>>) dst(%arg7 : memref<128xi32, #tpu.memory_space<vmem>>)
        tpu.yield
      }) : () -> ()
      %dma_start3A = arith.constant 0 : i32
      %dma_start3A_34 = arith.constant 0 : i32
      %dma_start3A_35 = tpu.memref_slice %arg2[%dma_start3A, %dma_start3A_34] : memref<10000x128xf32, #tpu.memory_space<hbm>> -> memref<10000x128xf32, #tpu.memory_space<hbm>>
      tpu.enqueue_indirect_dma source(%dma_start3A_35 : memref<10000x128xf32, #tpu.memory_space<hbm>>) target(%arg8 : memref<128x128xf32, #tpu.memory_space<vmem>>) offsets(%arg6 : memref<128xi32, #tpu.memory_space<vmem>>) semaphore(%arg11 : memref<!tpu.dma_semaphore, #tpu.memory_space<semaphore_mem>>)
      %dma_wait3A = arith.constant 0 : i32
      %dma_wait3A_36 = arith.constant 0 : i32
      %dma_wait3A_37 = tpu.memref_slice %arg2[%dma_wait3A, %dma_wait3A_36] : memref<10000x128xf32, #tpu.memory_space<hbm>> -> memref<10000x128xf32, #tpu.memory_space<hbm>>
      tpu.wait_indirect_dma semaphore(%arg11 : memref<!tpu.dma_semaphore, #tpu.memory_space<semaphore_mem>>) src(%dma_wait3A_37 : memref<10000x128xf32, #tpu.memory_space<hbm>>) dst(%arg8 : memref<128x128xf32, #tpu.memory_space<vmem>>)
      "tpu.region"() ({
        %run_scoped3A = tpu.sem_alloc : memref<!tpu.dma_semaphore, #tpu.memory_space<semaphore_mem>>
        %dma_start3A_38 = arith.constant 0 : i32
        %dma_start3A_39 = arith.constant 0 : i32
        %dma_start3A_40 = tpu.memref_slice %arg10[%dma_start3A_38, %dma_start3A_39] : memref<10240x128xf32, #tpu.memory_space<vmem_shared>> -> memref<10240x128xf32, #tpu.memory_space<vmem_shared>>
        tpu.enqueue_indirect_dma source(%arg8 : memref<128x128xf32, #tpu.memory_space<vmem>>) target(%dma_start3A_40 : memref<10240x128xf32, #tpu.memory_space<vmem_shared>>) offsets(%arg7 : memref<128xi32, #tpu.memory_space<vmem>>) semaphore(%run_scoped3A : memref<!tpu.dma_semaphore, #tpu.memory_space<semaphore_mem>>) {add = true}
        %dma_wait3A_41 = arith.constant 0 : i32
        %dma_wait3A_42 = arith.constant 0 : i32
        %dma_wait3A_43 = tpu.memref_slice %arg10[%dma_wait3A_41, %dma_wait3A_42] : memref<10240x128xf32, #tpu.memory_space<vmem_shared>> -> memref<10240x128xf32, #tpu.memory_space<vmem_shared>>
        tpu.wait_indirect_dma semaphore(%run_scoped3A : memref<!tpu.dma_semaphore, #tpu.memory_space<semaphore_mem>>) src(%arg8 : memref<128x128xf32, #tpu.memory_space<vmem>>) dst(%dma_wait3A_43 : memref<10240x128xf32, #tpu.memory_space<vmem_shared>>)
        tpu.yield
      }) : () -> ()
    }
    %scan3A_17 = arith.constant 79 : i32
    %barrier3A_18 = arith.constant 0 : index
    tpu.barrier barrier_id(%barrier3A_18)
    %scan3A_19 = arith.constant 0 : i32
    %scan3A_20 = arith.constant 10 : i32
    %scan3A_21 = arith.addi %scan3A_19, %scan3A_20 : i32
    %scan3A_22 = arith.constant 1 : i32
    scf.for %scan3A_24 = %scan3A_19 to %scan3A_21 step %scan3A_22  : i32 {
      %mul3A_25 = arith.constant 1 : i32
      %mul3A_26 = arith.muli %scan3A_24, %mul3A_25 : i32
      %add3A_27 = arith.constant 0 : i32
      %add3A_28 = arith.addi %add3A_27, %mul3A_26 : i32
      %mul3A_29 = arith.constant 64 : i32
      %mul3A_30 = arith.muli %add3A_28, %mul3A_29 : i32
      %add3A_31 = arith.addi %mul3A_7, %mul3A_30 : i32
      "tpu.region"() ({
        %run_scoped3A = tpu.sem_alloc : memref<!tpu.dma_semaphore, #tpu.memory_space<semaphore_mem>>
        %dma_start3A = arith.constant 0 : i32
        %dma_start3A_32 = tpu.memref_slice %arg10[%add3A_31, %dma_start3A] : memref<10240x128xf32, #tpu.memory_space<vmem_shared>> -> memref<64x128xf32, #tpu.memory_space<vmem_shared>>
        %dma_start3A_33 = arith.constant 0 : i32
        %dma_start3A_34 = tpu.memref_slice %arg10[%add3A_31, %dma_start3A_33] : memref<10240x128xf32, #tpu.memory_space<vmem_shared>> -> memref<64x128xf32, #tpu.memory_space<vmem_shared>>
        tpu.enqueue_dma source(%dma_start3A_34 : memref<64x128xf32, #tpu.memory_space<vmem_shared>>) target(%arg9 : memref<64x128xf32, #tpu.memory_space<vmem>>) target_semaphore(%run_scoped3A : memref<!tpu.dma_semaphore, #tpu.memory_space<semaphore_mem>>)
        %dma_wait3A = arith.constant 0 : i32
        %dma_wait3A_35 = tpu.memref_slice %arg10[%add3A_31, %dma_wait3A] : memref<10240x128xf32, #tpu.memory_space<vmem_shared>> -> memref<64x128xf32, #tpu.memory_space<vmem_shared>>
        %dma_wait3A_36 = arith.constant 0 : i32
        %dma_wait3A_37 = tpu.memref_slice %arg10[%add3A_31, %dma_wait3A_36] : memref<10240x128xf32, #tpu.memory_space<vmem_shared>> -> memref<64x128xf32, #tpu.memory_space<vmem_shared>>
        tpu.wait_dma2 semaphore(%run_scoped3A : memref<!tpu.dma_semaphore, #tpu.memory_space<semaphore_mem>>) src(%dma_wait3A_37 : memref<64x128xf32, #tpu.memory_space<vmem_shared>>) dst(%arg9 : memref<64x128xf32, #tpu.memory_space<vmem>>)
        tpu.yield
      }) : () -> ()
      "tpu.region"() ({
        %run_scoped3A = tpu.sem_alloc : memref<!tpu.dma_semaphore, #tpu.memory_space<semaphore_mem>>
        %dma_start3A = arith.constant 0 : i32
        %dma_start3A_32 = tpu.memref_slice %arg5[%arg0, %add3A_31, %dma_start3A] : memref<2x10240x128xf32, #tpu.memory_space<hbm>> -> memref<1x64x128xf32, #tpu.memory_space<hbm>>
        %dma_start3A_33 = tpu.memref_squeeze %dma_start3A_32 : memref<1x64x128xf32, #tpu.memory_space<hbm>> -> memref<64x128xf32, #tpu.memory_space<hbm>>
        %dma_start3A_34 = arith.constant 0 : i32
        %dma_start3A_35 = tpu.memref_slice %arg5[%arg0, %add3A_31, %dma_start3A_34] : memref<2x10240x128xf32, #tpu.memory_space<hbm>> -> memref<1x64x128xf32, #tpu.memory_space<hbm>>
        %dma_start3A_36 = tpu.memref_squeeze %dma_start3A_35 : memref<1x64x128xf32, #tpu.memory_space<hbm>> -> memref<64x128xf32, #tpu.memory_space<hbm>>
        tpu.enqueue_dma source(%arg9 : memref<64x128xf32, #tpu.memory_space<vmem>>) target(%dma_start3A_36 : memref<64x128xf32, #tpu.memory_space<hbm>>) target_semaphore(%run_scoped3A : memref<!tpu.dma_semaphore, #tpu.memory_space<semaphore_mem>>)
        %dma_wait3A = arith.constant 0 : i32
        %dma_wait3A_37 = tpu.memref_slice %arg5[%arg0, %add3A_31, %dma_wait3A] : memref<2x10240x128xf32, #tpu.memory_space<hbm>> -> memref<1x64x128xf32, #tpu.memory_space<hbm>>
        %dma_wait3A_38 = tpu.memref_squeeze %dma_wait3A_37 : memref<1x64x128xf32, #tpu.memory_space<hbm>> -> memref<64x128xf32, #tpu.memory_space<hbm>>
        %dma_wait3A_39 = arith.constant 0 : i32
        %dma_wait3A_40 = tpu.memref_slice %arg5[%arg0, %add3A_31, %dma_wait3A_39] : memref<2x10240x128xf32, #tpu.memory_space<hbm>> -> memref<1x64x128xf32, #tpu.memory_space<hbm>>
        %dma_wait3A_41 = tpu.memref_squeeze %dma_wait3A_40 : memref<1x64x128xf32, #tpu.memory_space<hbm>> -> memref<64x128xf32, #tpu.memory_space<hbm>>
        tpu.wait_dma2 semaphore(%run_scoped3A : memref<!tpu.dma_semaphore, #tpu.memory_space<semaphore_mem>>) src(%arg9 : memref<64x128xf32, #tpu.memory_space<vmem>>) dst(%dma_wait3A_41 : memref<64x128xf32, #tpu.memory_space<hbm>>)
        tpu.yield
      }) : () -> ()
    }
    %scan3A_23 = arith.constant 10 : i32
    return
  }
}

#map = affine_map<(d0, d1) -> (0, 0)>
#map1 = affine_map<(d0, d1) -> (0)>
#map2 = affine_map<(d0, d1) -> (0, 0, 0)>
module attributes {stable_mosaic.version = 14 : i64} {
  func.func @_agg_kernel(%arg0: i32, %arg1: i32, %arg2: memref<10000x128xf32, #tpu.memory_space<hbm>>, %arg3: memref<323584xi32, #tpu.memory_space<hbm>>, %arg4: memref<323584xi32, #tpu.memory_space<hbm>>, %arg5: memref<2x10240x128xf32, #tpu.memory_space<hbm>>, %arg6: memref<128xi32, #tpu.memory_space<vmem>>, %arg7: memref<128xi32, #tpu.memory_space<vmem>>, %arg8: memref<128x128xf32, #tpu.memory_space<vmem>>, %arg9: memref<64x128xf32, #tpu.memory_space<vmem>>, %arg10: memref<10240x128xf32, #tpu.memory_space<vmem_shared>>, %arg11: memref<!tpu.dma_semaphore, #tpu.memory_space<semaphore_mem>>) attributes {dimension_semantics = [#tpu.dimension_semantics<core_parallel>, #tpu.dimension_semantics<subcore_parallel>], iteration_bounds = array<i64: 2, 16>, scalar_prefetch = 0 : i64, scratch_operands = 6 : i64, tpu.core_type = #tpu.core_type<sc_vector_subcore>, window_params = [{transform_indices = #map}, {transform_indices = #map1}, {transform_indices = #map1}, {transform_indices = #map2}]} {
    %mul3A = arith.constant 2 : i32
    %mul3A_0 = arith.muli %arg1, %mul3A : i32
    %add3A = arith.addi %mul3A_0, %arg0 : i32
    %broadcast_in_dim3A = arith.constant 0.000000e+00 : f32
    %broadcast_in_dim3A_1 = vector.broadcast %broadcast_in_dim3A : f32 to vector<16xf32>
    %scan3A = arith.constant 0 : i32
    %scan3A_2 = arith.constant 64 : i32
    %scan3A_3 = arith.addi %scan3A, %scan3A_2 : i32
    %scan3A_4 = arith.constant 1 : i32
    scf.for %scan3A_24 = %scan3A to %scan3A_3 step %scan3A_4  : i32 {
      %mul3A_25 = arith.constant 1 : i32
      %mul3A_26 = arith.muli %scan3A_24, %mul3A_25 : i32
      %add3A_27 = arith.constant 0 : i32
      %add3A_28 = arith.addi %add3A_27, %mul3A_26 : i32
      %swap3A = arith.index_cast %add3A_28 : i32 to index
      %swap3A_29 = arith.constant 0 : index
      %swap3A_30 = tpu.vector_load %arg9[%swap3A, %swap3A_29] {strides = array<i32>} : memref<64x128xf32, #tpu.memory_space<vmem>>, vector<16xf32>,
      tpu.vector_store %arg9[%swap3A, %swap3A_29], %broadcast_in_dim3A_1 {strides = array<i32>} : memref<64x128xf32, #tpu.memory_space<vmem>>, vector<16xf32>,
      %swap3A_31 = arith.index_cast %add3A_28 : i32 to index
      %swap3A_32 = arith.constant 16 : index
      %swap3A_33 = tpu.vector_load %arg9[%swap3A_31, %swap3A_32] {strides = array<i32>} : memref<64x128xf32, #tpu.memory_space<vmem>>, vector<16xf32>,
      tpu.vector_store %arg9[%swap3A_31, %swap3A_32], %broadcast_in_dim3A_1 {strides = array<i32>} : memref<64x128xf32, #tpu.memory_space<vmem>>, vector<16xf32>,
      %swap3A_34 = arith.index_cast %add3A_28 : i32 to index
      %swap3A_35 = arith.constant 32 : index
      %swap3A_36 = tpu.vector_load %arg9[%swap3A_34, %swap3A_35] {strides = array<i32>} : memref<64x128xf32, #tpu.memory_space<vmem>>, vector<16xf32>,
      tpu.vector_store %arg9[%swap3A_34, %swap3A_35], %broadcast_in_dim3A_1 {strides = array<i32>} : memref<64x128xf32, #tpu.memory_space<vmem>>, vector<16xf32>,
      %swap3A_37 = arith.index_cast %add3A_28 : i32 to index
      %swap3A_38 = arith.constant 48 : index
      %swap3A_39 = tpu.vector_load %arg9[%swap3A_37, %swap3A_38] {strides = array<i32>} : memref<64x128xf32, #tpu.memory_space<vmem>>, vector<16xf32>,
      tpu.vector_store %arg9[%swap3A_37, %swap3A_38], %broadcast_in_dim3A_1 {strides = array<i32>} : memref<64x128xf32, #tpu.memory_space<vmem>>, vector<16xf32>,
      %swap3A_40 = arith.index_cast %add3A_28 : i32 to index
      %swap3A_41 = arith.constant 64 : index
      %swap3A_42 = tpu.vector_load %arg9[%swap3A_40, %swap3A_41] {strides = array<i32>} : memref<64x128xf32, #tpu.memory_space<vmem>>, vector<16xf32>,
      tpu.vector_store %arg9[%swap3A_40, %swap3A_41], %broadcast_in_dim3A_1 {strides = array<i32>} : memref<64x128xf32, #tpu.memory_space<vmem>>, vector<16xf32>,
      %swap3A_43 = arith.index_cast %add3A_28 : i32 to index
      %swap3A_44 = arith.constant 80 : index
      %swap3A_45 = tpu.vector_load %arg9[%swap3A_43, %swap3A_44] {strides = array<i32>} : memref<64x128xf32, #tpu.memory_space<vmem>>, vector<16xf32>,
      tpu.vector_store %arg9[%swap3A_43, %swap3A_44], %broadcast_in_dim3A_1 {strides = array<i32>} : memref<64x128xf32, #tpu.memory_space<vmem>>, vector<16xf32>,
      %swap3A_46 = arith.index_cast %add3A_28 : i32 to index
      %swap3A_47 = arith.constant 96 : index
      %swap3A_48 = tpu.vector_load %arg9[%swap3A_46, %swap3A_47] {strides = array<i32>} : memref<64x128xf32, #tpu.memory_space<vmem>>, vector<16xf32>,
      tpu.vector_store %arg9[%swap3A_46, %swap3A_47], %broadcast_in_dim3A_1 {strides = array<i32>} : memref<64x128xf32, #tpu.memory_space<vmem>>, vector<16xf32>,
      %swap3A_49 = arith.index_cast %add3A_28 : i32 to index
      %swap3A_50 = arith.constant 112 : index
      %swap3A_51 = tpu.vector_load %arg9[%swap3A_49, %swap3A_50] {strides = array<i32>} : memref<64x128xf32, #tpu.memory_space<vmem>>, vector<16xf32>,
      tpu.vector_store %arg9[%swap3A_49, %swap3A_50], %broadcast_in_dim3A_1 {strides = array<i32>} : memref<64x128xf32, #tpu.memory_space<vmem>>, vector<16xf32>,
    }
    %scan3A_5 = arith.constant 64 : i32
    %mul3A_6 = arith.constant 640 : i32
    %mul3A_7 = arith.muli %arg1, %mul3A_6 : i32
    %scan3A_8 = arith.constant 0 : i32
    %scan3A_9 = arith.constant 10 : i32
    %scan3A_10 = arith.addi %scan3A_8, %scan3A_9 : i32
    %scan3A_11 = arith.constant 1 : i32
    scf.for %scan3A_24 = %scan3A_8 to %scan3A_10 step %scan3A_11  : i32 {
      %mul3A_25 = arith.constant 1 : i32
      %mul3A_26 = arith.muli %scan3A_24, %mul3A_25 : i32
      %add3A_27 = arith.constant 0 : i32
      %add3A_28 = arith.addi %add3A_27, %mul3A_26 : i32
      %mul3A_29 = arith.constant 64 : i32
      %mul3A_30 = arith.muli %add3A_28, %mul3A_29 : i32
      %add3A_31 = arith.addi %mul3A_7, %mul3A_30 : i32
      "tpu.region"() ({
        %run_scoped3A = tpu.sem_alloc : memref<!tpu.dma_semaphore, #tpu.memory_space<semaphore_mem>>
        %dma_start3A = arith.constant 0 : i32
        %dma_start3A_32 = tpu.memref_slice %arg10[%add3A_31, %dma_start3A] : memref<10240x128xf32, #tpu.memory_space<vmem_shared>> -> memref<64x128xf32, #tpu.memory_space<vmem_shared>>
        %dma_start3A_33 = arith.constant 0 : i32
        %dma_start3A_34 = tpu.memref_slice %arg10[%add3A_31, %dma_start3A_33] : memref<10240x128xf32, #tpu.memory_space<vmem_shared>> -> memref<64x128xf32, #tpu.memory_space<vmem_shared>>
        tpu.enqueue_dma source(%arg9 : memref<64x128xf32, #tpu.memory_space<vmem>>) target(%dma_start3A_34 : memref<64x128xf32, #tpu.memory_space<vmem_shared>>) target_semaphore(%run_scoped3A : memref<!tpu.dma_semaphore, #tpu.memory_space<semaphore_mem>>)
        %dma_wait3A = arith.constant 0 : i32
        %dma_wait3A_35 = tpu.memref_slice %arg10[%add3A_31, %dma_wait3A] : memref<10240x128xf32, #tpu.memory_space<vmem_shared>> -> memref<64x128xf32, #tpu.memory_space<vmem_shared>>
        %dma_wait3A_36 = arith.constant 0 : i32
        %dma_wait3A_37 = tpu.memref_slice %arg10[%add3A_31, %dma_wait3A_36] : memref<10240x128xf32, #tpu.memory_space<vmem_shared>> -> memref<64x128xf32, #tpu.memory_space<vmem_shared>>
        tpu.wait_dma2 semaphore(%run_scoped3A : memref<!tpu.dma_semaphore, #tpu.memory_space<semaphore_mem>>) src(%arg9 : memref<64x128xf32, #tpu.memory_space<vmem>>) dst(%dma_wait3A_37 : memref<64x128xf32, #tpu.memory_space<vmem_shared>>)
        tpu.yield
      }) : () -> ()
    }
    %scan3A_12 = arith.constant 10 : i32
    %barrier3A = arith.constant 0 : index
    tpu.barrier barrier_id(%barrier3A)
    %scan3A_13 = arith.constant 0 : i32
    %scan3A_14 = arith.constant 79 : i32
    %scan3A_15 = arith.addi %scan3A_13, %scan3A_14 : i32
    %scan3A_16 = arith.constant 1 : i32
    scf.for %scan3A_24 = %scan3A_13 to %scan3A_15 step %scan3A_16  : i32 {
      %mul3A_25 = arith.constant 1 : i32
      %mul3A_26 = arith.muli %scan3A_24, %mul3A_25 : i32
      %add3A_27 = arith.constant 0 : i32
      %add3A_28 = arith.addi %add3A_27, %mul3A_26 : i32
      %mul3A_29 = arith.constant 10112 : i32
      %mul3A_30 = arith.muli %add3A, %mul3A_29 : i32
      %mul3A_31 = arith.constant 128 : i32
      %mul3A_32 = arith.muli %add3A_28, %mul3A_31 : i32
      %add3A_33 = arith.addi %mul3A_30, %mul3A_32 : i32
      "tpu.region"() ({
        %run_scoped3A = tpu.sem_alloc : memref<!tpu.dma_semaphore, #tpu.memory_space<semaphore_mem>>
        %dma_start3A_38 = tpu.memref_slice %arg3[%add3A_33] : memref<323584xi32, #tpu.memory_space<hbm>> -> memref<128xi32, #tpu.memory_space<hbm>>
        %dma_start3A_39 = tpu.memref_slice %arg3[%add3A_33] : memref<323584xi32, #tpu.memory_space<hbm>> -> memref<128xi32, #tpu.memory_space<hbm>>
        tpu.enqueue_dma source(%dma_start3A_39 : memref<128xi32, #tpu.memory_space<hbm>>) target(%arg6 : memref<128xi32, #tpu.memory_space<vmem>>) target_semaphore(%run_scoped3A : memref<!tpu.dma_semaphore, #tpu.memory_space<semaphore_mem>>)
        %dma_wait3A_40 = tpu.memref_slice %arg3[%add3A_33] : memref<323584xi32, #tpu.memory_space<hbm>> -> memref<128xi32, #tpu.memory_space<hbm>>
        %dma_wait3A_41 = tpu.memref_slice %arg3[%add3A_33] : memref<323584xi32, #tpu.memory_space<hbm>> -> memref<128xi32, #tpu.memory_space<hbm>>
        tpu.wait_dma2 semaphore(%run_scoped3A : memref<!tpu.dma_semaphore, #tpu.memory_space<semaphore_mem>>) src(%dma_wait3A_41 : memref<128xi32, #tpu.memory_space<hbm>>) dst(%arg6 : memref<128xi32, #tpu.memory_space<vmem>>)
        tpu.yield
      }) : () -> ()
      "tpu.region"() ({
        %run_scoped3A = tpu.sem_alloc : memref<!tpu.dma_semaphore, #tpu.memory_space<semaphore_mem>>
        %dma_start3A_38 = tpu.memref_slice %arg4[%add3A_33] : memref<323584xi32, #tpu.memory_space<hbm>> -> memref<128xi32, #tpu.memory_space<hbm>>
        %dma_start3A_39 = tpu.memref_slice %arg4[%add3A_33] : memref<323584xi32, #tpu.memory_space<hbm>> -> memref<128xi32, #tpu.memory_space<hbm>>
        tpu.enqueue_dma source(%dma_start3A_39 : memref<128xi32, #tpu.memory_space<hbm>>) target(%arg7 : memref<128xi32, #tpu.memory_space<vmem>>) target_semaphore(%run_scoped3A : memref<!tpu.dma_semaphore, #tpu.memory_space<semaphore_mem>>)
        %dma_wait3A_40 = tpu.memref_slice %arg4[%add3A_33] : memref<323584xi32, #tpu.memory_space<hbm>> -> memref<128xi32, #tpu.memory_space<hbm>>
        %dma_wait3A_41 = tpu.memref_slice %arg4[%add3A_33] : memref<323584xi32, #tpu.memory_space<hbm>> -> memref<128xi32, #tpu.memory_space<hbm>>
        tpu.wait_dma2 semaphore(%run_scoped3A : memref<!tpu.dma_semaphore, #tpu.memory_space<semaphore_mem>>) src(%dma_wait3A_41 : memref<128xi32, #tpu.memory_space<hbm>>) dst(%arg7 : memref<128xi32, #tpu.memory_space<vmem>>)
        tpu.yield
      }) : () -> ()
      %dma_start3A = arith.constant 0 : i32
      %dma_start3A_34 = arith.constant 0 : i32
      %dma_start3A_35 = tpu.memref_slice %arg2[%dma_start3A, %dma_start3A_34] : memref<10000x128xf32, #tpu.memory_space<hbm>> -> memref<10000x128xf32, #tpu.memory_space<hbm>>
      tpu.enqueue_indirect_dma source(%dma_start3A_35 : memref<10000x128xf32, #tpu.memory_space<hbm>>) target(%arg8 : memref<128x128xf32, #tpu.memory_space<vmem>>) offsets(%arg6 : memref<128xi32, #tpu.memory_space<vmem>>) semaphore(%arg11 : memref<!tpu.dma_semaphore, #tpu.memory_space<semaphore_mem>>)
      %dma_wait3A = arith.constant 0 : i32
      %dma_wait3A_36 = arith.constant 0 : i32
      %dma_wait3A_37 = tpu.memref_slice %arg2[%dma_wait3A, %dma_wait3A_36] : memref<10000x128xf32, #tpu.memory_space<hbm>> -> memref<10000x128xf32, #tpu.memory_space<hbm>>
      tpu.wait_indirect_dma semaphore(%arg11 : memref<!tpu.dma_semaphore, #tpu.memory_space<semaphore_mem>>) src(%dma_wait3A_37 : memref<10000x128xf32, #tpu.memory_space<hbm>>) dst(%arg8 : memref<128x128xf32, #tpu.memory_space<vmem>>)
      "tpu.region"() ({
        %run_scoped3A = tpu.sem_alloc : memref<!tpu.dma_semaphore, #tpu.memory_space<semaphore_mem>>
        %dma_start3A_38 = arith.constant 0 : i32
        %dma_start3A_39 = arith.constant 0 : i32
        %dma_start3A_40 = tpu.memref_slice %arg10[%dma_start3A_38, %dma_start3A_39] : memref<10240x128xf32, #tpu.memory_space<vmem_shared>> -> memref<10240x128xf32, #tpu.memory_space<vmem_shared>>
        tpu.enqueue_indirect_dma source(%arg8 : memref<128x128xf32, #tpu.memory_space<vmem>>) target(%dma_start3A_40 : memref<10240x128xf32, #tpu.memory_space<vmem_shared>>) offsets(%arg7 : memref<128xi32, #tpu.memory_space<vmem>>) semaphore(%run_scoped3A : memref<!tpu.dma_semaphore, #tpu.memory_space<semaphore_mem>>) {add = true}
        %dma_wait3A_41 = arith.constant 0 : i32
        %dma_wait3A_42 = arith.constant 0 : i32
        %dma_wait3A_43 = tpu.memref_slice %arg10[%dma_wait3A_41, %dma_wait3A_42] : memref<10240x128xf32, #tpu.memory_space<vmem_shared>> -> memref<10240x128xf32, #tpu.memory_space<vmem_shared>>
        tpu.wait_indirect_dma semaphore(%run_scoped3A : memref<!tpu.dma_semaphore, #tpu.memory_space<semaphore_mem>>) src(%arg8 : memref<128x128xf32, #tpu.memory_space<vmem>>) dst(%dma_wait3A_43 : memref<10240x128xf32, #tpu.memory_space<vmem_shared>>)
        tpu.yield
      }) : () -> ()
    }
    %scan3A_17 = arith.constant 79 : i32
    %barrier3A_18 = arith.constant 0 : index
    tpu.barrier barrier_id(%barrier3A_18)
    %scan3A_19 = arith.constant 0 : i32
    %scan3A_20 = arith.constant 10 : i32
    %scan3A_21 = arith.addi %scan3A_19, %scan3A_20 : i32
    %scan3A_22 = arith.constant 1 : i32
    scf.for %scan3A_24 = %scan3A_19 to %scan3A_21 step %scan3A_22  : i32 {
      %mul3A_25 = arith.constant 1 : i32
      %mul3A_26 = arith.muli %scan3A_24, %mul3A_25 : i32
      %add3A_27 = arith.constant 0 : i32
      %add3A_28 = arith.addi %add3A_27, %mul3A_26 : i32
      %mul3A_29 = arith.constant 64 : i32
      %mul3A_30 = arith.muli %add3A_28, %mul3A_29 : i32
      %add3A_31 = arith.addi %mul3A_7, %mul3A_30 : i32
      "tpu.region"() ({
        %run_scoped3A = tpu.sem_alloc : memref<!tpu.dma_semaphore, #tpu.memory_space<semaphore_mem>>
        %dma_start3A = arith.constant 0 : i32
        %dma_start3A_32 = tpu.memref_slice %arg10[%add3A_31, %dma_start3A] : memref<10240x128xf32, #tpu.memory_space<vmem_shared>> -> memref<64x128xf32, #tpu.memory_space<vmem_shared>>
        %dma_start3A_33 = arith.constant 0 : i32
        %dma_start3A_34 = tpu.memref_slice %arg10[%add3A_31, %dma_start3A_33] : memref<10240x128xf32, #tpu.memory_space<vmem_shared>> -> memref<64x128xf32, #tpu.memory_space<vmem_shared>>
        tpu.enqueue_dma source(%dma_start3A_34 : memref<64x128xf32, #tpu.memory_space<vmem_shared>>) target(%arg9 : memref<64x128xf32, #tpu.memory_space<vmem>>) target_semaphore(%run_scoped3A : memref<!tpu.dma_semaphore, #tpu.memory_space<semaphore_mem>>)
        %dma_wait3A = arith.constant 0 : i32
        %dma_wait3A_35 = tpu.memref_slice %arg10[%add3A_31, %dma_wait3A] : memref<10240x128xf32, #tpu.memory_space<vmem_shared>> -> memref<64x128xf32, #tpu.memory_space<vmem_shared>>
        %dma_wait3A_36 = arith.constant 0 : i32
        %dma_wait3A_37 = tpu.memref_slice %arg10[%add3A_31, %dma_wait3A_36] : memref<10240x128xf32, #tpu.memory_space<vmem_shared>> -> memref<64x128xf32, #tpu.memory_space<vmem_shared>>
        tpu.wait_dma2 semaphore(%run_scoped3A : memref<!tpu.dma_semaphore, #tpu.memory_space<semaphore_mem>>) src(%dma_wait3A_37 : memref<64x128xf32, #tpu.memory_space<vmem_shared>>) dst(%arg9 : memref<64x128xf32, #tpu.memory_space<vmem>>)
        tpu.yield
      }) : () -> ()
      "tpu.region"() ({
        %run_scoped3A = tpu.sem_alloc : memref<!tpu.dma_semaphore, #tpu.memory_space<semaphore_mem>>
        %dma_start3A = arith.constant 0 : i32
        %dma_start3A_32 = tpu.memref_slice %arg5[%arg0, %add3A_31, %dma_start3A] : memref<2x10240x128xf32, #tpu.memory_space<hbm>> -> memref<1x64x128xf32, #tpu.memory_space<hbm>>
        %dma_start3A_33 = tpu.memref_squeeze %dma_start3A_32 : memref<1x64x128xf32, #tpu.memory_space<hbm>> -> memref<64x128xf32, #tpu.memory_space<hbm>>
        %dma_start3A_34 = arith.constant 0 : i32
        %dma_start3A_35 = tpu.memref_slice %arg5[%arg0, %add3A_31, %dma_start3A_34] : memref<2x10240x128xf32, #tpu.memory_space<hbm>> -> memref<1x64x128xf32, #tpu.memory_space<hbm>>
        %dma_start3A_36 = tpu.memref_squeeze %dma_start3A_35 : memref<1x64x128xf32, #tpu.memory_space<hbm>> -> memref<64x128xf32, #tpu.memory_space<hbm>>
        tpu.enqueue_dma source(%arg9 : memref<64x128xf32, #tpu.memory_space<vmem>>) target(%dma_start3A_36 : memref<64x128xf32, #tpu.memory_space<hbm>>) target_semaphore(%run_scoped3A : memref<!tpu.dma_semaphore, #tpu.memory_space<semaphore_mem>>)
        %dma_wait3A = arith.constant 0 : i32
        %dma_wait3A_37 = tpu.memref_slice %arg5[%arg0, %add3A_31, %dma_wait3A] : memref<2x10240x128xf32, #tpu.memory_space<hbm>> -> memref<1x64x128xf32, #tpu.memory_space<hbm>>
        %dma_wait3A_38 = tpu.memref_squeeze %dma_wait3A_37 : memref<1x64x128xf32, #tpu.memory_space<hbm>> -> memref<64x128xf32, #tpu.memory_space<hbm>>
        %dma_wait3A_39 = arith.constant 0 : i32
        %dma_wait3A_40 = tpu.memref_slice %arg5[%arg0, %add3A_31, %dma_wait3A_39] : memref<2x10240x128xf32, #tpu.memory_space<hbm>> -> memref<1x64x128xf32, #tpu.memory_space<hbm>>
        %dma_wait3A_41 = tpu.memref_squeeze %dma_wait3A_40 : memref<1x64x128xf32, #tpu.memory_space<hbm>> -> memref<64x128xf32, #tpu.memory_space<hbm>>
        tpu.wait_dma2 semaphore(%run_scoped3A : memref<!tpu.dma_semaphore, #tpu.memory_space<semaphore_mem>>) src(%arg9 : memref<64x128xf32, #tpu.memory_space<vmem>>) dst(%dma_wait3A_41 : memref<64x128xf32, #tpu.memory_space<hbm>>)
        tpu.yield
      }) : () -> ()
    }
    %scan3A_23 = arith.constant 10 : i32
    return
  }
}

module attributes {stable_mosaic.version = 14 : i64} {
  func.func @_tc_init_body(%arg0: i32, %arg1: memref<1000x128xf32, #tpu.memory_space<vmem>>, %arg2: memref<1000x1xf32, #tpu.memory_space<vmem>>, %arg3: memref<1000x1xf32, #tpu.memory_space<vmem>>, %arg4: memref<4xf32, #tpu.memory_space<smem>>, %arg5: memref<1000x128xf32, #tpu.memory_space<vmem>>, %arg6: memref<1000x128xf32, #tpu.memory_space<vmem>>) attributes {dimension_semantics = [#tpu.dimension_semantics<arbitrary>], iteration_bounds = array<i64: 10>, scalar_prefetch = 0 : i64, scratch_operands = 0 : i64, tpu.core_type = #tpu.core_type<tc>, window_params = [{transform_indices = @transform_0, window_bounds = array<i64: 1000, 128>}, {transform_indices = @transform_1, window_bounds = array<i64: 1000, 1>}, {transform_indices = @transform_2, window_bounds = array<i64: 1000, 1>}, {transform_indices = @transform_3, window_bounds = array<i64: 4>}, {transform_indices = @transform_4, window_bounds = array<i64: 1000, 128>}, {transform_indices = @transform_5, window_bounds = array<i64: 1000, 128>}]} {
    %get3A = arith.constant 0 : index
    %get3A_0 = arith.constant 0 : index
    %get3A_1 = vector.load %arg2[%get3A, %get3A_0] : memref<1000x1xf32, #tpu.memory_space<vmem>>, vector<1000x1xf32>
    %get3A_2 = arith.constant 0 : index
    %get3A_3 = arith.constant 0 : index
    %get3A_4 = vector.load %arg3[%get3A_2, %get3A_3] : memref<1000x1xf32, #tpu.memory_space<vmem>>, vector<1000x1xf32>
    %add3A = arith.addf %get3A_1, %get3A_4 : vector<1000x1xf32>
    %max3A = arith.constant 1.000000e+00 : f32
    %max3A_5 = vector.broadcast %max3A : f32 to vector<1000x1xf32>
    %max3A_6 = arith.maximumf %add3A, %max3A_5 : vector<1000x1xf32>
    %sqrt3A = math.sqrt %max3A_6 : vector<1000x1xf32>
    %div3A = arith.constant 1.000000e+00 : f32
    %div3A_7 = vector.broadcast %div3A : f32 to vector<1000x1xf32>
    %div3A_8 = arith.divf %div3A_7, %sqrt3A : vector<1000x1xf32>
    %get3A_9 = arith.constant 0 : index
    %get3A_10 = arith.constant 0 : index
    %get3A_11 = vector.load %arg1[%get3A_9, %get3A_10] : memref<1000x128xf32, #tpu.memory_space<vmem>>, vector<1000x128xf32>
    %mul3A = vector.broadcast %div3A_8 : vector<1000x1xf32> to vector<1000x128xf32>
    %mul3A_12 = arith.mulf %get3A_11, %mul3A : vector<1000x128xf32>
    %swap3A = arith.constant 0 : index
    %swap3A_13 = arith.constant 0 : index
    %swap3A_14 = vector.load %arg5[%swap3A, %swap3A_13] : memref<1000x128xf32, #tpu.memory_space<vmem>>, vector<1000x128xf32>
    tpu.vector_store %arg5[%swap3A, %swap3A_13], %mul3A_12 {strides = array<i32>} : memref<1000x128xf32, #tpu.memory_space<vmem>>, vector<1000x128xf32>,
    %get3A_15 = arith.constant 0 : index
    %get3A_16 = memref.load %arg4[%get3A_15] : memref<4xf32, #tpu.memory_space<smem>>
    %mul3A_17 = vector.broadcast %get3A_16 : f32 to vector<1000x128xf32>
    %mul3A_18 = arith.mulf %mul3A_17, %get3A_11 : vector<1000x128xf32>
    %swap3A_19 = arith.constant 0 : index
    %swap3A_20 = arith.constant 0 : index
    %swap3A_21 = vector.load %arg6[%swap3A_19, %swap3A_20] : memref<1000x128xf32, #tpu.memory_space<vmem>>, vector<1000x128xf32>
    tpu.vector_store %arg6[%swap3A_19, %swap3A_20], %mul3A_18 {strides = array<i32>} : memref<1000x128xf32, #tpu.memory_space<vmem>>, vector<1000x128xf32>,
    return
  }
  func.func @transform_0(%arg0: i32) -> (i32, i32) {
    %c0_i32 = arith.constant 0 : i32
    %c0_i32_0 = arith.constant 0 : i32
    return %arg0, %c0_i32 : i32, i32
  }
  func.func @transform_1(%arg0: i32) -> (i32, i32) {
    %c0_i32 = arith.constant 0 : i32
    %c0_i32_0 = arith.constant 0 : i32
    return %arg0, %c0_i32 : i32, i32
  }
  func.func @transform_2(%arg0: i32) -> (i32, i32) {
    %c0_i32 = arith.constant 0 : i32
    %c0_i32_0 = arith.constant 0 : i32
    return %arg0, %c0_i32 : i32, i32
  }
  func.func @transform_3(%arg0: i32) -> i32 {
    %c0_i32 = arith.constant 0 : i32
    %c0_i32_0 = arith.constant 0 : i32
    return %c0_i32 : i32
  }
  func.func @transform_4(%arg0: i32) -> (i32, i32) {
    %c0_i32 = arith.constant 0 : i32
    %c0_i32_0 = arith.constant 0 : i32
    return %arg0, %c0_i32 : i32, i32
  }
  func.func @transform_5(%arg0: i32) -> (i32, i32) {
    %c0_i32 = arith.constant 0 : i32
    %c0_i32_0 = arith.constant 0 : i32
    return %arg0, %c0_i32 : i32, i32
  }
}

module attributes {stable_mosaic.version = 14 : i64} {
  func.func @_tc_round_body(%arg0: i32, %arg1: memref<1000x128xf32, #tpu.memory_space<vmem>>, %arg2: memref<1000x128xf32, #tpu.memory_space<vmem>>, %arg3: memref<1000x128xf32, #tpu.memory_space<vmem>>, %arg4: memref<1000x1xf32, #tpu.memory_space<vmem>>, %arg5: memref<1000x1xf32, #tpu.memory_space<vmem>>, %arg6: memref<1000x128xf32, #tpu.memory_space<vmem>>, %arg7: memref<4xf32, #tpu.memory_space<smem>>, %arg8: memref<1000x128xf32, #tpu.memory_space<vmem>>, %arg9: memref<1000x128xf32, #tpu.memory_space<vmem>>, %arg10: memref<1000x128xf32, #tpu.memory_space<vmem>>) attributes {dimension_semantics = [#tpu.dimension_semantics<arbitrary>], iteration_bounds = array<i64: 10>, scalar_prefetch = 0 : i64, scratch_operands = 0 : i64, tpu.core_type = #tpu.core_type<tc>, window_params = [{transform_indices = @transform_0, window_bounds = array<i64: 1000, 128>}, {transform_indices = @transform_1, window_bounds = array<i64: 1000, 128>}, {transform_indices = @transform_2, window_bounds = array<i64: 1000, 128>}, {transform_indices = @transform_3, window_bounds = array<i64: 1000, 1>}, {transform_indices = @transform_4, window_bounds = array<i64: 1000, 1>}, {transform_indices = @transform_5, window_bounds = array<i64: 1000, 128>}, {transform_indices = @transform_6, window_bounds = array<i64: 4>}, {transform_indices = @transform_7, window_bounds = array<i64: 1000, 128>}, {transform_indices = @transform_8, window_bounds = array<i64: 1000, 128>}, {transform_indices = @transform_9, window_bounds = array<i64: 1000, 128>}]} {
    %get3A = arith.constant 0 : index
    %get3A_0 = arith.constant 0 : index
    %get3A_1 = vector.load %arg4[%get3A, %get3A_0] : memref<1000x1xf32, #tpu.memory_space<vmem>>, vector<1000x1xf32>
    %get3A_2 = arith.constant 0 : index
    %get3A_3 = arith.constant 0 : index
    %get3A_4 = vector.load %arg5[%get3A_2, %get3A_3] : memref<1000x1xf32, #tpu.memory_space<vmem>>, vector<1000x1xf32>
    %add3A = arith.addf %get3A_1, %get3A_4 : vector<1000x1xf32>
    %max3A = arith.constant 1.000000e+00 : f32
    %max3A_5 = vector.broadcast %max3A : f32 to vector<1000x1xf32>
    %max3A_6 = arith.maximumf %add3A, %max3A_5 : vector<1000x1xf32>
    %sqrt3A = math.sqrt %max3A_6 : vector<1000x1xf32>
    %div3A = arith.constant 1.000000e+00 : f32
    %div3A_7 = vector.broadcast %div3A : f32 to vector<1000x1xf32>
    %div3A_8 = arith.divf %div3A_7, %sqrt3A : vector<1000x1xf32>
    %get3A_9 = arith.constant 0 : index
    %get3A_10 = arith.constant 0 : index
    %get3A_11 = vector.load %arg1[%get3A_9, %get3A_10] : memref<1000x128xf32, #tpu.memory_space<vmem>>, vector<1000x128xf32>
    %get3A_12 = arith.constant 0 : index
    %get3A_13 = arith.constant 0 : index
    %get3A_14 = vector.load %arg2[%get3A_12, %get3A_13] : memref<1000x128xf32, #tpu.memory_space<vmem>>, vector<1000x128xf32>
    %get3A_15 = arith.constant 0 : index
    %get3A_16 = arith.constant 0 : index
    %get3A_17 = vector.load %arg3[%get3A_15, %get3A_16] : memref<1000x128xf32, #tpu.memory_space<vmem>>, vector<1000x128xf32>
    %add3A_18 = arith.addf %get3A_14, %get3A_17 : vector<1000x128xf32>
    %mul3A = vector.broadcast %div3A_8 : vector<1000x1xf32> to vector<1000x128xf32>
    %mul3A_19 = arith.mulf %add3A_18, %mul3A : vector<1000x128xf32>
    %sub3A = arith.subf %get3A_11, %mul3A_19 : vector<1000x128xf32>
    %swap3A = arith.constant 0 : index
    %swap3A_20 = arith.constant 0 : index
    %swap3A_21 = vector.load %arg8[%swap3A, %swap3A_20] : memref<1000x128xf32, #tpu.memory_space<vmem>>, vector<1000x128xf32>
    tpu.vector_store %arg8[%swap3A, %swap3A_20], %sub3A {strides = array<i32>} : memref<1000x128xf32, #tpu.memory_space<vmem>>, vector<1000x128xf32>,
    %get3A_22 = arith.constant 0 : index
    %get3A_23 = arith.constant 0 : index
    %get3A_24 = vector.load %arg6[%get3A_22, %get3A_23] : memref<1000x128xf32, #tpu.memory_space<vmem>>, vector<1000x128xf32>
    %get3A_25 = arith.constant 1 : index
    %get3A_26 = memref.load %arg7[%get3A_25] : memref<4xf32, #tpu.memory_space<smem>>
    %mul3A_27 = vector.broadcast %get3A_26 : f32 to vector<1000x128xf32>
    %mul3A_28 = arith.mulf %mul3A_27, %sub3A : vector<1000x128xf32>
    %add3A_29 = arith.addf %get3A_24, %mul3A_28 : vector<1000x128xf32>
    %swap3A_30 = arith.constant 0 : index
    %swap3A_31 = arith.constant 0 : index
    %swap3A_32 = vector.load %arg9[%swap3A_30, %swap3A_31] : memref<1000x128xf32, #tpu.memory_space<vmem>>, vector<1000x128xf32>
    tpu.vector_store %arg9[%swap3A_30, %swap3A_31], %add3A_29 {strides = array<i32>} : memref<1000x128xf32, #tpu.memory_space<vmem>>, vector<1000x128xf32>,
    %mul3A_33 = vector.broadcast %div3A_8 : vector<1000x1xf32> to vector<1000x128xf32>
    %mul3A_34 = arith.mulf %sub3A, %mul3A_33 : vector<1000x128xf32>
    %swap3A_35 = arith.constant 0 : index
    %swap3A_36 = arith.constant 0 : index
    %swap3A_37 = vector.load %arg10[%swap3A_35, %swap3A_36] : memref<1000x128xf32, #tpu.memory_space<vmem>>, vector<1000x128xf32>
    tpu.vector_store %arg10[%swap3A_35, %swap3A_36], %mul3A_34 {strides = array<i32>} : memref<1000x128xf32, #tpu.memory_space<vmem>>, vector<1000x128xf32>,
    return
  }
  func.func @transform_0(%arg0: i32) -> (i32, i32) {
    %c0_i32 = arith.constant 0 : i32
    %c0_i32_0 = arith.constant 0 : i32
    return %arg0, %c0_i32 : i32, i32
  }
  func.func @transform_1(%arg0: i32) -> (i32, i32) {
    %c0_i32 = arith.constant 0 : i32
    %c0_i32_0 = arith.constant 0 : i32
    return %arg0, %c0_i32 : i32, i32
  }
  func.func @transform_2(%arg0: i32) -> (i32, i32) {
    %c0_i32 = arith.constant 0 : i32
    %c0_i32_0 = arith.constant 0 : i32
    return %arg0, %c0_i32 : i32, i32
  }
  func.func @transform_3(%arg0: i32) -> (i32, i32) {
    %c0_i32 = arith.constant 0 : i32
    %c0_i32_0 = arith.constant 0 : i32
    return %arg0, %c0_i32 : i32, i32
  }
  func.func @transform_4(%arg0: i32) -> (i32, i32) {
    %c0_i32 = arith.constant 0 : i32
    %c0_i32_0 = arith.constant 0 : i32
    return %arg0, %c0_i32 : i32, i32
  }
  func.func @transform_5(%arg0: i32) -> (i32, i32) {
    %c0_i32 = arith.constant 0 : i32
    %c0_i32_0 = arith.constant 0 : i32
    return %arg0, %c0_i32 : i32, i32
  }
  func.func @transform_6(%arg0: i32) -> i32 {
    %c0_i32 = arith.constant 0 : i32
    %c0_i32_0 = arith.constant 0 : i32
    return %c0_i32 : i32
  }
  func.func @transform_7(%arg0: i32) -> (i32, i32) {
    %c0_i32 = arith.constant 0 : i32
    %c0_i32_0 = arith.constant 0 : i32
    return %arg0, %c0_i32 : i32, i32
  }
  func.func @transform_8(%arg0: i32) -> (i32, i32) {
    %c0_i32 = arith.constant 0 : i32
    %c0_i32_0 = arith.constant 0 : i32
    return %arg0, %c0_i32 : i32, i32
  }
  func.func @transform_9(%arg0: i32) -> (i32, i32) {
    %c0_i32 = arith.constant 0 : i32
    %c0_i32_0 = arith.constant 0 : i32
    return %arg0, %c0_i32 : i32, i32
  }
}

module attributes {stable_mosaic.version = 14 : i64} {
  func.func @_tc_round_body(%arg0: i32, %arg1: memref<1000x128xf32, #tpu.memory_space<vmem>>, %arg2: memref<1000x128xf32, #tpu.memory_space<vmem>>, %arg3: memref<1000x128xf32, #tpu.memory_space<vmem>>, %arg4: memref<1000x1xf32, #tpu.memory_space<vmem>>, %arg5: memref<1000x1xf32, #tpu.memory_space<vmem>>, %arg6: memref<1000x128xf32, #tpu.memory_space<vmem>>, %arg7: memref<4xf32, #tpu.memory_space<smem>>, %arg8: memref<1000x128xf32, #tpu.memory_space<vmem>>, %arg9: memref<1000x128xf32, #tpu.memory_space<vmem>>, %arg10: memref<1000x128xf32, #tpu.memory_space<vmem>>) attributes {dimension_semantics = [#tpu.dimension_semantics<arbitrary>], iteration_bounds = array<i64: 10>, scalar_prefetch = 0 : i64, scratch_operands = 0 : i64, tpu.core_type = #tpu.core_type<tc>, window_params = [{transform_indices = @transform_0, window_bounds = array<i64: 1000, 128>}, {transform_indices = @transform_1, window_bounds = array<i64: 1000, 128>}, {transform_indices = @transform_2, window_bounds = array<i64: 1000, 128>}, {transform_indices = @transform_3, window_bounds = array<i64: 1000, 1>}, {transform_indices = @transform_4, window_bounds = array<i64: 1000, 1>}, {transform_indices = @transform_5, window_bounds = array<i64: 1000, 128>}, {transform_indices = @transform_6, window_bounds = array<i64: 4>}, {transform_indices = @transform_7, window_bounds = array<i64: 1000, 128>}, {transform_indices = @transform_8, window_bounds = array<i64: 1000, 128>}, {transform_indices = @transform_9, window_bounds = array<i64: 1000, 128>}]} {
    %get3A = arith.constant 0 : index
    %get3A_0 = arith.constant 0 : index
    %get3A_1 = vector.load %arg4[%get3A, %get3A_0] : memref<1000x1xf32, #tpu.memory_space<vmem>>, vector<1000x1xf32>
    %get3A_2 = arith.constant 0 : index
    %get3A_3 = arith.constant 0 : index
    %get3A_4 = vector.load %arg5[%get3A_2, %get3A_3] : memref<1000x1xf32, #tpu.memory_space<vmem>>, vector<1000x1xf32>
    %add3A = arith.addf %get3A_1, %get3A_4 : vector<1000x1xf32>
    %max3A = arith.constant 1.000000e+00 : f32
    %max3A_5 = vector.broadcast %max3A : f32 to vector<1000x1xf32>
    %max3A_6 = arith.maximumf %add3A, %max3A_5 : vector<1000x1xf32>
    %sqrt3A = math.sqrt %max3A_6 : vector<1000x1xf32>
    %div3A = arith.constant 1.000000e+00 : f32
    %div3A_7 = vector.broadcast %div3A : f32 to vector<1000x1xf32>
    %div3A_8 = arith.divf %div3A_7, %sqrt3A : vector<1000x1xf32>
    %get3A_9 = arith.constant 0 : index
    %get3A_10 = arith.constant 0 : index
    %get3A_11 = vector.load %arg1[%get3A_9, %get3A_10] : memref<1000x128xf32, #tpu.memory_space<vmem>>, vector<1000x128xf32>
    %get3A_12 = arith.constant 0 : index
    %get3A_13 = arith.constant 0 : index
    %get3A_14 = vector.load %arg2[%get3A_12, %get3A_13] : memref<1000x128xf32, #tpu.memory_space<vmem>>, vector<1000x128xf32>
    %get3A_15 = arith.constant 0 : index
    %get3A_16 = arith.constant 0 : index
    %get3A_17 = vector.load %arg3[%get3A_15, %get3A_16] : memref<1000x128xf32, #tpu.memory_space<vmem>>, vector<1000x128xf32>
    %add3A_18 = arith.addf %get3A_14, %get3A_17 : vector<1000x128xf32>
    %mul3A = vector.broadcast %div3A_8 : vector<1000x1xf32> to vector<1000x128xf32>
    %mul3A_19 = arith.mulf %add3A_18, %mul3A : vector<1000x128xf32>
    %sub3A = arith.subf %get3A_11, %mul3A_19 : vector<1000x128xf32>
    %swap3A = arith.constant 0 : index
    %swap3A_20 = arith.constant 0 : index
    %swap3A_21 = vector.load %arg8[%swap3A, %swap3A_20] : memref<1000x128xf32, #tpu.memory_space<vmem>>, vector<1000x128xf32>
    tpu.vector_store %arg8[%swap3A, %swap3A_20], %sub3A {strides = array<i32>} : memref<1000x128xf32, #tpu.memory_space<vmem>>, vector<1000x128xf32>,
    %get3A_22 = arith.constant 0 : index
    %get3A_23 = arith.constant 0 : index
    %get3A_24 = vector.load %arg6[%get3A_22, %get3A_23] : memref<1000x128xf32, #tpu.memory_space<vmem>>, vector<1000x128xf32>
    %get3A_25 = arith.constant 2 : index
    %get3A_26 = memref.load %arg7[%get3A_25] : memref<4xf32, #tpu.memory_space<smem>>
    %mul3A_27 = vector.broadcast %get3A_26 : f32 to vector<1000x128xf32>
    %mul3A_28 = arith.mulf %mul3A_27, %sub3A : vector<1000x128xf32>
    %add3A_29 = arith.addf %get3A_24, %mul3A_28 : vector<1000x128xf32>
    %swap3A_30 = arith.constant 0 : index
    %swap3A_31 = arith.constant 0 : index
    %swap3A_32 = vector.load %arg9[%swap3A_30, %swap3A_31] : memref<1000x128xf32, #tpu.memory_space<vmem>>, vector<1000x128xf32>
    tpu.vector_store %arg9[%swap3A_30, %swap3A_31], %add3A_29 {strides = array<i32>} : memref<1000x128xf32, #tpu.memory_space<vmem>>, vector<1000x128xf32>,
    %mul3A_33 = vector.broadcast %div3A_8 : vector<1000x1xf32> to vector<1000x128xf32>
    %mul3A_34 = arith.mulf %sub3A, %mul3A_33 : vector<1000x128xf32>
    %swap3A_35 = arith.constant 0 : index
    %swap3A_36 = arith.constant 0 : index
    %swap3A_37 = vector.load %arg10[%swap3A_35, %swap3A_36] : memref<1000x128xf32, #tpu.memory_space<vmem>>, vector<1000x128xf32>
    tpu.vector_store %arg10[%swap3A_35, %swap3A_36], %mul3A_34 {strides = array<i32>} : memref<1000x128xf32, #tpu.memory_space<vmem>>, vector<1000x128xf32>,
    return
  }
  func.func @transform_0(%arg0: i32) -> (i32, i32) {
    %c0_i32 = arith.constant 0 : i32
    %c0_i32_0 = arith.constant 0 : i32
    return %arg0, %c0_i32 : i32, i32
  }
  func.func @transform_1(%arg0: i32) -> (i32, i32) {
    %c0_i32 = arith.constant 0 : i32
    %c0_i32_0 = arith.constant 0 : i32
    return %arg0, %c0_i32 : i32, i32
  }
  func.func @transform_2(%arg0: i32) -> (i32, i32) {
    %c0_i32 = arith.constant 0 : i32
    %c0_i32_0 = arith.constant 0 : i32
    return %arg0, %c0_i32 : i32, i32
  }
  func.func @transform_3(%arg0: i32) -> (i32, i32) {
    %c0_i32 = arith.constant 0 : i32
    %c0_i32_0 = arith.constant 0 : i32
    return %arg0, %c0_i32 : i32, i32
  }
  func.func @transform_4(%arg0: i32) -> (i32, i32) {
    %c0_i32 = arith.constant 0 : i32
    %c0_i32_0 = arith.constant 0 : i32
    return %arg0, %c0_i32 : i32, i32
  }
  func.func @transform_5(%arg0: i32) -> (i32, i32) {
    %c0_i32 = arith.constant 0 : i32
    %c0_i32_0 = arith.constant 0 : i32
    return %arg0, %c0_i32 : i32, i32
  }
  func.func @transform_6(%arg0: i32) -> i32 {
    %c0_i32 = arith.constant 0 : i32
    %c0_i32_0 = arith.constant 0 : i32
    return %c0_i32 : i32
  }
  func.func @transform_7(%arg0: i32) -> (i32, i32) {
    %c0_i32 = arith.constant 0 : i32
    %c0_i32_0 = arith.constant 0 : i32
    return %arg0, %c0_i32 : i32, i32
  }
  func.func @transform_8(%arg0: i32) -> (i32, i32) {
    %c0_i32 = arith.constant 0 : i32
    %c0_i32_0 = arith.constant 0 : i32
    return %arg0, %c0_i32 : i32, i32
  }
  func.func @transform_9(%arg0: i32) -> (i32, i32) {
    %c0_i32 = arith.constant 0 : i32
    %c0_i32_0 = arith.constant 0 : i32
    return %arg0, %c0_i32 : i32, i32
  }
}

module attributes {stable_mosaic.version = 14 : i64} {
  func.func @_tc_round_body(%arg0: i32, %arg1: memref<1000x128xf32, #tpu.memory_space<vmem>>, %arg2: memref<1000x128xf32, #tpu.memory_space<vmem>>, %arg3: memref<1000x128xf32, #tpu.memory_space<vmem>>, %arg4: memref<1000x1xf32, #tpu.memory_space<vmem>>, %arg5: memref<1000x1xf32, #tpu.memory_space<vmem>>, %arg6: memref<1000x128xf32, #tpu.memory_space<vmem>>, %arg7: memref<4xf32, #tpu.memory_space<smem>>, %arg8: memref<1000x128xf32, #tpu.memory_space<vmem>>, %arg9: memref<1000x128xf32, #tpu.memory_space<vmem>>, %arg10: memref<1000x128xf32, #tpu.memory_space<vmem>>) attributes {dimension_semantics = [#tpu.dimension_semantics<arbitrary>], iteration_bounds = array<i64: 10>, scalar_prefetch = 0 : i64, scratch_operands = 0 : i64, tpu.core_type = #tpu.core_type<tc>, window_params = [{transform_indices = @transform_0, window_bounds = array<i64: 1000, 128>}, {transform_indices = @transform_1, window_bounds = array<i64: 1000, 128>}, {transform_indices = @transform_2, window_bounds = array<i64: 1000, 128>}, {transform_indices = @transform_3, window_bounds = array<i64: 1000, 1>}, {transform_indices = @transform_4, window_bounds = array<i64: 1000, 1>}, {transform_indices = @transform_5, window_bounds = array<i64: 1000, 128>}, {transform_indices = @transform_6, window_bounds = array<i64: 4>}, {transform_indices = @transform_7, window_bounds = array<i64: 1000, 128>}, {transform_indices = @transform_8, window_bounds = array<i64: 1000, 128>}, {transform_indices = @transform_9, window_bounds = array<i64: 1000, 128>}]} {
    %get3A = arith.constant 0 : index
    %get3A_0 = arith.constant 0 : index
    %get3A_1 = vector.load %arg4[%get3A, %get3A_0] : memref<1000x1xf32, #tpu.memory_space<vmem>>, vector<1000x1xf32>
    %get3A_2 = arith.constant 0 : index
    %get3A_3 = arith.constant 0 : index
    %get3A_4 = vector.load %arg5[%get3A_2, %get3A_3] : memref<1000x1xf32, #tpu.memory_space<vmem>>, vector<1000x1xf32>
    %add3A = arith.addf %get3A_1, %get3A_4 : vector<1000x1xf32>
    %max3A = arith.constant 1.000000e+00 : f32
    %max3A_5 = vector.broadcast %max3A : f32 to vector<1000x1xf32>
    %max3A_6 = arith.maximumf %add3A, %max3A_5 : vector<1000x1xf32>
    %sqrt3A = math.sqrt %max3A_6 : vector<1000x1xf32>
    %div3A = arith.constant 1.000000e+00 : f32
    %div3A_7 = vector.broadcast %div3A : f32 to vector<1000x1xf32>
    %div3A_8 = arith.divf %div3A_7, %sqrt3A : vector<1000x1xf32>
    %get3A_9 = arith.constant 0 : index
    %get3A_10 = arith.constant 0 : index
    %get3A_11 = vector.load %arg1[%get3A_9, %get3A_10] : memref<1000x128xf32, #tpu.memory_space<vmem>>, vector<1000x128xf32>
    %get3A_12 = arith.constant 0 : index
    %get3A_13 = arith.constant 0 : index
    %get3A_14 = vector.load %arg2[%get3A_12, %get3A_13] : memref<1000x128xf32, #tpu.memory_space<vmem>>, vector<1000x128xf32>
    %get3A_15 = arith.constant 0 : index
    %get3A_16 = arith.constant 0 : index
    %get3A_17 = vector.load %arg3[%get3A_15, %get3A_16] : memref<1000x128xf32, #tpu.memory_space<vmem>>, vector<1000x128xf32>
    %add3A_18 = arith.addf %get3A_14, %get3A_17 : vector<1000x128xf32>
    %mul3A = vector.broadcast %div3A_8 : vector<1000x1xf32> to vector<1000x128xf32>
    %mul3A_19 = arith.mulf %add3A_18, %mul3A : vector<1000x128xf32>
    %sub3A = arith.subf %get3A_11, %mul3A_19 : vector<1000x128xf32>
    %swap3A = arith.constant 0 : index
    %swap3A_20 = arith.constant 0 : index
    %swap3A_21 = vector.load %arg8[%swap3A, %swap3A_20] : memref<1000x128xf32, #tpu.memory_space<vmem>>, vector<1000x128xf32>
    tpu.vector_store %arg8[%swap3A, %swap3A_20], %sub3A {strides = array<i32>} : memref<1000x128xf32, #tpu.memory_space<vmem>>, vector<1000x128xf32>,
    %get3A_22 = arith.constant 0 : index
    %get3A_23 = arith.constant 0 : index
    %get3A_24 = vector.load %arg6[%get3A_22, %get3A_23] : memref<1000x128xf32, #tpu.memory_space<vmem>>, vector<1000x128xf32>
    %get3A_25 = arith.constant 3 : index
    %get3A_26 = memref.load %arg7[%get3A_25] : memref<4xf32, #tpu.memory_space<smem>>
    %mul3A_27 = vector.broadcast %get3A_26 : f32 to vector<1000x128xf32>
    %mul3A_28 = arith.mulf %mul3A_27, %sub3A : vector<1000x128xf32>
    %add3A_29 = arith.addf %get3A_24, %mul3A_28 : vector<1000x128xf32>
    %swap3A_30 = arith.constant 0 : index
    %swap3A_31 = arith.constant 0 : index
    %swap3A_32 = vector.load %arg9[%swap3A_30, %swap3A_31] : memref<1000x128xf32, #tpu.memory_space<vmem>>, vector<1000x128xf32>
    tpu.vector_store %arg9[%swap3A_30, %swap3A_31], %add3A_29 {strides = array<i32>} : memref<1000x128xf32, #tpu.memory_space<vmem>>, vector<1000x128xf32>,
    %mul3A_33 = vector.broadcast %div3A_8 : vector<1000x1xf32> to vector<1000x128xf32>
    %mul3A_34 = arith.mulf %sub3A, %mul3A_33 : vector<1000x128xf32>
    %swap3A_35 = arith.constant 0 : index
    %swap3A_36 = arith.constant 0 : index
    %swap3A_37 = vector.load %arg10[%swap3A_35, %swap3A_36] : memref<1000x128xf32, #tpu.memory_space<vmem>>, vector<1000x128xf32>
    tpu.vector_store %arg10[%swap3A_35, %swap3A_36], %mul3A_34 {strides = array<i32>} : memref<1000x128xf32, #tpu.memory_space<vmem>>, vector<1000x128xf32>,
    return
  }
  func.func @transform_0(%arg0: i32) -> (i32, i32) {
    %c0_i32 = arith.constant 0 : i32
    %c0_i32_0 = arith.constant 0 : i32
    return %arg0, %c0_i32 : i32, i32
  }
  func.func @transform_1(%arg0: i32) -> (i32, i32) {
    %c0_i32 = arith.constant 0 : i32
    %c0_i32_0 = arith.constant 0 : i32
    return %arg0, %c0_i32 : i32, i32
  }
  func.func @transform_2(%arg0: i32) -> (i32, i32) {
    %c0_i32 = arith.constant 0 : i32
    %c0_i32_0 = arith.constant 0 : i32
    return %arg0, %c0_i32 : i32, i32
  }
  func.func @transform_3(%arg0: i32) -> (i32, i32) {
    %c0_i32 = arith.constant 0 : i32
    %c0_i32_0 = arith.constant 0 : i32
    return %arg0, %c0_i32 : i32, i32
  }
  func.func @transform_4(%arg0: i32) -> (i32, i32) {
    %c0_i32 = arith.constant 0 : i32
    %c0_i32_0 = arith.constant 0 : i32
    return %arg0, %c0_i32 : i32, i32
  }
  func.func @transform_5(%arg0: i32) -> (i32, i32) {
    %c0_i32 = arith.constant 0 : i32
    %c0_i32_0 = arith.constant 0 : i32
    return %arg0, %c0_i32 : i32, i32
  }
  func.func @transform_6(%arg0: i32) -> i32 {
    %c0_i32 = arith.constant 0 : i32
    %c0_i32_0 = arith.constant 0 : i32
    return %c0_i32 : i32
  }
  func.func @transform_7(%arg0: i32) -> (i32, i32) {
    %c0_i32 = arith.constant 0 : i32
    %c0_i32_0 = arith.constant 0 : i32
    return %arg0, %c0_i32 : i32, i32
  }
  func.func @transform_8(%arg0: i32) -> (i32, i32) {
    %c0_i32 = arith.constant 0 : i32
    %c0_i32_0 = arith.constant 0 : i32
    return %arg0, %c0_i32 : i32, i32
  }
  func.func @transform_9(%arg0: i32) -> (i32, i32) {
    %c0_i32 = arith.constant 0 : i32
    %c0_i32_0 = arith.constant 0 : i32
    return %arg0, %c0_i32 : i32, i32
  }
}

</mosaic_0001>

<sc_bundles>
// kernel: kernel.10.cloned.1.call-start
scs
__scs_entry_jumppad:
0x0: {  	(pc) =	sbr.rel $0x88, $3  }
0x1: {  	(tag) =	ssettag $0x0;
	lr =	simm.s32 $0x1  }
0x2: {  	[smem:$0x3F9E] =	sst lr;
	_ =	strace $0xD0000000  }
0x3: {  	_ = 	snop  }
0x4: {  	_ = 	snop  }
0x5: {  	_ = 	snop  }
0x6: {  	_ = 	snop  }
0x7: {  	_ = 	snop  }
__scs_overlays_trampoline_lowered:
0x8: {  	[smem:$0x3FAD] =	sst s0  }
0x9: {  	[smem:$0x3FAE] =	sst s1  }
0xa: {  	[smem:$0x3FAF] =	sst s2  }
0xb: {  	[smem:$0x3FB0] =	sst s3  }
0xc: {  	[smem:$0x3FB1] =	sst s4  }
0xd: {  	[smem:$0x3FB2] =	sst s5  }
0xe: {  	[smem:$0x3FB3] =	sst s6  }
0xf: {  	[smem:$0x3FB4] =	sst s7  }
0x10: {  	[smem:$0x3FB5] =	sst s8  }
0x11: {  	[smem:$0x3FB6] =	sst s9;
	s0 =	simm.s32 @!p0 $0x0  }
0x12: {  	s1 =	sld [smem:$0x3F9C];
	s0 =	simm.s32 @p0 $0x1  }
0x13: {  	[smem:$0x3FB7] =	sst s0;
	s0 =	simm.s32 @!p1 $0x0  }
0x14: {  	s2 =	sld [smem:$0x3F9B];
	s0 =	simm.s32 @p1 $0x1  }
0x15: {  	[smem:$0x3FB8] =	sst s0;
	s0 =	simm.s32 @!p2 $0x0  }
0x16: {  	s3 =	sld [smem:$0x3FDB];
	s0 =	simm.s32 @p2 $0x1  }
0x17: {  	s4 =	simm.s32 $0x1BF5;
	[smem:$0x3FBA] =	sst s0  }
0x18: {  	s0 =	sld [smem:$0x3F9D];
	_ =	swait.ge [sflag:s4], $0x0  }
0x19: {  	s7 =	sld [smem:$0x3F9E]  }
0x1a: {  	s8 =	sadd.s32 $0xFFFFE003, lr  }
0x1b: {  	s9 =	sadd.s32 $0xFFFFFEF7, lr;
	s5 =	simm.s32 $0xFFFFFFFF;
	p2 =	slt.u32 s8, $0xFFFFF086  }
0x1c: {  	p1 =	slt.u32 s9, $0xF7A;
	s5 =	simm.s32 @!p2 $0x0  }
0x1d: {  	s5 =	simm.s32 @p1 $0x1;
	p0 =	seq.s32 s7, s2  }
0x1e: {  	s7 =	smul.u32 @!p0 $0xF7A, s2;
	p2 =	seq.s32 @!p0 s5, $0x0  }
0x1f: {  	s9 =	smul.u32 $0xF7A, s1;
	s8 =	simm.s32 @!p0 $0x1BF5;
	p2 =	por !p2, p0  }
0x20: {  	[sflag:s8] =	ssyncset.s32 @!p0 $0xFFFFF086;
	s6 =	sadd.s32 @!p0 s3, s7;
	s7 =	simm.s32 @!p0 $0x108  }
0x21: {  	s3 =	sadd.s32 s3, s9;
	s6 =	sadd.s32 @!p0 $0x88, s6;
	s7 =	simm.s32 @p2 $0x1082  }
0x22: {  	[simem:s7], [sflag:s8] =	dma.local @!p0 [hbm:s6], $0xF7A  }
0x23: {  	s9 =	sor.u32 $0xD0000000, s2;
	s6 =	simm.s32 $0x108;
	_ =	swait.ge @!p0 [sflag:s8], $0x0  }
0x24: {  	s3 =	sadd.s32 $0x88, s3;
	s6 =	simm.s32 @!p1 $0x1082;
	[sflag:s4] =	ssyncset.s32 $0xFFFFF086  }
0x25: {  	[simem:s6], [sflag:s4] =	dma.local [hbm:s3], $0xF7A  }
0x26: {  	[smem:$0x3F9E] =	sst s1;
	(tag) =	ssettag s2;
	_ =	strace s9  }
0x27: {  	s1 =	sld [smem:$0x3FAE]  }
0x28: {  	s2 =	sld [smem:$0x3FAF]  }
0x29: {  	s4 =	sld [smem:$0x3FB1]  }
0x2a: {  	p0 =	seq.s32 s5, $0x0;
	s5 =	sld [smem:$0x3FB2]  }
0x2b: {  	s6 =	sld [smem:$0x3FB3]  }
0x2c: {  	s7 =	sld [smem:$0x3FB4]  }
0x2d: {  	s3 =	simm.s32 $0x108;
	s8 =	sld [smem:$0x3FB5]  }
0x2e: {  	s3 =	simm.s32 @!p0 $0x1082;
	s9 =	sld [smem:$0x3FB6]  }
0x2f: {  	lr =	sadd.s32 s0, s3;
	s0 =	sld [smem:$0x3FAD]  }
0x30: {  	s3 =	sld [smem:$0x3FB0]  }
0x31: {  	[smem:$0x3FB9] =	sst s10  }
0x32: {  	s10 =	sld [smem:$0x3FB7];
	_ =	sdelay $0x3  }
0x33: {  	p0 =	seq.s32 s10, $0x1;
	s10 =	sld [smem:$0x3FB9];
	_ =	sdelay $0x3  }
0x34: {  	[smem:$0x3FB9] =	sst s10  }
0x35: {  	s10 =	sld [smem:$0x3FB8];
	_ =	sdelay $0x3  }
0x36: {  	p1 =	seq.s32 s10, $0x1;
	s10 =	sld [smem:$0x3FB9];
	_ =	sdelay $0x3  }
0x37: {  	[smem:$0x3FB9] =	sst s10  }
0x38: {  	s10 =	sld [smem:$0x3FBA]  }
0x39: {  	_ = 	snop;
	(pc) =	sbr.ind lr, $3  }
0x3a: {  	_ = 	snop  }
0x3b: {  	_ = 	snop  }
0x3c: {  	p2 =	seq.s32 s10, $0x1;
	s10 =	sld [smem:$0x3FB9]  }
0x3d: {  	_ =	shalt  }
0x3e: {  	_ =	shalt  }
0x3f: {  	_ =	shalt  }
0x40: {  	_ =	shalt  }
0x41: {  	_ =	shalt  }
0x42: {  	_ =	shalt  }
0x43: {  	_ =	shalt  }
0x44: {  	_ =	shalt  }
0x45: {  	_ =	shalt  }
0x46: {  	_ =	shalt  }
0x47: {  	_ =	shalt  }
0x48: {  	_ =	shalt  }
0x49: {  	_ =	shalt  }
0x4a: {  	_ =	shalt  }
0x4b: {  	_ =	shalt  }
0x4c: {  	_ =	shalt  }
0x4d: {  	_ =	shalt  }
0x4e: {  	_ =	shalt  }
0x4f: {  	_ =	shalt  }
0x50: {  	_ =	shalt  }
0x51: {  	_ =	shalt  }
0x52: {  	_ =	shalt  }
0x53: {  	_ =	shalt  }
0x54: {  	_ =	shalt  }
0x55: {  	_ =	shalt  }
0x56: {  	_ =	shalt  }
0x57: {  	_ =	shalt  }
0x58: {  	_ =	shalt  }
0x59: {  	_ =	shalt  }
0x5a: {  	_ =	shalt  }
0x5b: {  	_ =	shalt  }
0x5c: {  	_ =	shalt  }
0x5d: {  	_ =	shalt  }
0x5e: {  	_ =	shalt  }
0x5f: {  	_ =	shalt  }
0x60: {  	_ =	shalt  }
0x61: {  	_ =	shalt  }
0x62: {  	_ =	shalt  }
0x63: {  	_ =	shalt  }
0x64: {  	_ =	shalt  }
0x65: {  	_ =	shalt  }
0x66: {  	_ =	shalt  }
0x67: {  	_ =	shalt  }
0x68: {  	_ =	shalt  }
0x69: {  	_ =	shalt  }
0x6a: {  	_ =	shalt  }
0x6b: {  	_ =	shalt  }
0x6c: {  	_ =	shalt  }
0x6d: {  	_ =	shalt  }
0x6e: {  	_ =	shalt  }
0x6f: {  	_ =	shalt  }
0x70: {  	_ =	shalt  }
0x71: {  	_ =	shalt  }
0x72: {  	_ =	shalt  }
0x73: {  	_ =	shalt  }
0x74: {  	_ =	shalt  }
0x75: {  	_ =	shalt  }
0x76: {  	_ =	shalt  }
0x77: {  	_ =	shalt  }
0x78: {  	_ =	shalt  }
0x79: {  	_ =	shalt  }
0x7a: {  	_ =	shalt  }
0x7b: {  	_ =	shalt  }
0x7c: {  	_ =	shalt  }
0x7d: {  	_ =	shalt  }
0x7e: {  	_ =	shalt  }
0x7f: {  	_ =	shalt  }
0x80: {  	_ =	shalt  }
0x81: {  	_ =	shalt  }
0x82: {  	_ =	shalt  }
0x83: {  	_ =	shalt  }
0x84: {  	_ =	shalt  }
0x85: {  	_ =	shalt  }
0x86: {  	_ =	shalt  }
0x87: {  	_ =	shalt  }
.Lfunc_end0:
.L_simem_size_0:
called_computation_lowered:
.L_overlay_start_0:
0x88: {  	s2 =	sld [smem:$0x3FD9]  }
0x89: {  	s3 =	sld [smem:$0x3FFE];
	_ =	sdelay $0x1  }
0x8a: {  	s1 =	srdreg.scid  }
0x8b: {  	s0 =	sand.u32 $0x1, s1  }
0x8c: {  	s17 =	sshll.u32 s0, $0xA;
	s2 =	sadd.s32 s3, s2  }
0x8d: {  	s2 =	sadd.s32 s2, s17  }
0x8e: {  	[smem:$0x3FC5] =	sst s2  }
0x8f: {  	_ = 	snop  }
0x90: {  	s2 =	sld [smem:$0x3FD0];
	(tm) =	ssettm $0x1  }
0x91: {  	s18 =	sld [smem:$0x3FFB];
	_ =	sdelay $0x3  }
0x92: {  	_ =	strace s18  }
0x93: {  	s3 =	sld [smem:$0x3FFC];
	_ =	sdelay $0x3  }
0x94: {  	_ =	strace s3  }
0x95: {  	s3 =	sld [smem:$0x3FFD];
	_ =	sdelay $0x3  }
0x96: {  	_ =	strace s3  }
0x97: {  	_ =	strace $0x8FFFFFFF  }
0x98: {  	s19 =	sld [smem:$0x3FDB];
	_ =	sdelay $0x1  }
0x99: {  	s4 =	simm.s32 $_scs_section_size  }
0x9a: {  	s5 =	simm.s32 $_size__tile_overlayer_lowered;
	s6 =	simm.s32 $_tile_overlayer_lowered  }
0x9b: {  	s22 =	simm.s32 $0x1BFF;
	s21 =	sshll.u32 s6, $0x1;
	s3 =	sadd.s32 s4, s19  }
0x9c: {  	s7 =	simm.s32 $0x0;
	s20 =	sshll.u32 s5, $0x1;
	s5 =	sadd.s32 s21, s3  }
0x9d: {  	[timem:s7], [sflag:s22] =	dma.local [hbm:s5], s20  }
0x9e: {  	_ =	swait.ge [sflag:s22], s20  }
0x9f: {  	s4 =	ssub.s32 $0x0, s20;
	[sflag:s22] =	ssyncset.done $0x0  }
0xa0: {  	[sflag:s22] =	ssyncadd.s32 s4;
	_ =	sdelay $0x1  }
0xa1: {  	s23 =	simm.s32 $0x1B8B  }
0xa2: {  	_ =	swait.ge [sflag:s23], $0x1  }
0xa3: {  	[sflag:s23] =	ssyncset.done $0x0  }
0xa4: {  	s25 =	simm.s32 $0x1B8E;
	s24 =	sld [smem:$0x3FFE];
	[sflag:s23] =	ssyncadd.s32 $0xFFFFFFFF  }
0xa5: {  	s26 =	simm.s32 $execute0_lowered;
	[smem:$0x3FD2] =	sst s25  }
0xa6: {  	s5 =	sshll.u32 s26, $0x1;
	_ =	strace $0x80000046;
	[dreg:$0x1] =	wrdreg $0xFFFFFFFF  }
0xa7: {  	s28 =	simm.s32 $_size_execute0_lowered;
	s3 =	sadd.s32 s3, s5;
	[dreg:$0x0] =	wrdreg $0x0  }
0xa8: {  	s5 =	sshll.u32 s28, $0x1;
	[dreg:$0x2] =	wrdreg s3  }
0xa9: {  	[dreg:$0x3] =	wrdreg s5  }
0xaa: {  	[dreg:$0x4] =	wrdreg $0xC0  }
0xab: {  	_ =	task [dreg:s7], $0x5FFFF  }
0xac: {  	[dreg:$0x1] =	wrdreg $0xFFFFFFFF  }
0xad: {  	[dreg:$0x0] =	wrdreg $0x60  }
0xae: {  	[dreg:$0x2] =	wrdreg s24  }
0xaf: {  	[dreg:$0x3] =	wrdreg s2  }
0xb0: {  	[dreg:$0x4] =	wrdreg $0x2D800  }
0xb1: {  	[dreg:$0x5] =	wrdreg $0x9  }
0xb2: {  	_ =	task.clear_ibuf [dreg:s7], $0x6FFFF;
	_ =	strace $0x90000046  }
0xb3: {  	s29 =	simm.s32 $0x9;
	_ =	strace $0x80000048  }
0xb4: {  	_ =	swait.ge [sflag:s29], $0x1  }
0xb5: {  	[sflag:s29] =	ssyncadd.s32 $0xFFFFFFFF  }
0xb6: {  	_ =	strace $0x90000048  }
0xb7: {  	_ =	sfence  }
0xb8: {  	s30 =	sld [smem:$0x0];
	_ =	sdelay $0x2  }
0xb9: {  	s31 =	sshll.u32 s1, $0xD;
	s1 =	sshrl.u32 s1, $0x2  }
0xba: {  	s3 =	sand.u32 $0x4000, s31;
	s1 =	sadd.s32 s1, s30  }
0xbb: {  	s0 =	sor.u32 s3, s0;
	s1 =	sshll.u32 s1, $0x11  }
0xbc: {  	s0 =	sor.u32 s1, s0  }
0xbd: {  	s0 =	sadd.s32 $0x8F2B, s0  }
0xbe: {  	[sflag:s0] =	ssyncadd.remote.s32 $0x1  }
0xbf: {  	_ =	sfence.sel $0xFFFF  }
0xc0: {  	[dreg:$0x0] =	wrdreg $0xFFFFFFFF;
	(pc) =	sbr.abs _section_cstart, $3  }
0xc1: {  	[dreg:$0x1] =	wrdreg $0xFFFFFFFF  }
0xc2: {  	_ =	task.clear_ibuf [dreg:s7], $0x2FFFF;
	_ =	strace $0x9FFFFFFF  }
0xc3: {  	(tm) =	ssettm $0x7FFFFFFF  }
tec
execute0_lowered:
.L_overlay_start_1:
0x0: {  	(tag) =	ssettag $0x1  }
0x1: {  	s0 =	rddreg [dreg:$0x0]  }
0x2: {  	s20 =	rddreg [dreg:$0x1]  }
0x3: {  	s3 =	rddreg [dreg:$0x2];
	s1 =	stileid.u32  }
0x4: {  	s5 =	srdreg.scid;
	s2 =	simm.s32 $0x0;
	s24 =	simm.s32 $0x80  }
0x5: {  	s28 =	simm.s32 $0x100;
	s29 =	simm.s32 $0x2880;
	s4 =	smul.u32 $0x9E0, s1  }
0x6: {  	s30 =	simm.s32 $0x0;
	s6 =	sshrl.u32 s1, $0x3;
	s7 =	smul.u32 $0x5000, s1  }
0x7: {  	s17 =	sand.u32 $0x1, s5;
	[smem:$0x7FF] =	sst s2;
	s18 =	smul.u32 $0x500, s1  }
0x8: {  	s8 =	sshll.u32 s1, $0x7;
	s25 =	smul.u32 $0x50000, s6;
	s26 =	ssub.s32 $0x2, s17  }
0x9: {  	_ =	strace $0x80000047;
	s8 =	sand.u32 $0x380, s8;
	s19 =	sshll.u32 s17, $0x7  }
0xa: {  	s22 =	smul.u32 $0x4F0, s17;
	s0 =	sadd.s32 s4, s0;
	s31 =	sshrl.u32 s26, $0x1  }
0xb: {  	s7 =	sshrl.u32 s7, $0x2;
	s19 =	sor.u32 s19, s18;
	s5 =	sshrl.u32 s25, $0x2  }
0xc: {  	s21 =	ssub.s32 s26, s31;
	s23 =	sshrl.u32 s19, $0x3;
	s0 =	sadd.s32 s22, s0  }
0xd: {  	s25 =	simm.s32 $0x400;
	s26 =	simm.s32 $0x2B00;
	s5 =	sadd.s32 s5, s3  }
0xe: {  	s3 =	sadd.s32 s7, s3;
	s20 =	sadd.s32 s20, s23;
	s21 =	smax.u32 s21, $0x1  }
0xf: {  	s22 =	sadd.s32 $0x3A00, s0;
	s23 =	simm.s32 $0x1;
	s4 =	sadd.s32 s8, s5  }
0x10: {  	s5 =	sadd.s32 $0x80, s3;
	s6 =	sadd.s32 $0x100, s3;
	s7 =	sadd.s32 $0x180, s3  }
0x11: {  	s8 =	sadd.s32 $0x200, s3;
	s9 =	sadd.s32 $0x280, s3;
	s10 =	sadd.s32 $0x300, s3  }
0x12: {  	s11 =	sadd.s32 $0x380, s3;
	s12 =	sadd.s32 $0x14000, s3;
	s13 =	sadd.s32 $0x14080, s3  }
0x13: {  	s14 =	sadd.s32 $0x14100, s3;
	s15 =	sadd.s32 $0x14180, s3;
	s16 =	sadd.s32 $0x14200, s3  }
0x14: {  	v0 =	vimm.f32 $0.0e+00;
	v1 =	vimm.f32 $1.000000000e+00;
	s17 =	sadd.s32 $0x14280, s3;
	s18 =	sadd.s32 $0x14300, s3;
	s19 =	sadd.s32 $0x14380, s3  }
.LBB2_1:
0x15: {  	s0 =	simm.s32 $0x0  }
.LBB2_2:
0x16: {  	p0 =	sne.s32 s0, $0x9FC0  }
.Ltmp0:
0x17: {  	_ = 	snop;
	(pc) =	sbr.rel @p0 .LBB2_2-.Ltmp0, $3  }
0x18: {  	_ =	sdelay $0x1  }
0x19: {  	s31 =	sshra.s32 s0, $0x2  }
0x1a: {  	s0 =	sadd.s32 $0x40, s0;
	[tilespmem:s31+$0x80] =	vst v0  }
0x1b: {  	s31 =	simm.s32 $0x0  }
.LBB2_4:
0x1c: {  	s0 =	sadd.s32 s31, s22  }
0x1d: {  	[tilespmem:s2], [sflag:$0x1] =	stream.linear.gather [hbm4b:s0+s2], $0x80, $0x38;
	[tilespmem:$0x5580] =	vst v63  }
0x1e: {  	_ =	swait.ge [sflag:s23], $0x80  }
0x1f: {  	[sflag:s23] =	ssyncset.done $0x0  }
0x20: {  	[sflag:s23] =	ssyncadd.s32 $0xFFFFFF80  }
0x21: {  	v2 =	vld [tilespmem:$0x0];
	_ =	sdelay $0x7  }
0x22: {  	[tilespmem:v2+s24+$0x0] =	vst.idx.add.f32.msk $0xffff, v1  }
0x23: {  	v2 =	vld [tilespmem:$0x10];
	_ =	sdelay $0x7  }
0x24: {  	[tilespmem:v2+s24+$0x0] =	vst.idx.add.f32.msk $0xffff, v1  }
0x25: {  	v2 =	vld [tilespmem:$0x20];
	_ =	sdelay $0x7  }
0x26: {  	[tilespmem:v2+s24+$0x0] =	vst.idx.add.f32.msk $0xffff, v1  }
0x27: {  	v2 =	vld [tilespmem:$0x30];
	_ =	sdelay $0x7  }
0x28: {  	[tilespmem:v2+s24+$0x0] =	vst.idx.add.f32.msk $0xffff, v1  }
0x29: {  	v2 =	vld [tilespmem:$0x40];
	_ =	sdelay $0x7  }
0x2a: {  	[tilespmem:v2+s24+$0x0] =	vst.idx.add.f32.msk $0xffff, v1  }
0x2b: {  	v2 =	vld [tilespmem:$0x50];
	_ =	sdelay $0x7  }
0x2c: {  	[tilespmem:v2+s24+$0x0] =	vst.idx.add.f32.msk $0xffff, v1  }
0x2d: {  	v2 =	vld [tilespmem:$0x60];
	_ =	sdelay $0x7  }
0x2e: {  	[tilespmem:v2+s24+$0x0] =	vst.idx.add.f32.msk $0xffff, v1  }
0x2f: {  	v2 =	vld [tilespmem:$0x70];
	_ =	sdelay $0x2  }
0x30: {  	p0 =	sne.s32 s31, $0x4E0  }
.Ltmp1:
0x31: {  	_ = 	snop;
	(pc) =	sbr.rel @p0 .LBB2_4-.Ltmp1, $2  }
0x32: {  	_ =	sdelay $0x2  }
0x33: {  	s31 =	sadd.s32 $0x10, s31;
	[tilespmem:v2+s24+$0x0] =	vst.idx.add.f32.msk $0xffff, v1  }
0x34: {  	[spmem:s4] =	stream.strided.scatter [tilespmem:s24], [sflag:$0x1], $0x2800, s25, s24, $0x38;
	[tilespmem:$0x5580] =	vst v63  }
0x35: {  	_ =	swait.ge [sflag:s23], $0x2800  }
0x36: {  	[sflag:s23] =	ssyncset.done $0x0  }
0x37: {  	[sflag:s23] =	ssyncadd.s32 $0xFFFFD800  }
0x38: {  	[bflag:$0x0] =	sbarrier.arrive $0xFFFF  }
0x39: {  	[tilespmem:$0x2880] =	vst v0  }
0x3a: {  	[tilespmem:$0x2890] =	vst v0  }
0x3b: {  	[tilespmem:$0x28A0] =	vst v0  }
0x3c: {  	[tilespmem:$0x28B0] =	vst v0  }
0x3d: {  	[tilespmem:$0x28C0] =	vst v0  }
0x3e: {  	[tilespmem:$0x28D0] =	vst v0  }
0x3f: {  	[tilespmem:$0x28E0] =	vst v0  }
0x40: {  	[tilespmem:$0x28F0] =	vst v0  }
0x41: {  	[tilespmem:$0x2900] =	vst v0  }
0x42: {  	[tilespmem:$0x2910] =	vst v0  }
0x43: {  	[tilespmem:$0x2920] =	vst v0  }
0x44: {  	[tilespmem:$0x2930] =	vst v0  }
0x45: {  	[tilespmem:$0x2940] =	vst v0  }
0x46: {  	[tilespmem:$0x2950] =	vst v0  }
0x47: {  	[tilespmem:$0x2960] =	vst v0  }
0x48: {  	[tilespmem:$0x2970] =	vst v0  }
0x49: {  	[tilespmem:$0x2980] =	vst v0  }
0x4a: {  	[tilespmem:$0x2990] =	vst v0  }
0x4b: {  	[tilespmem:$0x29A0] =	vst v0  }
0x4c: {  	[tilespmem:$0x29B0] =	vst v0  }
0x4d: {  	[tilespmem:$0x29C0] =	vst v0  }
0x4e: {  	[tilespmem:$0x29D0] =	vst v0  }
0x4f: {  	[tilespmem:$0x29E0] =	vst v0  }
0x50: {  	[tilespmem:$0x29F0] =	vst v0  }
0x51: {  	[tilespmem:$0x2A00] =	vst v0  }
0x52: {  	[tilespmem:$0x2A10] =	vst v0  }
0x53: {  	[tilespmem:$0x2A20] =	vst v0  }
0x54: {  	[tilespmem:$0x2A30] =	vst v0  }
0x55: {  	[tilespmem:$0x2A40] =	vst v0  }
0x56: {  	[tilespmem:$0x2A50] =	vst v0  }
0x57: {  	[tilespmem:$0x2A60] =	vst v0  }
0x58: {  	[tilespmem:$0x2A70] =	vst v0  }
0x59: {  	[tilespmem:$0x2A80] =	vst v0  }
0x5a: {  	[tilespmem:$0x2A90] =	vst v0  }
0x5b: {  	[tilespmem:$0x2AA0] =	vst v0  }
0x5c: {  	[tilespmem:$0x2AB0] =	vst v0  }
0x5d: {  	[tilespmem:$0x2AC0] =	vst v0  }
0x5e: {  	[tilespmem:$0x2AD0] =	vst v0  }
0x5f: {  	[tilespmem:$0x2AE0] =	vst v0  }
0x60: {  	[tilespmem:$0x2AF0] =	vst v0  }
0x61: {  	[tilespmem:s26], [sflag:$0x1] =	stream.strided.gather [spmem:s3], $0x280, s25, s24, $0x38;
	[tilespmem:$0x5580] =	vst v63  }
0x62: {  	_ =	swait.ge [sflag:s23], $0x280  }
0x63: {  	[sflag:s23] =	ssyncset.done $0x0  }
0x64: {  	s31 =	simm.s32 $0x0;
	[sflag:s23] =	ssyncadd.s32 $0xFFFFFD80  }
0x65: {  	s0 =	simm.s32 $0x40;
	v2 =	vld [tilespmem:s31+$0x2B00]  }
.LBB2_6:
0x66: {  	p0 =	sne.s32 s0, $0x9C0;
	v3 =	vld [tilespmem:s31+$0x2880];
	_ =	sdelay $0x2  }
.Ltmp2:
0x67: {  	(pc) =	sbr.rel @p0 .LBB2_6-.Ltmp2, $4  }
0x68: {  	_ = 	snop  }
0x69: {  	v3 =	vadd.f32 v2, v3  }
0x6a: {  	s1 =	sshra.s32 s0, $0x2  }
0x6b: {  	s0 =	sadd.s32 $0x40, s0;
	v2 =	vld [tilespmem:s1+$0x2B00];
	[tilespmem:s31+$0x2880] =	vst v3;
	s31 =	smov.u32 s1  }
0x6c: {  	v3 =	vld [tilespmem:s31+$0x2880];
	_ =	sdelay $0x4  }
0x6d: {  	v2 =	vadd.f32 v2, v3;
	_ =	sdelay $0x1  }
0x6e: {  	[tilespmem:s31+$0x2880] =	vst v2  }
0x6f: {  	[tilespmem:s26], [sflag:$0x1] =	stream.strided.gather [spmem:s5], $0x280, s25, s24, $0x38;
	[tilespmem:$0x5580] =	vst v63  }
0x70: {  	_ =	swait.ge [sflag:s23], $0x280  }
0x71: {  	[sflag:s23] =	ssyncset.done $0x0  }
0x72: {  	s31 =	simm.s32 $0x0;
	[sflag:s23] =	ssyncadd.s32 $0xFFFFFD80  }
0x73: {  	s0 =	simm.s32 $0x40;
	v2 =	vld [tilespmem:s31+$0x2B00]  }
.LBB2_8:
0x74: {  	p0 =	sne.s32 s0, $0x9C0;
	v3 =	vld [tilespmem:s31+$0x2880];
	_ =	sdelay $0x2  }
.Ltmp3:
0x75: {  	(pc) =	sbr.rel @p0 .LBB2_8-.Ltmp3, $4  }
0x76: {  	_ = 	snop  }
0x77: {  	v3 =	vadd.f32 v2, v3  }
0x78: {  	s1 =	sshra.s32 s0, $0x2  }
0x79: {  	s0 =	sadd.s32 $0x40, s0;
	v2 =	vld [tilespmem:s1+$0x2B00];
	[tilespmem:s31+$0x2880] =	vst v3;
	s31 =	smov.u32 s1  }
0x7a: {  	v3 =	vld [tilespmem:s31+$0x2880];
	_ =	sdelay $0x4  }
0x7b: {  	v2 =	vadd.f32 v2, v3;
	_ =	sdelay $0x1  }
0x7c: {  	[tilespmem:s31+$0x2880] =	vst v2  }
0x7d: {  	[tilespmem:s26], [sflag:$0x1] =	stream.strided.gather [spmem:s6], $0x280, s25, s24, $0x38;
	[tilespmem:$0x5580] =	vst v63  }
0x7e: {  	_ =	swait.ge [sflag:s23], $0x280  }
0x7f: {  	[sflag:s23] =	ssyncset.done $0x0  }
0x80: {  	s31 =	simm.s32 $0x0;
	[sflag:s23] =	ssyncadd.s32 $0xFFFFFD80  }
0x81: {  	s0 =	simm.s32 $0x40;
	v2 =	vld [tilespmem:s31+$0x2B00]  }
.LBB2_10:
0x82: {  	p0 =	sne.s32 s0, $0x9C0;
	v3 =	vld [tilespmem:s31+$0x2880];
	_ =	sdelay $0x2  }
.Ltmp4:
0x83: {  	(pc) =	sbr.rel @p0 .LBB2_10-.Ltmp4, $4  }
0x84: {  	_ = 	snop  }
0x85: {  	v3 =	vadd.f32 v2, v3  }
0x86: {  	s1 =	sshra.s32 s0, $0x2  }
0x87: {  	s0 =	sadd.s32 $0x40, s0;
	v2 =	vld [tilespmem:s1+$0x2B00];
	[tilespmem:s31+$0x2880] =	vst v3;
	s31 =	smov.u32 s1  }
0x88: {  	v3 =	vld [tilespmem:s31+$0x2880];
	_ =	sdelay $0x4  }
0x89: {  	v2 =	vadd.f32 v2, v3;
	_ =	sdelay $0x1  }
0x8a: {  	[tilespmem:s31+$0x2880] =	vst v2  }
0x8b: {  	[tilespmem:s26], [sflag:$0x1] =	stream.strided.gather [spmem:s7], $0x280, s25, s24, $0x38;
	[tilespmem:$0x5580] =	vst v63  }
0x8c: {  	_ =	swait.ge [sflag:s23], $0x280  }
0x8d: {  	[sflag:s23] =	ssyncset.done $0x0  }
0x8e: {  	s31 =	simm.s32 $0x0;
	[sflag:s23] =	ssyncadd.s32 $0xFFFFFD80  }
0x8f: {  	s0 =	simm.s32 $0x40;
	v2 =	vld [tilespmem:s31+$0x2B00]  }
.LBB2_12:
0x90: {  	p0 =	sne.s32 s0, $0x9C0;
	v3 =	vld [tilespmem:s31+$0x2880];
	_ =	sdelay $0x2  }
.Ltmp5:
0x91: {  	(pc) =	sbr.rel @p0 .LBB2_12-.Ltmp5, $4  }
0x92: {  	_ = 	snop  }
0x93: {  	v3 =	vadd.f32 v2, v3  }
0x94: {  	s1 =	sshra.s32 s0, $0x2  }
0x95: {  	s0 =	sadd.s32 $0x40, s0;
	v2 =	vld [tilespmem:s1+$0x2B00];
	[tilespmem:s31+$0x2880] =	vst v3;
	s31 =	smov.u32 s1  }
0x96: {  	v3 =	vld [tilespmem:s31+$0x2880];
	_ =	sdelay $0x4  }
0x97: {  	v2 =	vadd.f32 v2, v3;
	_ =	sdelay $0x1  }
0x98: {  	[tilespmem:s31+$0x2880] =	vst v2  }
0x99: {  	[tilespmem:s26], [sflag:$0x1] =	stream.strided.gather [spmem:s8], $0x280, s25, s24, $0x38;
	[tilespmem:$0x5580] =	vst v63  }
0x9a: {  	_ =	swait.ge [sflag:s23], $0x280  }
0x9b: {  	[sflag:s23] =	ssyncset.done $0x0  }
0x9c: {  	s31 =	simm.s32 $0x0;
	[sflag:s23] =	ssyncadd.s32 $0xFFFFFD80  }
0x9d: {  	s0 =	simm.s32 $0x40;
	v2 =	vld [tilespmem:s31+$0x2B00]  }
.LBB2_14:
0x9e: {  	p0 =	sne.s32 s0, $0x9C0;
	v3 =	vld [tilespmem:s31+$0x2880];
	_ =	sdelay $0x2  }
.Ltmp6:
0x9f: {  	(pc) =	sbr.rel @p0 .LBB2_14-.Ltmp6, $4  }
0xa0: {  	_ = 	snop  }
0xa1: {  	v3 =	vadd.f32 v2, v3  }
0xa2: {  	s1 =	sshra.s32 s0, $0x2  }
0xa3: {  	s0 =	sadd.s32 $0x40, s0;
	v2 =	vld [tilespmem:s1+$0x2B00];
	[tilespmem:s31+$0x2880] =	vst v3;
	s31 =	smov.u32 s1  }
0xa4: {  	v3 =	vld [tilespmem:s31+$0x2880];
	_ =	sdelay $0x4  }
0xa5: {  	v2 =	vadd.f32 v2, v3;
	_ =	sdelay $0x1  }
0xa6: {  	[tilespmem:s31+$0x2880] =	vst v2  }
0xa7: {  	[tilespmem:s26], [sflag:$0x1] =	stream.strided.gather [spmem:s9], $0x280, s25, s24, $0x38;
	[tilespmem:$0x5580] =	vst v63  }
0xa8: {  	_ =	swait.ge [sflag:s23], $0x280  }
0xa9: {  	[sflag:s23] =	ssyncset.done $0x0  }
0xaa: {  	s31 =	simm.s32 $0x0;
	[sflag:s23] =	ssyncadd.s32 $0xFFFFFD80  }
0xab: {  	s0 =	simm.s32 $0x40;
	v2 =	vld [tilespmem:s31+$0x2B00]  }
.LBB2_16:
0xac: {  	p0 =	sne.s32 s0, $0x9C0;
	v3 =	vld [tilespmem:s31+$0x2880];
	_ =	sdelay $0x2  }
.Ltmp7:
0xad: {  	(pc) =	sbr.rel @p0 .LBB2_16-.Ltmp7, $4  }
0xae: {  	_ = 	snop  }
0xaf: {  	v3 =	vadd.f32 v2, v3  }
0xb0: {  	s1 =	sshra.s32 s0, $0x2  }
0xb1: {  	s0 =	sadd.s32 $0x40, s0;
	v2 =	vld [tilespmem:s1+$0x2B00];
	[tilespmem:s31+$0x2880] =	vst v3;
	s31 =	smov.u32 s1  }
0xb2: {  	v3 =	vld [tilespmem:s31+$0x2880];
	_ =	sdelay $0x4  }
0xb3: {  	v2 =	vadd.f32 v2, v3;
	_ =	sdelay $0x1  }
0xb4: {  	[tilespmem:s31+$0x2880] =	vst v2  }
0xb5: {  	[tilespmem:s26], [sflag:$0x1] =	stream.strided.gather [spmem:s10], $0x280, s25, s24, $0x38;
	[tilespmem:$0x5580] =	vst v63  }
0xb6: {  	_ =	swait.ge [sflag:s23], $0x280  }
0xb7: {  	[sflag:s23] =	ssyncset.done $0x0  }
0xb8: {  	s31 =	simm.s32 $0x0;
	[sflag:s23] =	ssyncadd.s32 $0xFFFFFD80  }
0xb9: {  	s0 =	simm.s32 $0x40;
	v2 =	vld [tilespmem:s31+$0x2B00]  }
.LBB2_18:
0xba: {  	p0 =	sne.s32 s0, $0x9C0;
	v3 =	vld [tilespmem:s31+$0x2880];
	_ =	sdelay $0x2  }
.Ltmp8:
0xbb: {  	(pc) =	sbr.rel @p0 .LBB2_18-.Ltmp8, $4  }
0xbc: {  	_ = 	snop  }
0xbd: {  	v3 =	vadd.f32 v2, v3  }
0xbe: {  	s1 =	sshra.s32 s0, $0x2  }
0xbf: {  	s0 =	sadd.s32 $0x40, s0;
	v2 =	vld [tilespmem:s1+$0x2B00];
	[tilespmem:s31+$0x2880] =	vst v3;
	s31 =	smov.u32 s1  }
0xc0: {  	v3 =	vld [tilespmem:s31+$0x2880];
	_ =	sdelay $0x4  }
0xc1: {  	v2 =	vadd.f32 v2, v3;
	_ =	sdelay $0x1  }
0xc2: {  	[tilespmem:s31+$0x2880] =	vst v2  }
0xc3: {  	[tilespmem:s26], [sflag:$0x1] =	stream.strided.gather [spmem:s11], $0x280, s25, s24, $0x38;
	[tilespmem:$0x5580] =	vst v63  }
0xc4: {  	_ =	swait.ge [sflag:s23], $0x280  }
0xc5: {  	[sflag:s23] =	ssyncset.done $0x0  }
0xc6: {  	s31 =	simm.s32 $0x0;
	[sflag:s23] =	ssyncadd.s32 $0xFFFFFD80  }
0xc7: {  	s0 =	simm.s32 $0x40;
	v2 =	vld [tilespmem:s31+$0x2B00]  }
.LBB2_20:
0xc8: {  	p0 =	sne.s32 s0, $0x9C0;
	v3 =	vld [tilespmem:s31+$0x2880];
	_ =	sdelay $0x2  }
.Ltmp9:
0xc9: {  	(pc) =	sbr.rel @p0 .LBB2_20-.Ltmp9, $4  }
0xca: {  	_ = 	snop  }
0xcb: {  	v3 =	vadd.f32 v2, v3  }
0xcc: {  	s1 =	sshra.s32 s0, $0x2  }
0xcd: {  	s0 =	sadd.s32 $0x40, s0;
	v2 =	vld [tilespmem:s1+$0x2B00];
	[tilespmem:s31+$0x2880] =	vst v3;
	s31 =	smov.u32 s1  }
0xce: {  	v3 =	vld [tilespmem:s31+$0x2880];
	_ =	sdelay $0x4  }
0xcf: {  	v2 =	vadd.f32 v2, v3;
	_ =	sdelay $0x1  }
0xd0: {  	[tilespmem:s31+$0x2880] =	vst v2  }
0xd1: {  	[tilespmem:s26], [sflag:$0x1] =	stream.strided.gather [spmem:s12], $0x280, s25, s24, $0x38;
	[tilespmem:$0x5580] =	vst v63  }
0xd2: {  	_ =	swait.ge [sflag:s23], $0x280  }
0xd3: {  	[sflag:s23] =	ssyncset.done $0x0  }
0xd4: {  	s31 =	simm.s32 $0x0;
	[sflag:s23] =	ssyncadd.s32 $0xFFFFFD80  }
0xd5: {  	s0 =	simm.s32 $0x40;
	v2 =	vld [tilespmem:s31+$0x2B00]  }
.LBB2_22:
0xd6: {  	p0 =	sne.s32 s0, $0x9C0;
	v3 =	vld [tilespmem:s31+$0x2880];
	_ =	sdelay $0x2  }
.Ltmp10:
0xd7: {  	(pc) =	sbr.rel @p0 .LBB2_22-.Ltmp10, $4  }
0xd8: {  	_ = 	snop  }
0xd9: {  	v3 =	vadd.f32 v2, v3  }
0xda: {  	s1 =	sshra.s32 s0, $0x2  }
0xdb: {  	s0 =	sadd.s32 $0x40, s0;
	v2 =	vld [tilespmem:s1+$0x2B00];
	[tilespmem:s31+$0x2880] =	vst v3;
	s31 =	smov.u32 s1  }
0xdc: {  	v3 =	vld [tilespmem:s31+$0x2880];
	_ =	sdelay $0x4  }
0xdd: {  	v2 =	vadd.f32 v2, v3;
	_ =	sdelay $0x1  }
0xde: {  	[tilespmem:s31+$0x2880] =	vst v2  }
0xdf: {  	[tilespmem:s26], [sflag:$0x1] =	stream.strided.gather [spmem:s13], $0x280, s25, s24, $0x38;
	[tilespmem:$0x5580] =	vst v63  }
0xe0: {  	_ =	swait.ge [sflag:s23], $0x280  }
0xe1: {  	[sflag:s23] =	ssyncset.done $0x0  }
0xe2: {  	s31 =	simm.s32 $0x0;
	[sflag:s23] =	ssyncadd.s32 $0xFFFFFD80  }
0xe3: {  	s0 =	simm.s32 $0x40;
	v2 =	vld [tilespmem:s31+$0x2B00]  }
.LBB2_24:
0xe4: {  	p0 =	sne.s32 s0, $0x9C0;
	v3 =	vld [tilespmem:s31+$0x2880];
	_ =	sdelay $0x2  }
.Ltmp11:
0xe5: {  	(pc) =	sbr.rel @p0 .LBB2_24-.Ltmp11, $4  }
0xe6: {  	_ = 	snop  }
0xe7: {  	v3 =	vadd.f32 v2, v3  }
0xe8: {  	s1 =	sshra.s32 s0, $0x2  }
0xe9: {  	s0 =	sadd.s32 $0x40, s0;
	v2 =	vld [tilespmem:s1+$0x2B00];
	[tilespmem:s31+$0x2880] =	vst v3;
	s31 =	smov.u32 s1  }
0xea: {  	v3 =	vld [tilespmem:s31+$0x2880];
	_ =	sdelay $0x4  }
0xeb: {  	v2 =	vadd.f32 v2, v3;
	_ =	sdelay $0x1  }
0xec: {  	[tilespmem:s31+$0x2880] =	vst v2  }
0xed: {  	[tilespmem:s26], [sflag:$0x1] =	stream.strided.gather [spmem:s14], $0x280, s25, s24, $0x38;
	[tilespmem:$0x5580] =	vst v63  }
0xee: {  	_ =	swait.ge [sflag:s23], $0x280  }
0xef: {  	[sflag:s23] =	ssyncset.done $0x0  }
0xf0: {  	s31 =	simm.s32 $0x0;
	[sflag:s23] =	ssyncadd.s32 $0xFFFFFD80  }
0xf1: {  	s0 =	simm.s32 $0x40;
	v2 =	vld [tilespmem:s31+$0x2B00]  }
.LBB2_26:
0xf2: {  	p0 =	sne.s32 s0, $0x9C0;
	v3 =	vld [tilespmem:s31+$0x2880];
	_ =	sdelay $0x2  }
.Ltmp12:
0xf3: {  	(pc) =	sbr.rel @p0 .LBB2_26-.Ltmp12, $4  }
0xf4: {  	_ = 	snop  }
0xf5: {  	v3 =	vadd.f32 v2, v3  }
0xf6: {  	s1 =	sshra.s32 s0, $0x2  }
0xf7: {  	s0 =	sadd.s32 $0x40, s0;
	v2 =	vld [tilespmem:s1+$0x2B00];
	[tilespmem:s31+$0x2880] =	vst v3;
	s31 =	smov.u32 s1  }
0xf8: {  	v3 =	vld [tilespmem:s31+$0x2880];
	_ =	sdelay $0x4  }
0xf9: {  	v2 =	vadd.f32 v2, v3;
	_ =	sdelay $0x1  }
0xfa: {  	[tilespmem:s31+$0x2880] =	vst v2  }
0xfb: {  	[tilespmem:s26], [sflag:$0x1] =	stream.strided.gather [spmem:s15], $0x280, s25, s24, $0x38;
	[tilespmem:$0x5580] =	vst v63  }
0xfc: {  	_ =	swait.ge [sflag:s23], $0x280  }
0xfd: {  	[sflag:s23] =	ssyncset.done $0x0  }
0xfe: {  	s31 =	simm.s32 $0x0;
	[sflag:s23] =	ssyncadd.s32 $0xFFFFFD80  }
0xff: {  	s0 =	simm.s32 $0x40;
	v2 =	vld [tilespmem:s31+$0x2B00]  }
.LBB2_28:
0x100: {  	p0 =	sne.s32 s0, $0x9C0;
	v3 =	vld [tilespmem:s31+$0x2880];
	_ =	sdelay $0x2  }
.Ltmp13:
0x101: {  	(pc) =	sbr.rel @p0 .LBB2_28-.Ltmp13, $4  }
0x102: {  	_ = 	snop  }
0x103: {  	v3 =	vadd.f32 v2, v3  }
0x104: {  	s1 =	sshra.s32 s0, $0x2  }
0x105: {  	s0 =	sadd.s32 $0x40, s0;
	v2 =	vld [tilespmem:s1+$0x2B00];
	[tilespmem:s31+$0x2880] =	vst v3;
	s31 =	smov.u32 s1  }
0x106: {  	v3 =	vld [tilespmem:s31+$0x2880];
	_ =	sdelay $0x4  }
0x107: {  	v2 =	vadd.f32 v2, v3;
	_ =	sdelay $0x1  }
0x108: {  	[tilespmem:s31+$0x2880] =	vst v2  }
0x109: {  	[tilespmem:s26], [sflag:$0x1] =	stream.strided.gather [spmem:s16], $0x280, s25, s24, $0x38;
	[tilespmem:$0x5580] =	vst v63  }
0x10a: {  	_ =	swait.ge [sflag:s23], $0x280  }
0x10b: {  	[sflag:s23] =	ssyncset.done $0x0  }
0x10c: {  	s31 =	simm.s32 $0x0;
	[sflag:s23] =	ssyncadd.s32 $0xFFFFFD80  }
0x10d: {  	s0 =	simm.s32 $0x40;
	v2 =	vld [tilespmem:s31+$0x2B00]  }
.LBB2_30:
0x10e: {  	p0 =	sne.s32 s0, $0x9C0;
	v3 =	vld [tilespmem:s31+$0x2880];
	_ =	sdelay $0x2  }
.Ltmp14:
0x10f: {  	(pc) =	sbr.rel @p0 .LBB2_30-.Ltmp14, $4  }
0x110: {  	_ = 	snop  }
0x111: {  	v3 =	vadd.f32 v2, v3  }
0x112: {  	s1 =	sshra.s32 s0, $0x2  }
0x113: {  	s0 =	sadd.s32 $0x40, s0;
	v2 =	vld [tilespmem:s1+$0x2B00];
	[tilespmem:s31+$0x2880] =	vst v3;
	s31 =	smov.u32 s1  }
0x114: {  	v3 =	vld [tilespmem:s31+$0x2880];
	_ =	sdelay $0x4  }
0x115: {  	v2 =	vadd.f32 v2, v3;
	_ =	sdelay $0x1  }
0x116: {  	[tilespmem:s31+$0x2880] =	vst v2  }
0x117: {  	[tilespmem:s26], [sflag:$0x1] =	stream.strided.gather [spmem:s17], $0x280, s25, s24, $0x38;
	[tilespmem:$0x5580] =	vst v63  }
0x118: {  	_ =	swait.ge [sflag:s23], $0x280  }
0x119: {  	[sflag:s23] =	ssyncset.done $0x0  }
0x11a: {  	s31 =	simm.s32 $0x0;
	[sflag:s23] =	ssyncadd.s32 $0xFFFFFD80  }
0x11b: {  	s0 =	simm.s32 $0x40;
	v2 =	vld [tilespmem:s31+$0x2B00]  }
.LBB2_32:
0x11c: {  	p0 =	sne.s32 s0, $0x9C0;
	v3 =	vld [tilespmem:s31+$0x2880];
	_ =	sdelay $0x2  }
.Ltmp15:
0x11d: {  	(pc) =	sbr.rel @p0 .LBB2_32-.Ltmp15, $4  }
0x11e: {  	_ = 	snop  }
0x11f: {  	v3 =	vadd.f32 v2, v3  }
0x120: {  	s1 =	sshra.s32 s0, $0x2  }
0x121: {  	s0 =	sadd.s32 $0x40, s0;
	v2 =	vld [tilespmem:s1+$0x2B00];
	[tilespmem:s31+$0x2880] =	vst v3;
	s31 =	smov.u32 s1  }
0x122: {  	v3 =	vld [tilespmem:s31+$0x2880];
	_ =	sdelay $0x4  }
0x123: {  	v2 =	vadd.f32 v2, v3;
	_ =	sdelay $0x1  }
0x124: {  	[tilespmem:s31+$0x2880] =	vst v2  }
0x125: {  	[tilespmem:s26], [sflag:$0x1] =	stream.strided.gather [spmem:s18], $0x280, s25, s24, $0x38;
	[tilespmem:$0x5580] =	vst v63  }
0x126: {  	_ =	swait.ge [sflag:s23], $0x280  }
0x127: {  	[sflag:s23] =	ssyncset.done $0x0  }
0x128: {  	s31 =	simm.s32 $0x0;
	[sflag:s23] =	ssyncadd.s32 $0xFFFFFD80  }
0x129: {  	s0 =	simm.s32 $0x40;
	v2 =	vld [tilespmem:s31+$0x2B00]  }
.LBB2_34:
0x12a: {  	p0 =	sne.s32 s0, $0x9C0;
	v3 =	vld [tilespmem:s31+$0x2880];
	_ =	sdelay $0x2  }
.Ltmp16:
0x12b: {  	(pc) =	sbr.rel @p0 .LBB2_34-.Ltmp16, $4  }
0x12c: {  	_ = 	snop  }
0x12d: {  	v3 =	vadd.f32 v2, v3  }
0x12e: {  	s1 =	sshra.s32 s0, $0x2  }
0x12f: {  	s0 =	sadd.s32 $0x40, s0;
	v2 =	vld [tilespmem:s1+$0x2B00];
	[tilespmem:s31+$0x2880] =	vst v3;
	s31 =	smov.u32 s1  }
0x130: {  	v3 =	vld [tilespmem:s31+$0x2880];
	_ =	sdelay $0x4  }
0x131: {  	v2 =	vadd.f32 v2, v3;
	_ =	sdelay $0x1  }
0x132: {  	[tilespmem:s31+$0x2880] =	vst v2  }
0x133: {  	[tilespmem:s26], [sflag:$0x1] =	stream.strided.gather [spmem:s19], $0x280, s25, s24, $0x38;
	[tilespmem:$0x5580] =	vst v63  }
0x134: {  	_ =	swait.ge [sflag:s23], $0x280  }
0x135: {  	[sflag:s23] =	ssyncset.done $0x0  }
0x136: {  	s31 =	simm.s32 $0x0;
	[sflag:s23] =	ssyncadd.s32 $0xFFFFFD80  }
0x137: {  	s0 =	simm.s32 $0x40;
	v2 =	vld [tilespmem:s31+$0x2B00]  }
.LBB2_36:
0x138: {  	p0 =	sne.s32 s0, $0x9C0;
	v3 =	vld [tilespmem:s31+$0x2880];
	_ =	sdelay $0x2  }
.Ltmp17:
0x139: {  	(pc) =	sbr.rel @p0 .LBB2_36-.Ltmp17, $4  }
0x13a: {  	_ = 	snop  }
0x13b: {  	v3 =	vadd.f32 v2, v3  }
0x13c: {  	s1 =	sshra.s32 s0, $0x2  }
0x13d: {  	s0 =	sadd.s32 $0x40, s0;
	v2 =	vld [tilespmem:s1+$0x2B00];
	[tilespmem:s31+$0x2880] =	vst v3;
	s31 =	smov.u32 s1  }
0x13e: {  	v3 =	vld [tilespmem:s31+$0x2880];
	_ =	sdelay $0x4  }
0x13f: {  	s30 =	sadd.s32 $0x1, s30;
	v2 =	vadd.f32 v2, v3  }
0x140: {  	p0 =	sne.s32 s30, s21  }
.Ltmp18:
0x141: {  	[tilespmem:s31+$0x2880] =	vst v2;
	(pc) =	sbr.rel @p0 .LBB2_1-.Ltmp18, $4  }
0x142: {  	[hbm4b:s20+s24] =	stream.strided.scatter [tilespmem:s29], [sflag:$0x1], $0x280, s28, s24, $0x38;
	[tilespmem:$0x5580] =	vst v63  }
0x143: {  	_ =	swait.ge [sflag:s23], $0x280  }
0x144: {  	[sflag:s23] =	ssyncset.done $0x0  }
0x145: {  	[sflag:s23] =	ssyncadd.s32 $0xFFFFFD80  }
0x146: {  	_ =	sfence.sel $0x180000  }
0x147: {  	[bflag:$0x0] =	sbarrier.arrive $0xFFFF  }
0x148: {  	_ =	strace $0x90000047  }
0x149: {  	s0 =	stileid.u32;
	[bflag:$0x2] =	sbarrier.arrive $0xFFFF  }
0x14a: {  	p0 =	sne.s32 s0, $0x0;
	s0 =	rddreg [dreg:$0x3]  }
0x14b: {  	s0 =	sadd.s32 @!p0 $0x100000, s0  }
0x14c: {  	[sflag:s0] =	ssyncadd.tile.s32 @!p0 $0x1;
	_ =	shalt  }
.Lfunc_end2:
_tile_overlayer_lowered:
.L_overlay_start_2:
0x14d: {  	(tag) =	ssettag $0x2  }
0x14e: {  	s0 =	rddreg [dreg:$0x0];
	s2 =	stileid.u32  }
0x14f: {  	s1 =	rddreg [dreg:$0x1];
	p0 =	sne.s32 s2, $0x0  }
0x150: {  	s3 =	rddreg [dreg:$0x2];
	[bflag:$0x3] =	sbarrier.arrive $0xFFFF;
	s2 =	simm.s32 @!p0 $0x1C01  }
0x151: {  	[timem:s3], [sflag:s2] =	dma.local @!p0 [hbm:s0], s1  }
0x152: {  	s0 =	simm.s32 @!p0 $0x1  }
0x153: {  	_ =	swait.ge @!p0 [sflag:s0], s1  }
0x154: {  	s1 =	ssub.s32 @!p0 $0x0, s1;
	[sflag:s0] =	ssyncset.done @!p0 $0x0  }
0x155: {  	[sflag:s0] =	ssyncadd.s32 @!p0 s1  }
0x156: {  	[bflag:$0x3] =	sbarrier.arrive $0xFFFF  }
0x157: {  	_ =	shalt  }

// kernel: kernel.13.cloned.1.call-start
scs
__scs_entry_jumppad:
0x0: {  	(pc) =	sbr.rel $0x88, $3  }
0x1: {  	(tag) =	ssettag $0x0;
	lr =	simm.s32 $0x1  }
0x2: {  	[smem:$0x3F9E] =	sst lr;
	_ =	strace $0xD0000000  }
0x3: {  	_ = 	snop  }
0x4: {  	_ = 	snop  }
0x5: {  	_ = 	snop  }
0x6: {  	_ = 	snop  }
0x7: {  	_ = 	snop  }
__scs_overlays_trampoline_lowered:
0x8: {  	[smem:$0x3FAD] =	sst s0  }
0x9: {  	[smem:$0x3FAE] =	sst s1  }
0xa: {  	[smem:$0x3FAF] =	sst s2  }
0xb: {  	[smem:$0x3FB0] =	sst s3  }
0xc: {  	[smem:$0x3FB1] =	sst s4  }
0xd: {  	[smem:$0x3FB2] =	sst s5  }
0xe: {  	[smem:$0x3FB3] =	sst s6  }
0xf: {  	[smem:$0x3FB4] =	sst s7  }
0x10: {  	[smem:$0x3FB5] =	sst s8  }
0x11: {  	[smem:$0x3FB6] =	sst s9;
	s0 =	simm.s32 @!p0 $0x0  }
0x12: {  	s1 =	sld [smem:$0x3F9C];
	s0 =	simm.s32 @p0 $0x1  }
0x13: {  	[smem:$0x3FB7] =	sst s0;
	s0 =	simm.s32 @!p1 $0x0  }
0x14: {  	s2 =	sld [smem:$0x3F9B];
	s0 =	simm.s32 @p1 $0x1  }
0x15: {  	[smem:$0x3FB8] =	sst s0;
	s0 =	simm.s32 @!p2 $0x0  }
0x16: {  	s3 =	sld [smem:$0x3FDB];
	s0 =	simm.s32 @p2 $0x1  }
0x17: {  	s4 =	simm.s32 $0x1BF5;
	[smem:$0x3FBA] =	sst s0  }
0x18: {  	s0 =	sld [smem:$0x3F9D];
	_ =	swait.ge [sflag:s4], $0x0  }
0x19: {  	s7 =	sld [smem:$0x3F9E]  }
0x1a: {  	s8 =	sadd.s32 $0xFFFFE003, lr  }
0x1b: {  	s9 =	sadd.s32 $0xFFFFFEF7, lr;
	s5 =	simm.s32 $0xFFFFFFFF;
	p2 =	slt.u32 s8, $0xFFFFF086  }
0x1c: {  	p1 =	slt.u32 s9, $0xF7A;
	s5 =	simm.s32 @!p2 $0x0  }
0x1d: {  	s5 =	simm.s32 @p1 $0x1;
	p0 =	seq.s32 s7, s2  }
0x1e: {  	s7 =	smul.u32 @!p0 $0xF7A, s2;
	p2 =	seq.s32 @!p0 s5, $0x0  }
0x1f: {  	s9 =	smul.u32 $0xF7A, s1;
	s8 =	simm.s32 @!p0 $0x1BF5;
	p2 =	por !p2, p0  }
0x20: {  	[sflag:s8] =	ssyncset.s32 @!p0 $0xFFFFF086;
	s6 =	sadd.s32 @!p0 s3, s7;
	s7 =	simm.s32 @!p0 $0x108  }
0x21: {  	s3 =	sadd.s32 s3, s9;
	s6 =	sadd.s32 @!p0 $0x88, s6;
	s7 =	simm.s32 @p2 $0x1082  }
0x22: {  	[simem:s7], [sflag:s8] =	dma.local @!p0 [hbm:s6], $0xF7A  }
0x23: {  	s9 =	sor.u32 $0xD0000000, s2;
	s6 =	simm.s32 $0x108;
	_ =	swait.ge @!p0 [sflag:s8], $0x0  }
0x24: {  	s3 =	sadd.s32 $0x88, s3;
	s6 =	simm.s32 @!p1 $0x1082;
	[sflag:s4] =	ssyncset.s32 $0xFFFFF086  }
0x25: {  	[simem:s6], [sflag:s4] =	dma.local [hbm:s3], $0xF7A  }
0x26: {  	[smem:$0x3F9E] =	sst s1;
	(tag) =	ssettag s2;
	_ =	strace s9  }
0x27: {  	s1 =	sld [smem:$0x3FAE]  }
0x28: {  	s2 =	sld [smem:$0x3FAF]  }
0x29: {  	s4 =	sld [smem:$0x3FB1]  }
0x2a: {  	p0 =	seq.s32 s5, $0x0;
	s5 =	sld [smem:$0x3FB2]  }
0x2b: {  	s6 =	sld [smem:$0x3FB3]  }
0x2c: {  	s7 =	sld [smem:$0x3FB4]  }
0x2d: {  	s3 =	simm.s32 $0x108;
	s8 =	sld [smem:$0x3FB5]  }
0x2e: {  	s3 =	simm.s32 @!p0 $0x1082;
	s9 =	sld [smem:$0x3FB6]  }
0x2f: {  	lr =	sadd.s32 s0, s3;
	s0 =	sld [smem:$0x3FAD]  }
0x30: {  	s3 =	sld [smem:$0x3FB0]  }
0x31: {  	[smem:$0x3FB9] =	sst s10  }
0x32: {  	s10 =	sld [smem:$0x3FB7];
	_ =	sdelay $0x3  }
0x33: {  	p0 =	seq.s32 s10, $0x1;
	s10 =	sld [smem:$0x3FB9];
	_ =	sdelay $0x3  }
0x34: {  	[smem:$0x3FB9] =	sst s10  }
0x35: {  	s10 =	sld [smem:$0x3FB8];
	_ =	sdelay $0x3  }
0x36: {  	p1 =	seq.s32 s10, $0x1;
	s10 =	sld [smem:$0x3FB9];
	_ =	sdelay $0x3  }
0x37: {  	[smem:$0x3FB9] =	sst s10  }
0x38: {  	s10 =	sld [smem:$0x3FBA]  }
0x39: {  	_ = 	snop;
	(pc) =	sbr.ind lr, $3  }
0x3a: {  	_ = 	snop  }
0x3b: {  	_ = 	snop  }
0x3c: {  	p2 =	seq.s32 s10, $0x1;
	s10 =	sld [smem:$0x3FB9]  }
0x3d: {  	_ =	shalt  }
0x3e: {  	_ =	shalt  }
0x3f: {  	_ =	shalt  }
0x40: {  	_ =	shalt  }
0x41: {  	_ =	shalt  }
0x42: {  	_ =	shalt  }
0x43: {  	_ =	shalt  }
0x44: {  	_ =	shalt  }
0x45: {  	_ =	shalt  }
0x46: {  	_ =	shalt  }
0x47: {  	_ =	shalt  }
0x48: {  	_ =	shalt  }
0x49: {  	_ =	shalt  }
0x4a: {  	_ =	shalt  }
0x4b: {  	_ =	shalt  }
0x4c: {  	_ =	shalt  }
0x4d: {  	_ =	shalt  }
0x4e: {  	_ =	shalt  }
0x4f: {  	_ =	shalt  }
0x50: {  	_ =	shalt  }
0x51: {  	_ =	shalt  }
0x52: {  	_ =	shalt  }
0x53: {  	_ =	shalt  }
0x54: {  	_ =	shalt  }
0x55: {  	_ =	shalt  }
0x56: {  	_ =	shalt  }
0x57: {  	_ =	shalt  }
0x58: {  	_ =	shalt  }
0x59: {  	_ =	shalt  }
0x5a: {  	_ =	shalt  }
0x5b: {  	_ =	shalt  }
0x5c: {  	_ =	shalt  }
0x5d: {  	_ =	shalt  }
0x5e: {  	_ =	shalt  }
0x5f: {  	_ =	shalt  }
0x60: {  	_ =	shalt  }
0x61: {  	_ =	shalt  }
0x62: {  	_ =	shalt  }
0x63: {  	_ =	shalt  }
0x64: {  	_ =	shalt  }
0x65: {  	_ =	shalt  }
0x66: {  	_ =	shalt  }
0x67: {  	_ =	shalt  }
0x68: {  	_ =	shalt  }
0x69: {  	_ =	shalt  }
0x6a: {  	_ =	shalt  }
0x6b: {  	_ =	shalt  }
0x6c: {  	_ =	shalt  }
0x6d: {  	_ =	shalt  }
0x6e: {  	_ =	shalt  }
0x6f: {  	_ =	shalt  }
0x70: {  	_ =	shalt  }
0x71: {  	_ =	shalt  }
0x72: {  	_ =	shalt  }
0x73: {  	_ =	shalt  }
0x74: {  	_ =	shalt  }
0x75: {  	_ =	shalt  }
0x76: {  	_ =	shalt  }
0x77: {  	_ =	shalt  }
0x78: {  	_ =	shalt  }
0x79: {  	_ =	shalt  }
0x7a: {  	_ =	shalt  }
0x7b: {  	_ =	shalt  }
0x7c: {  	_ =	shalt  }
0x7d: {  	_ =	shalt  }
0x7e: {  	_ =	shalt  }
0x7f: {  	_ =	shalt  }
0x80: {  	_ =	shalt  }
0x81: {  	_ =	shalt  }
0x82: {  	_ =	shalt  }
0x83: {  	_ =	shalt  }
0x84: {  	_ =	shalt  }
0x85: {  	_ =	shalt  }
0x86: {  	_ =	shalt  }
0x87: {  	_ =	shalt  }
.Lfunc_end0:
.L_simem_size_0:
called_computation.1_lowered:
.L_overlay_start_0:
0x88: {  	s2 =	sld [smem:$0x3FD9]  }
0x89: {  	s3 =	sld [smem:$0x3FFE];
	_ =	sdelay $0x1  }
0x8a: {  	s1 =	srdreg.scid  }
0x8b: {  	s0 =	sand.u32 $0x1, s1  }
0x8c: {  	s17 =	sshll.u32 s0, $0xA;
	s2 =	sadd.s32 s3, s2  }
0x8d: {  	s2 =	sadd.s32 s2, s17  }
0x8e: {  	[smem:$0x3FC5] =	sst s2  }
0x8f: {  	_ = 	snop  }
0x90: {  	s2 =	sld [smem:$0x3FD0];
	(tm) =	ssettm $0x1  }
0x91: {  	s18 =	sld [smem:$0x3FFB];
	_ =	sdelay $0x3  }
0x92: {  	_ =	strace s18  }
0x93: {  	s3 =	sld [smem:$0x3FFC];
	_ =	sdelay $0x3  }
0x94: {  	_ =	strace s3  }
0x95: {  	s3 =	sld [smem:$0x3FFD];
	_ =	sdelay $0x3  }
0x96: {  	_ =	strace s3  }
0x97: {  	_ =	strace $0x8FFFFFFF  }
0x98: {  	s19 =	sld [smem:$0x3FDB];
	_ =	sdelay $0x1  }
0x99: {  	s4 =	simm.s32 $_scs_section_size  }
0x9a: {  	s5 =	simm.s32 $_size__tile_overlayer_lowered;
	s6 =	simm.s32 $_tile_overlayer_lowered  }
0x9b: {  	s22 =	simm.s32 $0x1BFF;
	s21 =	sshll.u32 s6, $0x1;
	s3 =	sadd.s32 s4, s19  }
0x9c: {  	s7 =	simm.s32 $0x0;
	s20 =	sshll.u32 s5, $0x1;
	s5 =	sadd.s32 s21, s3  }
0x9d: {  	[timem:s7], [sflag:s22] =	dma.local [hbm:s5], s20  }
0x9e: {  	_ =	swait.ge [sflag:s22], s20  }
0x9f: {  	s4 =	ssub.s32 $0x0, s20;
	[sflag:s22] =	ssyncset.done $0x0  }
0xa0: {  	[sflag:s22] =	ssyncadd.s32 s4;
	_ =	sdelay $0x1  }
0xa1: {  	s23 =	simm.s32 $0x1B8B  }
0xa2: {  	_ =	swait.ge [sflag:s23], $0x1  }
0xa3: {  	[sflag:s23] =	ssyncset.done $0x0  }
0xa4: {  	s25 =	simm.s32 $0x1B8E;
	s24 =	sld [smem:$0x3FFE];
	[sflag:s23] =	ssyncadd.s32 $0xFFFFFFFF  }
0xa5: {  	s26 =	simm.s32 $execute0_lowered;
	[smem:$0x3FD2] =	sst s25  }
0xa6: {  	s5 =	sshll.u32 s26, $0x1;
	_ =	strace $0x80000049;
	[dreg:$0x1] =	wrdreg $0xFFFFFFFF  }
0xa7: {  	s28 =	simm.s32 $_size_execute0_lowered;
	s3 =	sadd.s32 s3, s5;
	[dreg:$0x0] =	wrdreg $0x0  }
0xa8: {  	s5 =	sshll.u32 s28, $0x1;
	[dreg:$0x2] =	wrdreg s3  }
0xa9: {  	[dreg:$0x3] =	wrdreg s5  }
0xaa: {  	[dreg:$0x4] =	wrdreg $0xC0  }
0xab: {  	_ =	task [dreg:s7], $0x5FFFF  }
0xac: {  	[dreg:$0x1] =	wrdreg $0xFFFFFFFF  }
0xad: {  	[dreg:$0x0] =	wrdreg $0x60  }
0xae: {  	[dreg:$0x2] =	wrdreg s2  }
0xaf: {  	[dreg:$0x3] =	wrdreg s24  }
0xb0: {  	[dreg:$0x4] =	wrdreg $0x61000  }
0xb1: {  	[dreg:$0x5] =	wrdreg $0x9  }
0xb2: {  	_ =	task.clear_ibuf [dreg:s7], $0x6FFFF;
	_ =	strace $0x90000049  }
0xb3: {  	s29 =	simm.s32 $0x9;
	_ =	strace $0x8000004B  }
0xb4: {  	_ =	swait.ge [sflag:s29], $0x1  }
0xb5: {  	[sflag:s29] =	ssyncadd.s32 $0xFFFFFFFF  }
0xb6: {  	_ =	strace $0x9000004B  }
0xb7: {  	_ =	sfence  }
0xb8: {  	s30 =	sld [smem:$0x0];
	_ =	sdelay $0x2  }
0xb9: {  	s31 =	sshll.u32 s1, $0xD;
	s1 =	sshrl.u32 s1, $0x2  }
0xba: {  	s3 =	sand.u32 $0x4000, s31;
	s1 =	sadd.s32 s1, s30  }
0xbb: {  	s0 =	sor.u32 s3, s0;
	s1 =	sshll.u32 s1, $0x11  }
0xbc: {  	s0 =	sor.u32 s1, s0  }
0xbd: {  	s0 =	sadd.s32 $0x8F2B, s0  }
0xbe: {  	[sflag:s0] =	ssyncadd.remote.s32 $0x1  }
0xbf: {  	_ =	sfence.sel $0xFFFF  }
0xc0: {  	[dreg:$0x0] =	wrdreg $0xFFFFFFFF;
	(pc) =	sbr.abs _section_cstart, $3  }
0xc1: {  	[dreg:$0x1] =	wrdreg $0xFFFFFFFF  }
0xc2: {  	_ =	task.clear_ibuf [dreg:s7], $0x2FFFF;
	_ =	strace $0x9FFFFFFF  }
0xc3: {  	(tm) =	ssettm $0x7FFFFFFF  }
tec
execute0_lowered:
.L_overlay_start_1:
0x0: {  	(tag) =	ssettag $0x1  }
0x1: {  	s15 =	stileid.u32  }
0x2: {  	s0 =	srdreg.scid;
	s1 =	rddreg [dreg:$0x0]  }
0x3: {  	s4 =	rddreg [dreg:$0x1];
	s3 =	smul.u32 $0x9E0, s15  }
0x4: {  	s2 =	simm.s32 $0x0;
	s0 =	sand.u32 $0x1, s0;
	s7 =	smul.u32 $0x14000, s15  }
0x5: {  	[smem:$0x7FF] =	sst s2;
	s5 =	smul.u32 $0x140000, s0  }
0x6: {  	s6 =	ssub.s32 $0x2, s0;
	s0 =	smul.u32 $0x4F0, s0;
	s3 =	sadd.s32 s3, s4  }
0x7: {  	s4 =	sadd.s32 $0x8CC00, s4;
	s8 =	sshrl.u32 s6, $0x1;
	s9 =	sor.u32 $0x2000, s7  }
0x8: {  	s11 =	sadd.s32 $0x4000, s7;
	s12 =	sadd.s32 $0x8000, s7;
	s24 =	sadd.s32 $0x10000, s7  }
0x9: {  	s6 =	ssub.s32 s6, s8;
	s13 =	sadd.s32 s5, s7;
	s10 =	sadd.s32 s5, s9  }
0xa: {  	s16 =	sadd.s32 s5, s11;
	s26 =	sadd.s32 s5, s24;
	s0 =	sadd.s32 s0, s3  }
0xb: {  	s8 =	sshrl.u32 s13, $0x3;
	s14 =	sshrl.u32 s10, $0x3;
	s17 =	sshrl.u32 s16, $0x3  }
0xc: {  	s10 =	sadd.s32 $0x6000, s7;
	s13 =	sadd.s32 s5, s12;
	s16 =	sadd.s32 $0xC000, s7  }
0xd: {  	s28 =	sadd.s32 $0xD800, s0;
	s8 =	sadd.s32 s4, s8;
	s18 =	sadd.s32 s5, s10  }
0xe: {  	s19 =	sshrl.u32 s13, $0x3;
	s22 =	sadd.s32 s5, s16;
	s13 =	rddreg [dreg:$0x2]  }
0xf: {  	[dreg:$0x4] =	wrdreg s8;
	s8 =	sadd.s32 s4, s14;
	s14 =	sadd.s32 $0xA000, s7  }
0x10: {  	s24 =	sadd.s32 s24, s13;
	[dreg:$0x5] =	wrdreg s8;
	s8 =	sadd.s32 s4, s17  }
0x11: {  	s20 =	sadd.s32 s5, s14;
	s17 =	sadd.s32 $0xE000, s7;
	s7 =	sadd.s32 $0x12000, s7  }
0x12: {  	[dreg:$0x6] =	wrdreg s8;
	s8 =	sshrl.u32 s18, $0x3;
	s21 =	sshrl.u32 s20, $0x3  }
0x13: {  	s23 =	sadd.s32 s5, s17;
	s18 =	sshrl.u32 s26, $0x3;
	s5 =	sadd.s32 s5, s7  }
0x14: {  	s26 =	sadd.s32 s12, s13;
	s8 =	sadd.s32 s4, s8;
	s25 =	sshrl.u32 s23, $0x3  }
0x15: {  	s5 =	sshrl.u32 s5, $0x3;
	s23 =	sadd.s32 s11, s13;
	s11 =	simm.s32 $0x1  }
0x16: {  	[dreg:$0x7] =	wrdreg s8;
	s8 =	sadd.s32 s4, s19;
	s19 =	smul.u32 $0x50000, s15  }
0x17: {  	[dreg:$0x8] =	wrdreg s8;
	s8 =	sadd.s32 s4, s21;
	s21 =	smax.u32 s6, $0x1  }
0x18: {  	[dreg:$0x9] =	wrdreg s8;
	s8 =	sshrl.u32 s22, $0x3;
	s20 =	sshrl.u32 s19, $0x2  }
0x19: {  	s22 =	sadd.s32 s9, s13;
	s9 =	simm.s32 $0x80;
	s8 =	sadd.s32 s4, s8  }
0x1a: {  	s15 =	sadd.s32 s20, s13;
	[dreg:$0xa] =	wrdreg s8;
	s8 =	sadd.s32 s4, s25  }
0x1b: {  	s25 =	sadd.s32 s10, s13;
	[dreg:$0xb] =	wrdreg s8;
	s8 =	sadd.s32 s4, s18  }
0x1c: {  	s29 =	sadd.s32 $0x2000, s15;
	s4 =	sadd.s32 s4, s5;
	[dreg:$0xc] =	wrdreg s8  }
0x1d: {  	s30 =	sadd.s32 $0x4000, s15;
	s31 =	sadd.s32 $0x6000, s15;
	[dreg:$0xd] =	wrdreg s4  }
0x1e: {  	s12 =	sadd.s32 $0x8000, s15;
	_ =	strace $0x8000004A;
	[dreg:$0xe] =	wrdreg s21  }
0x1f: {  	s3 =	sadd.s32 $0xC000, s15;
	s6 =	sadd.s32 $0x12000, s15;
	[dreg:$0xf] =	wrdreg s22  }
0x20: {  	s10 =	simm.s32 $0x100;
	s5 =	sadd.s32 $0x10000, s15;
	[dreg:$0x10] =	wrdreg s23  }
0x21: {  	s4 =	sadd.s32 $0xE000, s15;
	s8 =	simm.s32 $0x2;
	[dreg:$0x11] =	wrdreg s25  }
0x22: {  	[dreg:$0x12] =	wrdreg s26;
	s21 =	sadd.s32 s14, s13;
	s22 =	sadd.s32 s16, s13  }
0x23: {  	s23 =	sadd.s32 s17, s13;
	s25 =	sadd.s32 s7, s13;
	s26 =	sadd.s32 $0x3A00, s0  }
0x24: {  	v0 =	vimm.f32 $0.0e+00;
	s0 =	sadd.s32 $0xA000, s15;
	s7 =	simm.s32 $0x4100;
	s14 =	simm.s32 $0x0  }
.LBB2_1:
0x25: {  	s16 =	simm.s32 $0x0;
	s17 =	simm.s32 $0x200  }
.LBB2_2:
0x26: {  	p0 =	sne.s32 s17, $0x7E00;
	[tilespmem:s16+$0x4170] =	vst v0  }
0x27: {  	[tilespmem:s16+$0x4100] =	vst v0  }
0x28: {  	[tilespmem:s16+$0x4110] =	vst v0  }
.Ltmp0:
0x29: {  	[tilespmem:s16+$0x4120] =	vst v0;
	(pc) =	sbr.rel @p0 .LBB2_2-.Ltmp0, $4  }
0x2a: {  	[tilespmem:s16+$0x4130] =	vst v0  }
0x2b: {  	[tilespmem:s16+$0x4140] =	vst v0  }
0x2c: {  	[tilespmem:s16+$0x4150] =	vst v0  }
0x2d: {  	[tilespmem:s16+$0x4160] =	vst v0;
	s16 =	sshra.s32 s17, $0x2;
	s17 =	sadd.s32 $0x200, s17  }
0x2e: {  	[tilespmem:s16+$0x4170] =	vst v0  }
0x2f: {  	[tilespmem:s16+$0x4100] =	vst v0  }
0x30: {  	[tilespmem:s16+$0x4110] =	vst v0  }
0x31: {  	[tilespmem:s16+$0x4120] =	vst v0  }
0x32: {  	[tilespmem:s16+$0x4130] =	vst v0  }
0x33: {  	[tilespmem:s16+$0x4140] =	vst v0  }
0x34: {  	[tilespmem:s16+$0x4150] =	vst v0  }
0x35: {  	[tilespmem:s16+$0x4160] =	vst v0  }
0x36: {  	[spmem:s15] =	stream.linear.scatter [tilespmem:s7], [sflag:$0x2], $0x2000, $0x38;
	[tilespmem:$0x1A100] =	vst v63  }
0x37: {  	_ =	swait.ge [sflag:s8], $0x2000  }
0x38: {  	[sflag:s8] =	ssyncset.done $0x0  }
0x39: {  	[sflag:s8] =	ssyncadd.s32 $0xFFFFE000  }
0x3a: {  	[spmem:s29] =	stream.linear.scatter [tilespmem:s7], [sflag:$0x2], $0x2000, $0x38;
	[tilespmem:$0x1A100] =	vst v63  }
0x3b: {  	_ =	swait.ge [sflag:s8], $0x2000  }
0x3c: {  	[sflag:s8] =	ssyncset.done $0x0  }
0x3d: {  	[sflag:s8] =	ssyncadd.s32 $0xFFFFE000  }
0x3e: {  	[spmem:s30] =	stream.linear.scatter [tilespmem:s7], [sflag:$0x2], $0x2000, $0x38;
	[tilespmem:$0x1A100] =	vst v63  }
0x3f: {  	_ =	swait.ge [sflag:s8], $0x2000  }
0x40: {  	[sflag:s8] =	ssyncset.done $0x0  }
0x41: {  	[sflag:s8] =	ssyncadd.s32 $0xFFFFE000  }
0x42: {  	[spmem:s31] =	stream.linear.scatter [tilespmem:s7], [sflag:$0x2], $0x2000, $0x38;
	[tilespmem:$0x1A100] =	vst v63  }
0x43: {  	_ =	swait.ge [sflag:s8], $0x2000  }
0x44: {  	[sflag:s8] =	ssyncset.done $0x0  }
0x45: {  	[sflag:s8] =	ssyncadd.s32 $0xFFFFE000  }
0x46: {  	[spmem:s12] =	stream.linear.scatter [tilespmem:s7], [sflag:$0x2], $0x2000, $0x38;
	[tilespmem:$0x1A100] =	vst v63  }
0x47: {  	_ =	swait.ge [sflag:s8], $0x2000  }
0x48: {  	[sflag:s8] =	ssyncset.done $0x0  }
0x49: {  	[sflag:s8] =	ssyncadd.s32 $0xFFFFE000  }
0x4a: {  	[spmem:s0] =	stream.linear.scatter [tilespmem:s7], [sflag:$0x2], $0x2000, $0x38;
	[tilespmem:$0x1A100] =	vst v63  }
0x4b: {  	_ =	swait.ge [sflag:s8], $0x2000  }
0x4c: {  	[sflag:s8] =	ssyncset.done $0x0  }
0x4d: {  	[sflag:s8] =	ssyncadd.s32 $0xFFFFE000  }
0x4e: {  	[spmem:s3] =	stream.linear.scatter [tilespmem:s7], [sflag:$0x2], $0x2000, $0x38;
	[tilespmem:$0x1A100] =	vst v63  }
0x4f: {  	_ =	swait.ge [sflag:s8], $0x2000  }
0x50: {  	[sflag:s8] =	ssyncset.done $0x0  }
0x51: {  	[sflag:s8] =	ssyncadd.s32 $0xFFFFE000  }
0x52: {  	[spmem:s4] =	stream.linear.scatter [tilespmem:s7], [sflag:$0x2], $0x2000, $0x38;
	[tilespmem:$0x1A100] =	vst v63  }
0x53: {  	_ =	swait.ge [sflag:s8], $0x2000  }
0x54: {  	[sflag:s8] =	ssyncset.done $0x0  }
0x55: {  	[sflag:s8] =	ssyncadd.s32 $0xFFFFE000  }
0x56: {  	[spmem:s5] =	stream.linear.scatter [tilespmem:s7], [sflag:$0x2], $0x2000, $0x38;
	[tilespmem:$0x1A100] =	vst v63  }
0x57: {  	_ =	swait.ge [sflag:s8], $0x2000  }
0x58: {  	[sflag:s8] =	ssyncset.done $0x0  }
0x59: {  	[sflag:s8] =	ssyncadd.s32 $0xFFFFE000  }
0x5a: {  	[spmem:s6] =	stream.linear.scatter [tilespmem:s7], [sflag:$0x2], $0x2000, $0x38;
	[tilespmem:$0x1A100] =	vst v63  }
0x5b: {  	_ =	swait.ge [sflag:s8], $0x2000  }
0x5c: {  	[sflag:s8] =	ssyncset.done $0x0  }
0x5d: {  	[sflag:s8] =	ssyncadd.s32 $0xFFFFE000  }
0x5e: {  	s19 =	sadd.s32 $0x0, s28;
	[bflag:$0x0] =	sbarrier.arrive $0xFFFF  }
0x5f: {  	[tilespmem:s2], [sflag:$0x2] =	stream.linear.gather [hbm4b:s19+s2], $0x80, $0x38;
	[tilespmem:$0x1A100] =	vst v63  }
0x60: {  	_ =	swait.ge [sflag:s8], $0x80  }
0x61: {  	[sflag:s8] =	ssyncset.done $0x0  }
0x62: {  	s20 =	sadd.s32 $0x0, s26;
	[sflag:s8] =	ssyncadd.s32 $0xFFFFFF80  }
0x63: {  	[tilespmem:s9], [sflag:$0x2] =	stream.linear.gather [hbm4b:s20+s2], $0x80, $0x38;
	[tilespmem:$0x1A100] =	vst v63  }
0x64: {  	_ =	swait.ge [sflag:s8], $0x80  }
0x65: {  	[sflag:s8] =	ssyncset.done $0x0  }
0x66: {  	[sflag:s8] =	ssyncadd.s32 $0xFFFFFF80  }
0x67: {  	[tilespmem:s10], [sflag:$0x1] =	stream.indirect.gather [hbm4b:s1+s9], $0x80, s2, s9, $0xb8;
	[tilespmem:$0x1A100] =	vst v63  }
0x68: {  	_ =	swait.ge [sflag:s11], $0x4000  }
0x69: {  	[sflag:s11] =	ssyncset.done $0x0  }
0x6a: {  	[sflag:s11] =	ssyncadd.s32 $0xFFFFC000  }
0x6b: {  	[spmem:s13] =	stream.indirect.scatter.add.f32 [tilespmem:s10], [sflag:$0x2], $0x80, s9, s9, $0xb8;
	[tilespmem:$0x1A100] =	vst v63  }
0x6c: {  	_ =	swait.ge [sflag:s8], $0x4000  }
0x6d: {  	s16 =	simm.s32 $0x10;
	s17 =	simm.s32 $0x20;
	[sflag:s8] =	ssyncset.done $0x0  }
.LBB2_4:
0x6e: {  	s18 =	sadd.s32 s16, s28  }
0x6f: {  	[sflag:s8] =	ssyncadd.s32 $0xFFFFC000;
	s19 =	smov.u32 s17;
	s20 =	sadd.s32 $0x10, s17  }
0x70: {  	[tilespmem:s2], [sflag:$0x2] =	stream.linear.gather [hbm4b:s18+s2], $0x80, $0x38;
	[tilespmem:$0x1A100] =	vst v63  }
0x71: {  	p0 =	sne.s32 s17, $0x4E0;
	_ =	swait.ge [sflag:s8], $0x80  }
0x72: {  	[sflag:s8] =	ssyncset.done $0x0  }
0x73: {  	s17 =	sadd.s32 s16, s26;
	s16 =	smov.u32 s19;
	[sflag:s8] =	ssyncadd.s32 $0xFFFFFF80  }
0x74: {  	[tilespmem:s9], [sflag:$0x2] =	stream.linear.gather [hbm4b:s17+s2], $0x80, $0x38;
	[tilespmem:$0x1A100] =	vst v63  }
0x75: {  	_ =	swait.ge [sflag:s8], $0x80  }
0x76: {  	[sflag:s8] =	ssyncset.done $0x0  }
0x77: {  	[sflag:s8] =	ssyncadd.s32 $0xFFFFFF80  }
0x78: {  	[tilespmem:s10], [sflag:$0x1] =	stream.indirect.gather [hbm4b:s1+s9], $0x80, s2, s9, $0xb8;
	[tilespmem:$0x1A100] =	vst v63  }
0x79: {  	_ =	swait.ge [sflag:s11], $0x4000  }
.Ltmp1:
0x7a: {  	[sflag:s11] =	ssyncset.done $0x0;
	(pc) =	sbr.rel @p0 .LBB2_4-.Ltmp1, $4  }
0x7b: {  	[sflag:s11] =	ssyncadd.s32 $0xFFFFC000  }
0x7c: {  	[spmem:s13] =	stream.indirect.scatter.add.f32 [tilespmem:s10], [sflag:$0x2], $0x80, s9, s9, $0xb8;
	[tilespmem:$0x1A100] =	vst v63  }
0x7d: {  	_ =	swait.ge [sflag:s8], $0x4000  }
0x7e: {  	s17 =	smov.u32 s20;
	[sflag:s8] =	ssyncset.done $0x0  }
0x7f: {  	s17 =	sadd.s32 s16, s28;
	[sflag:s8] =	ssyncadd.s32 $0xFFFFC000  }
0x80: {  	[tilespmem:s2], [sflag:$0x2] =	stream.linear.gather [hbm4b:s17+s2], $0x80, $0x38;
	[tilespmem:$0x1A100] =	vst v63  }
0x81: {  	_ =	swait.ge [sflag:s8], $0x80  }
0x82: {  	[sflag:s8] =	ssyncset.done $0x0  }
0x83: {  	s17 =	sadd.s32 s16, s26;
	[sflag:s8] =	ssyncadd.s32 $0xFFFFFF80  }
0x84: {  	[tilespmem:s9], [sflag:$0x2] =	stream.linear.gather [hbm4b:s17+s2], $0x80, $0x38;
	[tilespmem:$0x1A100] =	vst v63  }
0x85: {  	_ =	swait.ge [sflag:s8], $0x80  }
0x86: {  	[sflag:s8] =	ssyncset.done $0x0  }
0x87: {  	[sflag:s8] =	ssyncadd.s32 $0xFFFFFF80  }
0x88: {  	[tilespmem:s10], [sflag:$0x1] =	stream.indirect.gather [hbm4b:s1+s9], $0x80, s2, s9, $0xb8;
	[tilespmem:$0x1A100] =	vst v63  }
0x89: {  	_ =	swait.ge [sflag:s11], $0x4000  }
0x8a: {  	[sflag:s11] =	ssyncset.done $0x0  }
0x8b: {  	[sflag:s11] =	ssyncadd.s32 $0xFFFFC000  }
0x8c: {  	[spmem:s13] =	stream.indirect.scatter.add.f32 [tilespmem:s10], [sflag:$0x2], $0x80, s9, s9, $0xb8;
	[tilespmem:$0x1A100] =	vst v63  }
0x8d: {  	_ =	swait.ge [sflag:s8], $0x4000  }
0x8e: {  	[sflag:s8] =	ssyncset.done $0x0  }
0x8f: {  	[sflag:s8] =	ssyncadd.s32 $0xFFFFC000  }
0x90: {  	[bflag:$0x0] =	sbarrier.arrive $0xFFFF  }
0x91: {  	[tilespmem:s7], [sflag:$0x2] =	stream.linear.gather [spmem:s15], $0x2000, $0x38;
	[tilespmem:$0x1A100] =	vst v63  }
0x92: {  	_ =	swait.ge [sflag:s8], $0x2000  }
0x93: {  	[sflag:s8] =	ssyncset.done $0x0  }
0x94: {  	s18 =	rddreg [dreg:$0x4];
	[sflag:s8] =	ssyncadd.s32 $0xFFFFE000  }
0x95: {  	[hbm4b:s18+s2] =	stream.linear.scatter [tilespmem:s7], [sflag:$0x2], $0x2000, $0x38;
	[tilespmem:$0x1A100] =	vst v63  }
0x96: {  	_ =	swait.ge [sflag:s8], $0x2000  }
0x97: {  	[sflag:s8] =	ssyncset.done $0x0  }
0x98: {  	s19 =	rddreg [dreg:$0xf];
	[sflag:s8] =	ssyncadd.s32 $0xFFFFE000  }
0x99: {  	[tilespmem:s7], [sflag:$0x2] =	stream.linear.gather [spmem:s19], $0x2000, $0x38;
	[tilespmem:$0x1A100] =	vst v63  }
0x9a: {  	_ =	swait.ge [sflag:s8], $0x2000  }
0x9b: {  	[sflag:s8] =	ssyncset.done $0x0  }
0x9c: {  	s20 =	rddreg [dreg:$0x5];
	[sflag:s8] =	ssyncadd.s32 $0xFFFFE000  }
0x9d: {  	[hbm4b:s20+s2] =	stream.linear.scatter [tilespmem:s7], [sflag:$0x2], $0x2000, $0x38;
	[tilespmem:$0x1A100] =	vst v63  }
0x9e: {  	_ =	swait.ge [sflag:s8], $0x2000  }
0x9f: {  	[sflag:s8] =	ssyncset.done $0x0  }
0xa0: {  	s17 =	rddreg [dreg:$0x10];
	[sflag:s8] =	ssyncadd.s32 $0xFFFFE000  }
0xa1: {  	[tilespmem:s7], [sflag:$0x2] =	stream.linear.gather [spmem:s17], $0x2000, $0x38;
	[tilespmem:$0x1A100] =	vst v63  }
0xa2: {  	_ =	swait.ge [sflag:s8], $0x2000  }
0xa3: {  	[sflag:s8] =	ssyncset.done $0x0  }
0xa4: {  	s18 =	rddreg [dreg:$0x6];
	[sflag:s8] =	ssyncadd.s32 $0xFFFFE000  }
0xa5: {  	[hbm4b:s18+s2] =	stream.linear.scatter [tilespmem:s7], [sflag:$0x2], $0x2000, $0x38;
	[tilespmem:$0x1A100] =	vst v63  }
0xa6: {  	_ =	swait.ge [sflag:s8], $0x2000  }
0xa7: {  	[sflag:s8] =	ssyncset.done $0x0  }
0xa8: {  	s19 =	rddreg [dreg:$0x11];
	[sflag:s8] =	ssyncadd.s32 $0xFFFFE000  }
0xa9: {  	[tilespmem:s7], [sflag:$0x2] =	stream.linear.gather [spmem:s19], $0x2000, $0x38;
	[tilespmem:$0x1A100] =	vst v63  }
0xaa: {  	_ =	swait.ge [sflag:s8], $0x2000  }
0xab: {  	[sflag:s8] =	ssyncset.done $0x0  }
0xac: {  	s20 =	rddreg [dreg:$0x7];
	[sflag:s8] =	ssyncadd.s32 $0xFFFFE000  }
0xad: {  	[hbm4b:s20+s2] =	stream.linear.scatter [tilespmem:s7], [sflag:$0x2], $0x2000, $0x38;
	[tilespmem:$0x1A100] =	vst v63  }
0xae: {  	_ =	swait.ge [sflag:s8], $0x2000  }
0xaf: {  	[sflag:s8] =	ssyncset.done $0x0  }
0xb0: {  	s17 =	rddreg [dreg:$0x12];
	[sflag:s8] =	ssyncadd.s32 $0xFFFFE000  }
0xb1: {  	[tilespmem:s7], [sflag:$0x2] =	stream.linear.gather [spmem:s17], $0x2000, $0x38;
	[tilespmem:$0x1A100] =	vst v63  }
0xb2: {  	_ =	swait.ge [sflag:s8], $0x2000  }
0xb3: {  	[sflag:s8] =	ssyncset.done $0x0  }
0xb4: {  	s18 =	rddreg [dreg:$0x8];
	[sflag:s8] =	ssyncadd.s32 $0xFFFFE000  }
0xb5: {  	[hbm4b:s18+s2] =	stream.linear.scatter [tilespmem:s7], [sflag:$0x2], $0x2000, $0x38;
	[tilespmem:$0x1A100] =	vst v63  }
0xb6: {  	_ =	swait.ge [sflag:s8], $0x2000  }
0xb7: {  	[sflag:s8] =	ssyncset.done $0x0  }
0xb8: {  	[sflag:s8] =	ssyncadd.s32 $0xFFFFE000  }
0xb9: {  	[tilespmem:s7], [sflag:$0x2] =	stream.linear.gather [spmem:s21], $0x2000, $0x38;
	[tilespmem:$0x1A100] =	vst v63  }
0xba: {  	_ =	swait.ge [sflag:s8], $0x2000  }
0xbb: {  	[sflag:s8] =	ssyncset.done $0x0  }
0xbc: {  	s19 =	rddreg [dreg:$0x9];
	[sflag:s8] =	ssyncadd.s32 $0xFFFFE000  }
0xbd: {  	[hbm4b:s19+s2] =	stream.linear.scatter [tilespmem:s7], [sflag:$0x2], $0x2000, $0x38;
	[tilespmem:$0x1A100] =	vst v63  }
0xbe: {  	_ =	swait.ge [sflag:s8], $0x2000  }
0xbf: {  	[sflag:s8] =	ssyncset.done $0x0  }
0xc0: {  	[sflag:s8] =	ssyncadd.s32 $0xFFFFE000  }
0xc1: {  	[tilespmem:s7], [sflag:$0x2] =	stream.linear.gather [spmem:s22], $0x2000, $0x38;
	[tilespmem:$0x1A100] =	vst v63  }
0xc2: {  	_ =	swait.ge [sflag:s8], $0x2000  }
0xc3: {  	[sflag:s8] =	ssyncset.done $0x0  }
0xc4: {  	s20 =	rddreg [dreg:$0xa];
	[sflag:s8] =	ssyncadd.s32 $0xFFFFE000  }
0xc5: {  	[hbm4b:s20+s2] =	stream.linear.scatter [tilespmem:s7], [sflag:$0x2], $0x2000, $0x38;
	[tilespmem:$0x1A100] =	vst v63  }
0xc6: {  	_ =	swait.ge [sflag:s8], $0x2000  }
0xc7: {  	[sflag:s8] =	ssyncset.done $0x0  }
0xc8: {  	[sflag:s8] =	ssyncadd.s32 $0xFFFFE000  }
0xc9: {  	[tilespmem:s7], [sflag:$0x2] =	stream.linear.gather [spmem:s23], $0x2000, $0x38;
	[tilespmem:$0x1A100] =	vst v63  }
0xca: {  	_ =	swait.ge [sflag:s8], $0x2000  }
0xcb: {  	[sflag:s8] =	ssyncset.done $0x0  }
0xcc: {  	s17 =	rddreg [dreg:$0xb];
	[sflag:s8] =	ssyncadd.s32 $0xFFFFE000  }
0xcd: {  	[hbm4b:s17+s2] =	stream.linear.scatter [tilespmem:s7], [sflag:$0x2], $0x2000, $0x38;
	[tilespmem:$0x1A100] =	vst v63  }
0xce: {  	_ =	swait.ge [sflag:s8], $0x2000  }
0xcf: {  	[sflag:s8] =	ssyncset.done $0x0  }
0xd0: {  	[sflag:s8] =	ssyncadd.s32 $0xFFFFE000  }
0xd1: {  	[tilespmem:s7], [sflag:$0x2] =	stream.linear.gather [spmem:s24], $0x2000, $0x38;
	[tilespmem:$0x1A100] =	vst v63  }
0xd2: {  	_ =	swait.ge [sflag:s8], $0x2000  }
0xd3: {  	[sflag:s8] =	ssyncset.done $0x0  }
0xd4: {  	s18 =	rddreg [dreg:$0xc];
	[sflag:s8] =	ssyncadd.s32 $0xFFFFE000  }
0xd5: {  	[hbm4b:s18+s2] =	stream.linear.scatter [tilespmem:s7], [sflag:$0x2], $0x2000, $0x38;
	[tilespmem:$0x1A100] =	vst v63  }
0xd6: {  	_ =	swait.ge [sflag:s8], $0x2000  }
0xd7: {  	[sflag:s8] =	ssyncset.done $0x0  }
0xd8: {  	[sflag:s8] =	ssyncadd.s32 $0xFFFFE000  }
0xd9: {  	[tilespmem:s7], [sflag:$0x2] =	stream.linear.gather [spmem:s25], $0x2000, $0x38;
	[tilespmem:$0x1A100] =	vst v63  }
0xda: {  	_ =	swait.ge [sflag:s8], $0x2000  }
0xdb: {  	[sflag:s8] =	ssyncset.done $0x0  }
0xdc: {  	s19 =	rddreg [dreg:$0xd];
	[sflag:s8] =	ssyncadd.s32 $0xFFFFE000  }
0xdd: {  	[hbm4b:s19+s2] =	stream.linear.scatter [tilespmem:s7], [sflag:$0x2], $0x2000, $0x38;
	[tilespmem:$0x1A100] =	vst v63  }
0xde: {  	_ =	swait.ge [sflag:s8], $0x2000  }
0xdf: {  	s14 =	sadd.s32 $0x1, s14;
	s20 =	rddreg [dreg:$0xe]  }
0xe0: {  	p0 =	sne.s32 s14, s20  }
.Ltmp2:
0xe1: {  	_ = 	snop;
	(pc) =	sbr.rel @p0 .LBB2_1-.Ltmp2, $3  }
0xe2: {  	_ =	sdelay $0x1  }
0xe3: {  	[sflag:s8] =	ssyncset.done $0x0  }
0xe4: {  	[sflag:s8] =	ssyncadd.s32 $0xFFFFE000  }
0xe5: {  	_ =	sfence.sel $0x180000  }
0xe6: {  	[bflag:$0x0] =	sbarrier.arrive $0xFFFF  }
0xe7: {  	_ =	strace $0x9000004A  }
0xe8: {  	s0 =	stileid.u32;
	[bflag:$0x2] =	sbarrier.arrive $0xFFFF  }
0xe9: {  	p0 =	sne.s32 s0, $0x0;
	s0 =	rddreg [dreg:$0x3]  }
0xea: {  	s0 =	sadd.s32 @!p0 $0x100000, s0  }
0xeb: {  	[sflag:s0] =	ssyncadd.tile.s32 @!p0 $0x1;
	_ =	shalt  }
.Lfunc_end2:
_tile_overlayer_lowered:
.L_overlay_start_2:
0xec: {  	(tag) =	ssettag $0x2  }
0xed: {  	s0 =	rddreg [dreg:$0x0];
	s2 =	stileid.u32  }
0xee: {  	s1 =	rddreg [dreg:$0x1];
	p0 =	sne.s32 s2, $0x0  }
0xef: {  	s3 =	rddreg [dreg:$0x2];
	[bflag:$0x3] =	sbarrier.arrive $0xFFFF;
	s2 =	simm.s32 @!p0 $0x1C02  }
0xf0: {  	[timem:s3], [sflag:s2] =	dma.local @!p0 [hbm:s0], s1  }
0xf1: {  	s0 =	simm.s32 @!p0 $0x2  }
0xf2: {  	_ =	swait.ge @!p0 [sflag:s0], s1  }
0xf3: {  	s1 =	ssub.s32 @!p0 $0x0, s1;
	[sflag:s0] =	ssyncset.done @!p0 $0x0  }
0xf4: {  	[sflag:s0] =	ssyncadd.s32 @!p0 s1  }
0xf5: {  	[bflag:$0x3] =	sbarrier.arrive $0xFFFF  }
0xf6: {  	_ =	shalt  }

// kernel: kernel.16.cloned.1.call-start
scs
__scs_entry_jumppad:
0x0: {  	(pc) =	sbr.rel $0x88, $3  }
0x1: {  	(tag) =	ssettag $0x0;
	lr =	simm.s32 $0x1  }
0x2: {  	[smem:$0x3F9E] =	sst lr;
	_ =	strace $0xD0000000  }
0x3: {  	_ = 	snop  }
0x4: {  	_ = 	snop  }
0x5: {  	_ = 	snop  }
0x6: {  	_ = 	snop  }
0x7: {  	_ = 	snop  }
__scs_overlays_trampoline_lowered:
0x8: {  	[smem:$0x3FAD] =	sst s0  }
0x9: {  	[smem:$0x3FAE] =	sst s1  }
0xa: {  	[smem:$0x3FAF] =	sst s2  }
0xb: {  	[smem:$0x3FB0] =	sst s3  }
0xc: {  	[smem:$0x3FB1] =	sst s4  }
0xd: {  	[smem:$0x3FB2] =	sst s5  }
0xe: {  	[smem:$0x3FB3] =	sst s6  }
0xf: {  	[smem:$0x3FB4] =	sst s7  }
0x10: {  	[smem:$0x3FB5] =	sst s8  }
0x11: {  	[smem:$0x3FB6] =	sst s9;
	s0 =	simm.s32 @!p0 $0x0  }
0x12: {  	s1 =	sld [smem:$0x3F9C];
	s0 =	simm.s32 @p0 $0x1  }
0x13: {  	[smem:$0x3FB7] =	sst s0;
	s0 =	simm.s32 @!p1 $0x0  }
0x14: {  	s2 =	sld [smem:$0x3F9B];
	s0 =	simm.s32 @p1 $0x1  }
0x15: {  	[smem:$0x3FB8] =	sst s0;
	s0 =	simm.s32 @!p2 $0x0  }
0x16: {  	s3 =	sld [smem:$0x3FDB];
	s0 =	simm.s32 @p2 $0x1  }
0x17: {  	s4 =	simm.s32 $0x1BF5;
	[smem:$0x3FBA] =	sst s0  }
0x18: {  	s0 =	sld [smem:$0x3F9D];
	_ =	swait.ge [sflag:s4], $0x0  }
0x19: {  	s7 =	sld [smem:$0x3F9E]  }
0x1a: {  	s8 =	sadd.s32 $0xFFFFE003, lr  }
0x1b: {  	s9 =	sadd.s32 $0xFFFFFEF7, lr;
	s5 =	simm.s32 $0xFFFFFFFF;
	p2 =	slt.u32 s8, $0xFFFFF086  }
0x1c: {  	p1 =	slt.u32 s9, $0xF7A;
	s5 =	simm.s32 @!p2 $0x0  }
0x1d: {  	s5 =	simm.s32 @p1 $0x1;
	p0 =	seq.s32 s7, s2  }
0x1e: {  	s7 =	smul.u32 @!p0 $0xF7A, s2;
	p2 =	seq.s32 @!p0 s5, $0x0  }
0x1f: {  	s9 =	smul.u32 $0xF7A, s1;
	s8 =	simm.s32 @!p0 $0x1BF5;
	p2 =	por !p2, p0  }
0x20: {  	[sflag:s8] =	ssyncset.s32 @!p0 $0xFFFFF086;
	s6 =	sadd.s32 @!p0 s3, s7;
	s7 =	simm.s32 @!p0 $0x108  }
0x21: {  	s3 =	sadd.s32 s3, s9;
	s6 =	sadd.s32 @!p0 $0x88, s6;
	s7 =	simm.s32 @p2 $0x1082  }
0x22: {  	[simem:s7], [sflag:s8] =	dma.local @!p0 [hbm:s6], $0xF7A  }
0x23: {  	s9 =	sor.u32 $0xD0000000, s2;
	s6 =	simm.s32 $0x108;
	_ =	swait.ge @!p0 [sflag:s8], $0x0  }
0x24: {  	s3 =	sadd.s32 $0x88, s3;
	s6 =	simm.s32 @!p1 $0x1082;
	[sflag:s4] =	ssyncset.s32 $0xFFFFF086  }
0x25: {  	[simem:s6], [sflag:s4] =	dma.local [hbm:s3], $0xF7A  }
0x26: {  	[smem:$0x3F9E] =	sst s1;
	(tag) =	ssettag s2;
	_ =	strace s9  }
0x27: {  	s1 =	sld [smem:$0x3FAE]  }
0x28: {  	s2 =	sld [smem:$0x3FAF]  }
0x29: {  	s4 =	sld [smem:$0x3FB1]  }
0x2a: {  	p0 =	seq.s32 s5, $0x0;
	s5 =	sld [smem:$0x3FB2]  }
0x2b: {  	s6 =	sld [smem:$0x3FB3]  }
0x2c: {  	s7 =	sld [smem:$0x3FB4]  }
0x2d: {  	s3 =	simm.s32 $0x108;
	s8 =	sld [smem:$0x3FB5]  }
0x2e: {  	s3 =	simm.s32 @!p0 $0x1082;
	s9 =	sld [smem:$0x3FB6]  }
0x2f: {  	lr =	sadd.s32 s0, s3;
	s0 =	sld [smem:$0x3FAD]  }
0x30: {  	s3 =	sld [smem:$0x3FB0]  }
0x31: {  	[smem:$0x3FB9] =	sst s10  }
0x32: {  	s10 =	sld [smem:$0x3FB7];
	_ =	sdelay $0x3  }
0x33: {  	p0 =	seq.s32 s10, $0x1;
	s10 =	sld [smem:$0x3FB9];
	_ =	sdelay $0x3  }
0x34: {  	[smem:$0x3FB9] =	sst s10  }
0x35: {  	s10 =	sld [smem:$0x3FB8];
	_ =	sdelay $0x3  }
0x36: {  	p1 =	seq.s32 s10, $0x1;
	s10 =	sld [smem:$0x3FB9];
	_ =	sdelay $0x3  }
0x37: {  	[smem:$0x3FB9] =	sst s10  }
0x38: {  	s10 =	sld [smem:$0x3FBA]  }
0x39: {  	_ = 	snop;
	(pc) =	sbr.ind lr, $3  }
0x3a: {  	_ = 	snop  }
0x3b: {  	_ = 	snop  }
0x3c: {  	p2 =	seq.s32 s10, $0x1;
	s10 =	sld [smem:$0x3FB9]  }
0x3d: {  	_ =	shalt  }
0x3e: {  	_ =	shalt  }
0x3f: {  	_ =	shalt  }
0x40: {  	_ =	shalt  }
0x41: {  	_ =	shalt  }
0x42: {  	_ =	shalt  }
0x43: {  	_ =	shalt  }
0x44: {  	_ =	shalt  }
0x45: {  	_ =	shalt  }
0x46: {  	_ =	shalt  }
0x47: {  	_ =	shalt  }
0x48: {  	_ =	shalt  }
0x49: {  	_ =	shalt  }
0x4a: {  	_ =	shalt  }
0x4b: {  	_ =	shalt  }
0x4c: {  	_ =	shalt  }
0x4d: {  	_ =	shalt  }
0x4e: {  	_ =	shalt  }
0x4f: {  	_ =	shalt  }
0x50: {  	_ =	shalt  }
0x51: {  	_ =	shalt  }
0x52: {  	_ =	shalt  }
0x53: {  	_ =	shalt  }
0x54: {  	_ =	shalt  }
0x55: {  	_ =	shalt  }
0x56: {  	_ =	shalt  }
0x57: {  	_ =	shalt  }
0x58: {  	_ =	shalt  }
0x59: {  	_ =	shalt  }
0x5a: {  	_ =	shalt  }
0x5b: {  	_ =	shalt  }
0x5c: {  	_ =	shalt  }
0x5d: {  	_ =	shalt  }
0x5e: {  	_ =	shalt  }
0x5f: {  	_ =	shalt  }
0x60: {  	_ =	shalt  }
0x61: {  	_ =	shalt  }
0x62: {  	_ =	shalt  }
0x63: {  	_ =	shalt  }
0x64: {  	_ =	shalt  }
0x65: {  	_ =	shalt  }
0x66: {  	_ =	shalt  }
0x67: {  	_ =	shalt  }
0x68: {  	_ =	shalt  }
0x69: {  	_ =	shalt  }
0x6a: {  	_ =	shalt  }
0x6b: {  	_ =	shalt  }
0x6c: {  	_ =	shalt  }
0x6d: {  	_ =	shalt  }
0x6e: {  	_ =	shalt  }
0x6f: {  	_ =	shalt  }
0x70: {  	_ =	shalt  }
0x71: {  	_ =	shalt  }
0x72: {  	_ =	shalt  }
0x73: {  	_ =	shalt  }
0x74: {  	_ =	shalt  }
0x75: {  	_ =	shalt  }
0x76: {  	_ =	shalt  }
0x77: {  	_ =	shalt  }
0x78: {  	_ =	shalt  }
0x79: {  	_ =	shalt  }
0x7a: {  	_ =	shalt  }
0x7b: {  	_ =	shalt  }
0x7c: {  	_ =	shalt  }
0x7d: {  	_ =	shalt  }
0x7e: {  	_ =	shalt  }
0x7f: {  	_ =	shalt  }
0x80: {  	_ =	shalt  }
0x81: {  	_ =	shalt  }
0x82: {  	_ =	shalt  }
0x83: {  	_ =	shalt  }
0x84: {  	_ =	shalt  }
0x85: {  	_ =	shalt  }
0x86: {  	_ =	shalt  }
0x87: {  	_ =	shalt  }
.Lfunc_end0:
.L_simem_size_0:
called_computation.2_lowered:
.L_overlay_start_0:
0x88: {  	s2 =	sld [smem:$0x3FD9]  }
0x89: {  	s3 =	sld [smem:$0x3FFE];
	_ =	sdelay $0x1  }
0x8a: {  	s1 =	srdreg.scid  }
0x8b: {  	s0 =	sand.u32 $0x1, s1  }
0x8c: {  	s16 =	sshll.u32 s0, $0xA;
	s2 =	sadd.s32 s3, s2  }
0x8d: {  	s2 =	sadd.s32 s2, s16  }
0x8e: {  	[smem:$0x3FC5] =	sst s2  }
0x8f: {  	_ = 	snop  }
0x90: {  	(tm) =	ssettm $0x1  }
0x91: {  	s17 =	sld [smem:$0x3FFB];
	_ =	sdelay $0x3  }
0x92: {  	_ =	strace s17  }
0x93: {  	s2 =	sld [smem:$0x3FFC];
	_ =	sdelay $0x3  }
0x94: {  	_ =	strace s2  }
0x95: {  	s2 =	sld [smem:$0x3FFD];
	_ =	sdelay $0x3  }
0x96: {  	_ =	strace s2  }
0x97: {  	_ =	strace $0x8FFFFFFF  }
0x98: {  	s18 =	sld [smem:$0x3FDB];
	_ =	sdelay $0x1  }
0x99: {  	s19 =	simm.s32 $_scs_section_size  }
0x9a: {  	s4 =	simm.s32 $_size__tile_overlayer_lowered;
	s5 =	simm.s32 $_tile_overlayer_lowered  }
0x9b: {  	s22 =	simm.s32 $0x1BFF;
	s21 =	sshll.u32 s5, $0x1;
	s2 =	sadd.s32 s19, s18  }
0x9c: {  	s6 =	simm.s32 $0x0;
	s20 =	sshll.u32 s4, $0x1;
	s4 =	sadd.s32 s21, s2  }
0x9d: {  	[timem:s6], [sflag:s22] =	dma.local [hbm:s4], s20  }
0x9e: {  	_ =	swait.ge [sflag:s22], s20  }
0x9f: {  	s3 =	ssub.s32 $0x0, s20;
	[sflag:s22] =	ssyncset.done $0x0  }
0xa0: {  	[sflag:s22] =	ssyncadd.s32 s3;
	_ =	sdelay $0x1  }
0xa1: {  	s23 =	simm.s32 $0x1B8B  }
0xa2: {  	_ =	swait.ge [sflag:s23], $0x1  }
0xa3: {  	[sflag:s23] =	ssyncset.done $0x0  }
0xa4: {  	s25 =	simm.s32 $0x1B8E;
	s24 =	sld [smem:$0x3FFE];
	[sflag:s23] =	ssyncadd.s32 $0xFFFFFFFF  }
0xa5: {  	s26 =	simm.s32 $execute0_lowered;
	[smem:$0x3FD2] =	sst s25  }
0xa6: {  	s4 =	sshll.u32 s26, $0x1;
	_ =	strace $0x8000004C;
	[dreg:$0x1] =	wrdreg $0xFFFFFFFF  }
0xa7: {  	s28 =	simm.s32 $_size_execute0_lowered;
	s2 =	sadd.s32 s2, s4;
	[dreg:$0x0] =	wrdreg $0x0  }
0xa8: {  	s4 =	sshll.u32 s28, $0x1;
	[dreg:$0x2] =	wrdreg s2  }
0xa9: {  	[dreg:$0x3] =	wrdreg s4  }
0xaa: {  	[dreg:$0x4] =	wrdreg $0xC0  }
0xab: {  	_ =	task [dreg:s6], $0x5FFFF  }
0xac: {  	[dreg:$0x1] =	wrdreg $0xFFFFFFFF  }
0xad: {  	[dreg:$0x0] =	wrdreg $0x60  }
0xae: {  	[dreg:$0x2] =	wrdreg s24  }
0xaf: {  	[dreg:$0x3] =	wrdreg $0x61000  }
0xb0: {  	[dreg:$0x4] =	wrdreg $0x9  }
0xb1: {  	_ =	task.clear_ibuf [dreg:s6], $0x5FFFF;
	_ =	strace $0x9000004C  }
0xb2: {  	s29 =	simm.s32 $0x9;
	_ =	strace $0x8000004E  }
0xb3: {  	_ =	swait.ge [sflag:s29], $0x1  }
0xb4: {  	[sflag:s29] =	ssyncadd.s32 $0xFFFFFFFF  }
0xb5: {  	_ =	strace $0x9000004E  }
0xb6: {  	_ =	sfence  }
0xb7: {  	s30 =	sld [smem:$0x0];
	_ =	sdelay $0x2  }
0xb8: {  	s31 =	sshll.u32 s1, $0xD;
	s1 =	sshrl.u32 s1, $0x2  }
0xb9: {  	s3 =	sand.u32 $0x4000, s31;
	s1 =	sadd.s32 s1, s30  }
0xba: {  	s0 =	sor.u32 s3, s0;
	s1 =	sshll.u32 s1, $0x11  }
0xbb: {  	s0 =	sor.u32 s1, s0  }
0xbc: {  	s0 =	sadd.s32 $0x8F2B, s0  }
0xbd: {  	[sflag:s0] =	ssyncadd.remote.s32 $0x1  }
0xbe: {  	_ =	sfence.sel $0xFFFF  }
0xbf: {  	[dreg:$0x0] =	wrdreg $0xFFFFFFFF;
	(pc) =	sbr.abs _section_cstart, $3  }
0xc0: {  	[dreg:$0x1] =	wrdreg $0xFFFFFFFF  }
0xc1: {  	_ =	task.clear_ibuf [dreg:s6], $0x2FFFF;
	_ =	strace $0x9FFFFFFF  }
0xc2: {  	(tm) =	ssettm $0x7FFFFFFF  }
0xc3: {  	_ =	shalt  }
tec
execute0_lowered:
.L_overlay_start_1:
0x0: {  	(tag) =	ssettag $0x1  }
0x1: {  	s0 =	srdreg.scid;
	s14 =	stileid.u32  }
0x2: {  	s2 =	rddreg [dreg:$0x0];
	s4 =	smul.u32 $0x14000, s14  }
0x3: {  	s1 =	simm.s32 $0x0;
	s0 =	sand.u32 $0x1, s0;
	s5 =	smul.u32 $0x9E0, s14  }
0x4: {  	[smem:$0x7FF] =	sst s1;
	s6 =	sadd.s32 $0xB3E00, s2;
	s15 =	smul.u32 $0x50000, s14  }
0x5: {  	s14 =	sadd.s32 $0x65A00, s2;
	s3 =	smul.u32 $0x140000, s0;
	s7 =	ssub.s32 $0x2, s0  }
0x6: {  	s0 =	smul.u32 $0x4F0, s0;
	s8 =	sshrl.u32 s7, $0x1;
	s10 =	sor.u32 $0x2000, s4  }
0x7: {  	s11 =	sadd.s32 $0x6000, s4;
	s9 =	sadd.s32 s3, s4;
	s7 =	ssub.s32 s7, s8  }
0x8: {  	s17 =	sadd.s32 s3, s10;
	s12 =	sadd.s32 s3, s11;
	s16 =	sshrl.u32 s9, $0x3  }
0x9: {  	s18 =	sshrl.u32 s17, $0x3;
	s9 =	sadd.s32 $0x4000, s4;
	s20 =	sshrl.u32 s12, $0x3  }
0xa: {  	s12 =	sadd.s32 $0xA000, s4;
	s17 =	sadd.s32 $0xC000, s4;
	s8 =	sadd.s32 s6, s16  }
0xb: {  	s19 =	sadd.s32 s3, s9;
	s16 =	sadd.s32 $0x8000, s4;
	s23 =	sadd.s32 s3, s12  }
0xc: {  	s13 =	sadd.s32 s3, s17;
	[dreg:$0x3] =	wrdreg s8;
	s8 =	sadd.s32 s6, s18  }
0xd: {  	s21 =	sadd.s32 s3, s16;
	s24 =	sshrl.u32 s13, $0x3;
	s18 =	sadd.s32 s5, s2  }
0xe: {  	[dreg:$0x4] =	wrdreg s8;
	s8 =	sshrl.u32 s19, $0x3;
	s22 =	sshrl.u32 s21, $0x3  }
0xf: {  	s0 =	sadd.s32 s0, s18;
	s19 =	sshrl.u32 s15, $0x2;
	s8 =	sadd.s32 s6, s8  }
0x10: {  	s28 =	sadd.s32 $0xD800, s0;
	[dreg:$0x5] =	wrdreg s8;
	s8 =	sadd.s32 s6, s20  }
0x11: {  	s20 =	smax.u32 s7, $0x1;
	[dreg:$0x6] =	wrdreg s8;
	s8 =	sadd.s32 s6, s22  }
0x12: {  	[dreg:$0x7] =	wrdreg s8;
	s8 =	sshrl.u32 s23, $0x3;
	s23 =	sadd.s32 $0xE000, s4  }
0x13: {  	s7 =	simm.s32 $0x2;
	s8 =	sadd.s32 s6, s8;
	s25 =	sadd.s32 s3, s23  }
0x14: {  	[dreg:$0x8] =	wrdreg s8;
	s8 =	sadd.s32 s6, s24;
	s26 =	sshrl.u32 s25, $0x3  }
0x15: {  	s24 =	sadd.s32 $0x10000, s4;
	s4 =	sadd.s32 $0x12000, s4;
	[dreg:$0x9] =	wrdreg s8  }
0x16: {  	s8 =	sadd.s32 s6, s26;
	s13 =	sadd.s32 s3, s24;
	s3 =	sadd.s32 s3, s4  }
0x17: {  	[dreg:$0xa] =	wrdreg s8;
	s8 =	sshrl.u32 s13, $0x3;
	s3 =	sshrl.u32 s3, $0x3  }
0x18: {  	s13 =	rddreg [dreg:$0x1];
	s8 =	sadd.s32 s6, s8;
	s3 =	sadd.s32 s6, s3  }
0x19: {  	s15 =	sadd.s32 s19, s13;
	s21 =	sadd.s32 s10, s13;
	s22 =	sadd.s32 s9, s13  }
0x1a: {  	s25 =	sadd.s32 s11, s13;
	s26 =	sadd.s32 s16, s13;
	s23 =	sadd.s32 s23, s13  }
0x1b: {  	s24 =	sadd.s32 s24, s13;
	s6 =	simm.s32 $0x4100;
	[dreg:$0xb] =	wrdreg s8  }
0x1c: {  	s9 =	simm.s32 $0x100;
	s10 =	simm.s32 $0x1;
	[dreg:$0xc] =	wrdreg s3  }
0x1d: {  	s29 =	sadd.s32 $0x2000, s15;
	_ =	strace $0x8000004D;
	[dreg:$0xd] =	wrdreg s20  }
0x1e: {  	s30 =	sadd.s32 $0x4000, s15;
	s31 =	sadd.s32 $0x6000, s15;
	[dreg:$0xe] =	wrdreg s21  }
0x1f: {  	s11 =	sadd.s32 $0x8000, s15;
	s2 =	sadd.s32 $0xC000, s15;
	[dreg:$0xf] =	wrdreg s22  }
0x20: {  	s3 =	sadd.s32 $0xE000, s15;
	s5 =	sadd.s32 $0x12000, s15;
	[dreg:$0x10] =	wrdreg s25  }
0x21: {  	s8 =	simm.s32 $0x80;
	[dreg:$0x11] =	wrdreg s26;
	s21 =	sadd.s32 s12, s13  }
0x22: {  	s22 =	sadd.s32 s17, s13;
	s25 =	sadd.s32 s4, s13;
	s26 =	sadd.s32 $0x3A00, s0  }
0x23: {  	v0 =	vimm.f32 $0.0e+00;
	s0 =	sadd.s32 $0xA000, s15;
	s4 =	sadd.s32 $0x10000, s15;
	s12 =	simm.s32 $0x0  }
.LBB2_1:
0x24: {  	s16 =	simm.s32 $0x0;
	s17 =	simm.s32 $0x200  }
.LBB2_2:
0x25: {  	p0 =	sne.s32 s17, $0x7E00;
	[tilespmem:s16+$0x4170] =	vst v0  }
0x26: {  	[tilespmem:s16+$0x4100] =	vst v0  }
0x27: {  	[tilespmem:s16+$0x4110] =	vst v0  }
.Ltmp0:
0x28: {  	[tilespmem:s16+$0x4120] =	vst v0;
	(pc) =	sbr.rel @p0 .LBB2_2-.Ltmp0, $4  }
0x29: {  	[tilespmem:s16+$0x4130] =	vst v0  }
0x2a: {  	[tilespmem:s16+$0x4140] =	vst v0  }
0x2b: {  	[tilespmem:s16+$0x4150] =	vst v0  }
0x2c: {  	[tilespmem:s16+$0x4160] =	vst v0;
	s16 =	sshra.s32 s17, $0x2;
	s17 =	sadd.s32 $0x200, s17  }
0x2d: {  	[tilespmem:s16+$0x4170] =	vst v0  }
0x2e: {  	[tilespmem:s16+$0x4100] =	vst v0  }
0x2f: {  	[tilespmem:s16+$0x4110] =	vst v0  }
0x30: {  	[tilespmem:s16+$0x4120] =	vst v0  }
0x31: {  	[tilespmem:s16+$0x4130] =	vst v0  }
0x32: {  	[tilespmem:s16+$0x4140] =	vst v0  }
0x33: {  	[tilespmem:s16+$0x4150] =	vst v0  }
0x34: {  	[tilespmem:s16+$0x4160] =	vst v0  }
0x35: {  	[spmem:s15] =	stream.linear.scatter [tilespmem:s6], [sflag:$0x2], $0x2000, $0x38;
	[tilespmem:$0x1A100] =	vst v63  }
0x36: {  	_ =	swait.ge [sflag:s7], $0x2000  }
0x37: {  	[sflag:s7] =	ssyncset.done $0x0  }
0x38: {  	[sflag:s7] =	ssyncadd.s32 $0xFFFFE000  }
0x39: {  	[spmem:s29] =	stream.linear.scatter [tilespmem:s6], [sflag:$0x2], $0x2000, $0x38;
	[tilespmem:$0x1A100] =	vst v63  }
0x3a: {  	_ =	swait.ge [sflag:s7], $0x2000  }
0x3b: {  	[sflag:s7] =	ssyncset.done $0x0  }
0x3c: {  	[sflag:s7] =	ssyncadd.s32 $0xFFFFE000  }
0x3d: {  	[spmem:s30] =	stream.linear.scatter [tilespmem:s6], [sflag:$0x2], $0x2000, $0x38;
	[tilespmem:$0x1A100] =	vst v63  }
0x3e: {  	_ =	swait.ge [sflag:s7], $0x2000  }
0x3f: {  	[sflag:s7] =	ssyncset.done $0x0  }
0x40: {  	[sflag:s7] =	ssyncadd.s32 $0xFFFFE000  }
0x41: {  	[spmem:s31] =	stream.linear.scatter [tilespmem:s6], [sflag:$0x2], $0x2000, $0x38;
	[tilespmem:$0x1A100] =	vst v63  }
0x42: {  	_ =	swait.ge [sflag:s7], $0x2000  }
0x43: {  	[sflag:s7] =	ssyncset.done $0x0  }
0x44: {  	[sflag:s7] =	ssyncadd.s32 $0xFFFFE000  }
0x45: {  	[spmem:s11] =	stream.linear.scatter [tilespmem:s6], [sflag:$0x2], $0x2000, $0x38;
	[tilespmem:$0x1A100] =	vst v63  }
0x46: {  	_ =	swait.ge [sflag:s7], $0x2000  }
0x47: {  	[sflag:s7] =	ssyncset.done $0x0  }
0x48: {  	[sflag:s7] =	ssyncadd.s32 $0xFFFFE000  }
0x49: {  	[spmem:s0] =	stream.linear.scatter [tilespmem:s6], [sflag:$0x2], $0x2000, $0x38;
	[tilespmem:$0x1A100] =	vst v63  }
0x4a: {  	_ =	swait.ge [sflag:s7], $0x2000  }
0x4b: {  	[sflag:s7] =	ssyncset.done $0x0  }
0x4c: {  	[sflag:s7] =	ssyncadd.s32 $0xFFFFE000  }
0x4d: {  	[spmem:s2] =	stream.linear.scatter [tilespmem:s6], [sflag:$0x2], $0x2000, $0x38;
	[tilespmem:$0x1A100] =	vst v63  }
0x4e: {  	_ =	swait.ge [sflag:s7], $0x2000  }
0x4f: {  	[sflag:s7] =	ssyncset.done $0x0  }
0x50: {  	[sflag:s7] =	ssyncadd.s32 $0xFFFFE000  }
0x51: {  	[spmem:s3] =	stream.linear.scatter [tilespmem:s6], [sflag:$0x2], $0x2000, $0x38;
	[tilespmem:$0x1A100] =	vst v63  }
0x52: {  	_ =	swait.ge [sflag:s7], $0x2000  }
0x53: {  	[sflag:s7] =	ssyncset.done $0x0  }
0x54: {  	[sflag:s7] =	ssyncadd.s32 $0xFFFFE000  }
0x55: {  	[spmem:s4] =	stream.linear.scatter [tilespmem:s6], [sflag:$0x2], $0x2000, $0x38;
	[tilespmem:$0x1A100] =	vst v63  }
0x56: {  	_ =	swait.ge [sflag:s7], $0x2000  }
0x57: {  	[sflag:s7] =	ssyncset.done $0x0  }
0x58: {  	[sflag:s7] =	ssyncadd.s32 $0xFFFFE000  }
0x59: {  	[spmem:s5] =	stream.linear.scatter [tilespmem:s6], [sflag:$0x2], $0x2000, $0x38;
	[tilespmem:$0x1A100] =	vst v63  }
0x5a: {  	_ =	swait.ge [sflag:s7], $0x2000  }
0x5b: {  	[sflag:s7] =	ssyncset.done $0x0  }
0x5c: {  	[sflag:s7] =	ssyncadd.s32 $0xFFFFE000  }
0x5d: {  	s19 =	sadd.s32 $0x0, s28;
	[bflag:$0x0] =	sbarrier.arrive $0xFFFF  }
0x5e: {  	[tilespmem:s1], [sflag:$0x2] =	stream.linear.gather [hbm4b:s19+s1], $0x80, $0x38;
	[tilespmem:$0x1A100] =	vst v63  }
0x5f: {  	_ =	swait.ge [sflag:s7], $0x80  }
0x60: {  	[sflag:s7] =	ssyncset.done $0x0  }
0x61: {  	s20 =	sadd.s32 $0x0, s26;
	[sflag:s7] =	ssyncadd.s32 $0xFFFFFF80  }
0x62: {  	[tilespmem:s8], [sflag:$0x2] =	stream.linear.gather [hbm4b:s20+s1], $0x80, $0x38;
	[tilespmem:$0x1A100] =	vst v63  }
0x63: {  	_ =	swait.ge [sflag:s7], $0x80  }
0x64: {  	[sflag:s7] =	ssyncset.done $0x0  }
0x65: {  	[sflag:s7] =	ssyncadd.s32 $0xFFFFFF80  }
0x66: {  	[tilespmem:s9], [sflag:$0x1] =	stream.indirect.gather [hbm4b:s14+s8], $0x80, s1, s8, $0xb8;
	[tilespmem:$0x1A100] =	vst v63  }
0x67: {  	_ =	swait.ge [sflag:s10], $0x4000  }
0x68: {  	[sflag:s10] =	ssyncset.done $0x0  }
0x69: {  	[sflag:s10] =	ssyncadd.s32 $0xFFFFC000  }
0x6a: {  	[spmem:s13] =	stream.indirect.scatter.add.f32 [tilespmem:s9], [sflag:$0x2], $0x80, s8, s8, $0xb8;
	[tilespmem:$0x1A100] =	vst v63  }
0x6b: {  	_ =	swait.ge [sflag:s7], $0x4000  }
0x6c: {  	s16 =	simm.s32 $0x10;
	s17 =	simm.s32 $0x20;
	[sflag:s7] =	ssyncset.done $0x0  }
.LBB2_4:
0x6d: {  	s18 =	sadd.s32 s16, s28  }
0x6e: {  	[sflag:s7] =	ssyncadd.s32 $0xFFFFC000;
	s19 =	smov.u32 s17;
	s20 =	sadd.s32 $0x10, s17  }
0x6f: {  	[tilespmem:s1], [sflag:$0x2] =	stream.linear.gather [hbm4b:s18+s1], $0x80, $0x38;
	[tilespmem:$0x1A100] =	vst v63  }
0x70: {  	p0 =	sne.s32 s17, $0x4E0;
	_ =	swait.ge [sflag:s7], $0x80  }
0x71: {  	[sflag:s7] =	ssyncset.done $0x0  }
0x72: {  	s17 =	sadd.s32 s16, s26;
	s16 =	smov.u32 s19;
	[sflag:s7] =	ssyncadd.s32 $0xFFFFFF80  }
0x73: {  	[tilespmem:s8], [sflag:$0x2] =	stream.linear.gather [hbm4b:s17+s1], $0x80, $0x38;
	[tilespmem:$0x1A100] =	vst v63  }
0x74: {  	_ =	swait.ge [sflag:s7], $0x80  }
0x75: {  	[sflag:s7] =	ssyncset.done $0x0  }
0x76: {  	[sflag:s7] =	ssyncadd.s32 $0xFFFFFF80  }
0x77: {  	[tilespmem:s9], [sflag:$0x1] =	stream.indirect.gather [hbm4b:s14+s8], $0x80, s1, s8, $0xb8;
	[tilespmem:$0x1A100] =	vst v63  }
0x78: {  	_ =	swait.ge [sflag:s10], $0x4000  }
.Ltmp1:
0x79: {  	[sflag:s10] =	ssyncset.done $0x0;
	(pc) =	sbr.rel @p0 .LBB2_4-.Ltmp1, $4  }
0x7a: {  	[sflag:s10] =	ssyncadd.s32 $0xFFFFC000  }
0x7b: {  	[spmem:s13] =	stream.indirect.scatter.add.f32 [tilespmem:s9], [sflag:$0x2], $0x80, s8, s8, $0xb8;
	[tilespmem:$0x1A100] =	vst v63  }
0x7c: {  	_ =	swait.ge [sflag:s7], $0x4000  }
0x7d: {  	s17 =	smov.u32 s20;
	[sflag:s7] =	ssyncset.done $0x0  }
0x7e: {  	s17 =	sadd.s32 s16, s28;
	[sflag:s7] =	ssyncadd.s32 $0xFFFFC000  }
0x7f: {  	[tilespmem:s1], [sflag:$0x2] =	stream.linear.gather [hbm4b:s17+s1], $0x80, $0x38;
	[tilespmem:$0x1A100] =	vst v63  }
0x80: {  	_ =	swait.ge [sflag:s7], $0x80  }
0x81: {  	[sflag:s7] =	ssyncset.done $0x0  }
0x82: {  	s17 =	sadd.s32 s16, s26;
	[sflag:s7] =	ssyncadd.s32 $0xFFFFFF80  }
0x83: {  	[tilespmem:s8], [sflag:$0x2] =	stream.linear.gather [hbm4b:s17+s1], $0x80, $0x38;
	[tilespmem:$0x1A100] =	vst v63  }
0x84: {  	_ =	swait.ge [sflag:s7], $0x80  }
0x85: {  	[sflag:s7] =	ssyncset.done $0x0  }
0x86: {  	[sflag:s7] =	ssyncadd.s32 $0xFFFFFF80  }
0x87: {  	[tilespmem:s9], [sflag:$0x1] =	stream.indirect.gather [hbm4b:s14+s8], $0x80, s1, s8, $0xb8;
	[tilespmem:$0x1A100] =	vst v63  }
0x88: {  	_ =	swait.ge [sflag:s10], $0x4000  }
0x89: {  	[sflag:s10] =	ssyncset.done $0x0  }
0x8a: {  	[sflag:s10] =	ssyncadd.s32 $0xFFFFC000  }
0x8b: {  	[spmem:s13] =	stream.indirect.scatter.add.f32 [tilespmem:s9], [sflag:$0x2], $0x80, s8, s8, $0xb8;
	[tilespmem:$0x1A100] =	vst v63  }
0x8c: {  	_ =	swait.ge [sflag:s7], $0x4000  }
0x8d: {  	[sflag:s7] =	ssyncset.done $0x0  }
0x8e: {  	[sflag:s7] =	ssyncadd.s32 $0xFFFFC000  }
0x8f: {  	[bflag:$0x0] =	sbarrier.arrive $0xFFFF  }
0x90: {  	[tilespmem:s6], [sflag:$0x2] =	stream.linear.gather [spmem:s15], $0x2000, $0x38;
	[tilespmem:$0x1A100] =	vst v63  }
0x91: {  	_ =	swait.ge [sflag:s7], $0x2000  }
0x92: {  	[sflag:s7] =	ssyncset.done $0x0  }
0x93: {  	s18 =	rddreg [dreg:$0x3];
	[sflag:s7] =	ssyncadd.s32 $0xFFFFE000  }
0x94: {  	[hbm4b:s18+s1] =	stream.linear.scatter [tilespmem:s6], [sflag:$0x2], $0x2000, $0x38;
	[tilespmem:$0x1A100] =	vst v63  }
0x95: {  	_ =	swait.ge [sflag:s7], $0x2000  }
0x96: {  	[sflag:s7] =	ssyncset.done $0x0  }
0x97: {  	s19 =	rddreg [dreg:$0xe];
	[sflag:s7] =	ssyncadd.s32 $0xFFFFE000  }
0x98: {  	[tilespmem:s6], [sflag:$0x2] =	stream.linear.gather [spmem:s19], $0x2000, $0x38;
	[tilespmem:$0x1A100] =	vst v63  }
0x99: {  	_ =	swait.ge [sflag:s7], $0x2000  }
0x9a: {  	[sflag:s7] =	ssyncset.done $0x0  }
0x9b: {  	s20 =	rddreg [dreg:$0x4];
	[sflag:s7] =	ssyncadd.s32 $0xFFFFE000  }
0x9c: {  	[hbm4b:s20+s1] =	stream.linear.scatter [tilespmem:s6], [sflag:$0x2], $0x2000, $0x38;
	[tilespmem:$0x1A100] =	vst v63  }
0x9d: {  	_ =	swait.ge [sflag:s7], $0x2000  }
0x9e: {  	[sflag:s7] =	ssyncset.done $0x0  }
0x9f: {  	s17 =	rddreg [dreg:$0xf];
	[sflag:s7] =	ssyncadd.s32 $0xFFFFE000  }
0xa0: {  	[tilespmem:s6], [sflag:$0x2] =	stream.linear.gather [spmem:s17], $0x2000, $0x38;
	[tilespmem:$0x1A100] =	vst v63  }
0xa1: {  	_ =	swait.ge [sflag:s7], $0x2000  }
0xa2: {  	[sflag:s7] =	ssyncset.done $0x0  }
0xa3: {  	s18 =	rddreg [dreg:$0x5];
	[sflag:s7] =	ssyncadd.s32 $0xFFFFE000  }
0xa4: {  	[hbm4b:s18+s1] =	stream.linear.scatter [tilespmem:s6], [sflag:$0x2], $0x2000, $0x38;
	[tilespmem:$0x1A100] =	vst v63  }
0xa5: {  	_ =	swait.ge [sflag:s7], $0x2000  }
0xa6: {  	[sflag:s7] =	ssyncset.done $0x0  }
0xa7: {  	s19 =	rddreg [dreg:$0x10];
	[sflag:s7] =	ssyncadd.s32 $0xFFFFE000  }
0xa8: {  	[tilespmem:s6], [sflag:$0x2] =	stream.linear.gather [spmem:s19], $0x2000, $0x38;
	[tilespmem:$0x1A100] =	vst v63  }
0xa9: {  	_ =	swait.ge [sflag:s7], $0x2000  }
0xaa: {  	[sflag:s7] =	ssyncset.done $0x0  }
0xab: {  	s20 =	rddreg [dreg:$0x6];
	[sflag:s7] =	ssyncadd.s32 $0xFFFFE000  }
0xac: {  	[hbm4b:s20+s1] =	stream.linear.scatter [tilespmem:s6], [sflag:$0x2], $0x2000, $0x38;
	[tilespmem:$0x1A100] =	vst v63  }
0xad: {  	_ =	swait.ge [sflag:s7], $0x2000  }
0xae: {  	[sflag:s7] =	ssyncset.done $0x0  }
0xaf: {  	s17 =	rddreg [dreg:$0x11];
	[sflag:s7] =	ssyncadd.s32 $0xFFFFE000  }
0xb0: {  	[tilespmem:s6], [sflag:$0x2] =	stream.linear.gather [spmem:s17], $0x2000, $0x38;
	[tilespmem:$0x1A100] =	vst v63  }
0xb1: {  	_ =	swait.ge [sflag:s7], $0x2000  }
0xb2: {  	[sflag:s7] =	ssyncset.done $0x0  }
0xb3: {  	s18 =	rddreg [dreg:$0x7];
	[sflag:s7] =	ssyncadd.s32 $0xFFFFE000  }
0xb4: {  	[hbm4b:s18+s1] =	stream.linear.scatter [tilespmem:s6], [sflag:$0x2], $0x2000, $0x38;
	[tilespmem:$0x1A100] =	vst v63  }
0xb5: {  	_ =	swait.ge [sflag:s7], $0x2000  }
0xb6: {  	[sflag:s7] =	ssyncset.done $0x0  }
0xb7: {  	[sflag:s7] =	ssyncadd.s32 $0xFFFFE000  }
0xb8: {  	[tilespmem:s6], [sflag:$0x2] =	stream.linear.gather [spmem:s21], $0x2000, $0x38;
	[tilespmem:$0x1A100] =	vst v63  }
0xb9: {  	_ =	swait.ge [sflag:s7], $0x2000  }
0xba: {  	[sflag:s7] =	ssyncset.done $0x0  }
0xbb: {  	s19 =	rddreg [dreg:$0x8];
	[sflag:s7] =	ssyncadd.s32 $0xFFFFE000  }
0xbc: {  	[hbm4b:s19+s1] =	stream.linear.scatter [tilespmem:s6], [sflag:$0x2], $0x2000, $0x38;
	[tilespmem:$0x1A100] =	vst v63  }
0xbd: {  	_ =	swait.ge [sflag:s7], $0x2000  }
0xbe: {  	[sflag:s7] =	ssyncset.done $0x0  }
0xbf: {  	[sflag:s7] =	ssyncadd.s32 $0xFFFFE000  }
0xc0: {  	[tilespmem:s6], [sflag:$0x2] =	stream.linear.gather [spmem:s22], $0x2000, $0x38;
	[tilespmem:$0x1A100] =	vst v63  }
0xc1: {  	_ =	swait.ge [sflag:s7], $0x2000  }
0xc2: {  	[sflag:s7] =	ssyncset.done $0x0  }
0xc3: {  	s20 =	rddreg [dreg:$0x9];
	[sflag:s7] =	ssyncadd.s32 $0xFFFFE000  }
0xc4: {  	[hbm4b:s20+s1] =	stream.linear.scatter [tilespmem:s6], [sflag:$0x2], $0x2000, $0x38;
	[tilespmem:$0x1A100] =	vst v63  }
0xc5: {  	_ =	swait.ge [sflag:s7], $0x2000  }
0xc6: {  	[sflag:s7] =	ssyncset.done $0x0  }
0xc7: {  	[sflag:s7] =	ssyncadd.s32 $0xFFFFE000  }
0xc8: {  	[tilespmem:s6], [sflag:$0x2] =	stream.linear.gather [spmem:s23], $0x2000, $0x38;
	[tilespmem:$0x1A100] =	vst v63  }
0xc9: {  	_ =	swait.ge [sflag:s7], $0x2000  }
0xca: {  	[sflag:s7] =	ssyncset.done $0x0  }
0xcb: {  	s17 =	rddreg [dreg:$0xa];
	[sflag:s7] =	ssyncadd.s32 $0xFFFFE000  }
0xcc: {  	[hbm4b:s17+s1] =	stream.linear.scatter [tilespmem:s6], [sflag:$0x2], $0x2000, $0x38;
	[tilespmem:$0x1A100] =	vst v63  }
0xcd: {  	_ =	swait.ge [sflag:s7], $0x2000  }
0xce: {  	[sflag:s7] =	ssyncset.done $0x0  }
0xcf: {  	[sflag:s7] =	ssyncadd.s32 $0xFFFFE000  }
0xd0: {  	[tilespmem:s6], [sflag:$0x2] =	stream.linear.gather [spmem:s24], $0x2000, $0x38;
	[tilespmem:$0x1A100] =	vst v63  }
0xd1: {  	_ =	swait.ge [sflag:s7], $0x2000  }
0xd2: {  	[sflag:s7] =	ssyncset.done $0x0  }
0xd3: {  	s18 =	rddreg [dreg:$0xb];
	[sflag:s7] =	ssyncadd.s32 $0xFFFFE000  }
0xd4: {  	[hbm4b:s18+s1] =	stream.linear.scatter [tilespmem:s6], [sflag:$0x2], $0x2000, $0x38;
	[tilespmem:$0x1A100] =	vst v63  }
0xd5: {  	_ =	swait.ge [sflag:s7], $0x2000  }
0xd6: {  	[sflag:s7] =	ssyncset.done $0x0  }
0xd7: {  	[sflag:s7] =	ssyncadd.s32 $0xFFFFE000  }
0xd8: {  	[tilespmem:s6], [sflag:$0x2] =	stream.linear.gather [spmem:s25], $0x2000, $0x38;
	[tilespmem:$0x1A100] =	vst v63  }
0xd9: {  	_ =	swait.ge [sflag:s7], $0x2000  }
0xda: {  	[sflag:s7] =	ssyncset.done $0x0  }
0xdb: {  	s19 =	rddreg [dreg:$0xc];
	[sflag:s7] =	ssyncadd.s32 $0xFFFFE000  }
0xdc: {  	[hbm4b:s19+s1] =	stream.linear.scatter [tilespmem:s6], [sflag:$0x2], $0x2000, $0x38;
	[tilespmem:$0x1A100] =	vst v63  }
0xdd: {  	_ =	swait.ge [sflag:s7], $0x2000  }
0xde: {  	s12 =	sadd.s32 $0x1, s12;
	s20 =	rddreg [dreg:$0xd]  }
0xdf: {  	p0 =	sne.s32 s12, s20  }
.Ltmp2:
0xe0: {  	_ = 	snop;
	(pc) =	sbr.rel @p0 .LBB2_1-.Ltmp2, $3  }
0xe1: {  	_ =	sdelay $0x1  }
0xe2: {  	[sflag:s7] =	ssyncset.done $0x0  }
0xe3: {  	[sflag:s7] =	ssyncadd.s32 $0xFFFFE000  }
0xe4: {  	_ =	sfence.sel $0x180000  }
0xe5: {  	[bflag:$0x0] =	sbarrier.arrive $0xFFFF  }
0xe6: {  	_ =	strace $0x9000004D  }
0xe7: {  	s0 =	stileid.u32;
	[bflag:$0x2] =	sbarrier.arrive $0xFFFF  }
0xe8: {  	p0 =	sne.s32 s0, $0x0;
	s0 =	rddreg [dreg:$0x2]  }
0xe9: {  	s0 =	sadd.s32 @!p0 $0x100000, s0  }
0xea: {  	[sflag:s0] =	ssyncadd.tile.s32 @!p0 $0x1;
	_ =	shalt  }
.Lfunc_end2:
_tile_overlayer_lowered:
.L_overlay_start_2:
0xeb: {  	(tag) =	ssettag $0x2  }
0xec: {  	s0 =	rddreg [dreg:$0x0];
	s2 =	stileid.u32  }
0xed: {  	s1 =	rddreg [dreg:$0x1];
	p0 =	sne.s32 s2, $0x0  }
0xee: {  	s3 =	rddreg [dreg:$0x2];
	[bflag:$0x3] =	sbarrier.arrive $0xFFFF;
	s2 =	simm.s32 @!p0 $0x1C02  }
0xef: {  	[timem:s3], [sflag:s2] =	dma.local @!p0 [hbm:s0], s1  }
0xf0: {  	s0 =	simm.s32 @!p0 $0x2  }
0xf1: {  	_ =	swait.ge @!p0 [sflag:s0], s1  }
0xf2: {  	s1 =	ssub.s32 @!p0 $0x0, s1;
	[sflag:s0] =	ssyncset.done @!p0 $0x0  }
0xf3: {  	[sflag:s0] =	ssyncadd.s32 @!p0 s1  }
0xf4: {  	[bflag:$0x3] =	sbarrier.arrive $0xFFFF  }
0xf5: {  	_ =	shalt  }

// kernel: kernel.19.cloned.1.call-start
scs
__scs_entry_jumppad:
0x0: {  	(pc) =	sbr.rel $0x88, $3  }
0x1: {  	(tag) =	ssettag $0x0;
	lr =	simm.s32 $0x1  }
0x2: {  	[smem:$0x3F9E] =	sst lr;
	_ =	strace $0xD0000000  }
0x3: {  	_ = 	snop  }
0x4: {  	_ = 	snop  }
0x5: {  	_ = 	snop  }
0x6: {  	_ = 	snop  }
0x7: {  	_ = 	snop  }
__scs_overlays_trampoline_lowered:
0x8: {  	[smem:$0x3FAD] =	sst s0  }
0x9: {  	[smem:$0x3FAE] =	sst s1  }
0xa: {  	[smem:$0x3FAF] =	sst s2  }
0xb: {  	[smem:$0x3FB0] =	sst s3  }
0xc: {  	[smem:$0x3FB1] =	sst s4  }
0xd: {  	[smem:$0x3FB2] =	sst s5  }
0xe: {  	[smem:$0x3FB3] =	sst s6  }
0xf: {  	[smem:$0x3FB4] =	sst s7  }
0x10: {  	[smem:$0x3FB5] =	sst s8  }
0x11: {  	[smem:$0x3FB6] =	sst s9;
	s0 =	simm.s32 @!p0 $0x0  }
0x12: {  	s1 =	sld [smem:$0x3F9C];
	s0 =	simm.s32 @p0 $0x1  }
0x13: {  	[smem:$0x3FB7] =	sst s0;
	s0 =	simm.s32 @!p1 $0x0  }
0x14: {  	s2 =	sld [smem:$0x3F9B];
	s0 =	simm.s32 @p1 $0x1  }
0x15: {  	[smem:$0x3FB8] =	sst s0;
	s0 =	simm.s32 @!p2 $0x0  }
0x16: {  	s3 =	sld [smem:$0x3FDB];
	s0 =	simm.s32 @p2 $0x1  }
0x17: {  	s4 =	simm.s32 $0x1BF5;
	[smem:$0x3FBA] =	sst s0  }
0x18: {  	s0 =	sld [smem:$0x3F9D];
	_ =	swait.ge [sflag:s4], $0x0  }
0x19: {  	s7 =	sld [smem:$0x3F9E]  }
0x1a: {  	s8 =	sadd.s32 $0xFFFFE003, lr  }
0x1b: {  	s9 =	sadd.s32 $0xFFFFFEF7, lr;
	s5 =	simm.s32 $0xFFFFFFFF;
	p2 =	slt.u32 s8, $0xFFFFF086  }
0x1c: {  	p1 =	slt.u32 s9, $0xF7A;
	s5 =	simm.s32 @!p2 $0x0  }
0x1d: {  	s5 =	simm.s32 @p1 $0x1;
	p0 =	seq.s32 s7, s2  }
0x1e: {  	s7 =	smul.u32 @!p0 $0xF7A, s2;
	p2 =	seq.s32 @!p0 s5, $0x0  }
0x1f: {  	s9 =	smul.u32 $0xF7A, s1;
	s8 =	simm.s32 @!p0 $0x1BF5;
	p2 =	por !p2, p0  }
0x20: {  	[sflag:s8] =	ssyncset.s32 @!p0 $0xFFFFF086;
	s6 =	sadd.s32 @!p0 s3, s7;
	s7 =	simm.s32 @!p0 $0x108  }
0x21: {  	s3 =	sadd.s32 s3, s9;
	s6 =	sadd.s32 @!p0 $0x88, s6;
	s7 =	simm.s32 @p2 $0x1082  }
0x22: {  	[simem:s7], [sflag:s8] =	dma.local @!p0 [hbm:s6], $0xF7A  }
0x23: {  	s9 =	sor.u32 $0xD0000000, s2;
	s6 =	simm.s32 $0x108;
	_ =	swait.ge @!p0 [sflag:s8], $0x0  }
0x24: {  	s3 =	sadd.s32 $0x88, s3;
	s6 =	simm.s32 @!p1 $0x1082;
	[sflag:s4] =	ssyncset.s32 $0xFFFFF086  }
0x25: {  	[simem:s6], [sflag:s4] =	dma.local [hbm:s3], $0xF7A  }
0x26: {  	[smem:$0x3F9E] =	sst s1;
	(tag) =	ssettag s2;
	_ =	strace s9  }
0x27: {  	s1 =	sld [smem:$0x3FAE]  }
0x28: {  	s2 =	sld [smem:$0x3FAF]  }
0x29: {  	s4 =	sld [smem:$0x3FB1]  }
0x2a: {  	p0 =	seq.s32 s5, $0x0;
	s5 =	sld [smem:$0x3FB2]  }
0x2b: {  	s6 =	sld [smem:$0x3FB3]  }
0x2c: {  	s7 =	sld [smem:$0x3FB4]  }
0x2d: {  	s3 =	simm.s32 $0x108;
	s8 =	sld [smem:$0x3FB5]  }
0x2e: {  	s3 =	simm.s32 @!p0 $0x1082;
	s9 =	sld [smem:$0x3FB6]  }
0x2f: {  	lr =	sadd.s32 s0, s3;
	s0 =	sld [smem:$0x3FAD]  }
0x30: {  	s3 =	sld [smem:$0x3FB0]  }
0x31: {  	[smem:$0x3FB9] =	sst s10  }
0x32: {  	s10 =	sld [smem:$0x3FB7];
	_ =	sdelay $0x3  }
0x33: {  	p0 =	seq.s32 s10, $0x1;
	s10 =	sld [smem:$0x3FB9];
	_ =	sdelay $0x3  }
0x34: {  	[smem:$0x3FB9] =	sst s10  }
0x35: {  	s10 =	sld [smem:$0x3FB8];
	_ =	sdelay $0x3  }
0x36: {  	p1 =	seq.s32 s10, $0x1;
	s10 =	sld [smem:$0x3FB9];
	_ =	sdelay $0x3  }
0x37: {  	[smem:$0x3FB9] =	sst s10  }
0x38: {  	s10 =	sld [smem:$0x3FBA]  }
0x39: {  	_ = 	snop;
	(pc) =	sbr.ind lr, $3  }
0x3a: {  	_ = 	snop  }
0x3b: {  	_ = 	snop  }
0x3c: {  	p2 =	seq.s32 s10, $0x1;
	s10 =	sld [smem:$0x3FB9]  }
0x3d: {  	_ =	shalt  }
0x3e: {  	_ =	shalt  }
0x3f: {  	_ =	shalt  }
0x40: {  	_ =	shalt  }
0x41: {  	_ =	shalt  }
0x42: {  	_ =	shalt  }
0x43: {  	_ =	shalt  }
0x44: {  	_ =	shalt  }
0x45: {  	_ =	shalt  }
0x46: {  	_ =	shalt  }
0x47: {  	_ =	shalt  }
0x48: {  	_ =	shalt  }
0x49: {  	_ =	shalt  }
0x4a: {  	_ =	shalt  }
0x4b: {  	_ =	shalt  }
0x4c: {  	_ =	shalt  }
0x4d: {  	_ =	shalt  }
0x4e: {  	_ =	shalt  }
0x4f: {  	_ =	shalt  }
0x50: {  	_ =	shalt  }
0x51: {  	_ =	shalt  }
0x52: {  	_ =	shalt  }
0x53: {  	_ =	shalt  }
0x54: {  	_ =	shalt  }
0x55: {  	_ =	shalt  }
0x56: {  	_ =	shalt  }
0x57: {  	_ =	shalt  }
0x58: {  	_ =	shalt  }
0x59: {  	_ =	shalt  }
0x5a: {  	_ =	shalt  }
0x5b: {  	_ =	shalt  }
0x5c: {  	_ =	shalt  }
0x5d: {  	_ =	shalt  }
0x5e: {  	_ =	shalt  }
0x5f: {  	_ =	shalt  }
0x60: {  	_ =	shalt  }
0x61: {  	_ =	shalt  }
0x62: {  	_ =	shalt  }
0x63: {  	_ =	shalt  }
0x64: {  	_ =	shalt  }
0x65: {  	_ =	shalt  }
0x66: {  	_ =	shalt  }
0x67: {  	_ =	shalt  }
0x68: {  	_ =	shalt  }
0x69: {  	_ =	shalt  }
0x6a: {  	_ =	shalt  }
0x6b: {  	_ =	shalt  }
0x6c: {  	_ =	shalt  }
0x6d: {  	_ =	shalt  }
0x6e: {  	_ =	shalt  }
0x6f: {  	_ =	shalt  }
0x70: {  	_ =	shalt  }
0x71: {  	_ =	shalt  }
0x72: {  	_ =	shalt  }
0x73: {  	_ =	shalt  }
0x74: {  	_ =	shalt  }
0x75: {  	_ =	shalt  }
0x76: {  	_ =	shalt  }
0x77: {  	_ =	shalt  }
0x78: {  	_ =	shalt  }
0x79: {  	_ =	shalt  }
0x7a: {  	_ =	shalt  }
0x7b: {  	_ =	shalt  }
0x7c: {  	_ =	shalt  }
0x7d: {  	_ =	shalt  }
0x7e: {  	_ =	shalt  }
0x7f: {  	_ =	shalt  }
0x80: {  	_ =	shalt  }
0x81: {  	_ =	shalt  }
0x82: {  	_ =	shalt  }
0x83: {  	_ =	shalt  }
0x84: {  	_ =	shalt  }
0x85: {  	_ =	shalt  }
0x86: {  	_ =	shalt  }
0x87: {  	_ =	shalt  }
.Lfunc_end0:
.L_simem_size_0:
called_computation.3_lowered:
.L_overlay_start_0:
0x88: {  	s2 =	sld [smem:$0x3FD9]  }
0x89: {  	s3 =	sld [smem:$0x3FFE];
	_ =	sdelay $0x1  }
0x8a: {  	s1 =	srdreg.scid  }
0x8b: {  	s0 =	sand.u32 $0x1, s1  }
0x8c: {  	s17 =	sshll.u32 s0, $0xA;
	s2 =	sadd.s32 s3, s2  }
0x8d: {  	s2 =	sadd.s32 s2, s17  }
0x8e: {  	[smem:$0x3FC5] =	sst s2  }
0x8f: {  	_ = 	snop  }
0x90: {  	s2 =	sld [smem:$0x3FD0];
	(tm) =	ssettm $0x1  }
0x91: {  	s18 =	sld [smem:$0x3FFB];
	_ =	sdelay $0x3  }
0x92: {  	_ =	strace s18  }
0x93: {  	s3 =	sld [smem:$0x3FFC];
	_ =	sdelay $0x3  }
0x94: {  	_ =	strace s3  }
0x95: {  	s3 =	sld [smem:$0x3FFD];
	_ =	sdelay $0x3  }
0x96: {  	_ =	strace s3  }
0x97: {  	_ =	strace $0x8FFFFFFF  }
0x98: {  	s19 =	sld [smem:$0x3FDB];
	_ =	sdelay $0x1  }
0x99: {  	s4 =	simm.s32 $_scs_section_size  }
0x9a: {  	s5 =	simm.s32 $_size__tile_overlayer_lowered;
	s6 =	simm.s32 $_tile_overlayer_lowered  }
0x9b: {  	s22 =	simm.s32 $0x1BFF;
	s21 =	sshll.u32 s6, $0x1;
	s3 =	sadd.s32 s4, s19  }
0x9c: {  	s7 =	simm.s32 $0x0;
	s20 =	sshll.u32 s5, $0x1;
	s5 =	sadd.s32 s21, s3  }
0x9d: {  	[timem:s7], [sflag:s22] =	dma.local [hbm:s5], s20  }
0x9e: {  	_ =	swait.ge [sflag:s22], s20  }
0x9f: {  	s4 =	ssub.s32 $0x0, s20;
	[sflag:s22] =	ssyncset.done $0x0  }
0xa0: {  	[sflag:s22] =	ssyncadd.s32 s4;
	_ =	sdelay $0x1  }
0xa1: {  	s23 =	simm.s32 $0x1B8B  }
0xa2: {  	_ =	swait.ge [sflag:s23], $0x1  }
0xa3: {  	[sflag:s23] =	ssyncset.done $0x0  }
0xa4: {  	s25 =	simm.s32 $0x1B8E;
	s24 =	sld [smem:$0x3FFE];
	[sflag:s23] =	ssyncadd.s32 $0xFFFFFFFF  }
0xa5: {  	s26 =	simm.s32 $execute0_lowered;
	[smem:$0x3FD2] =	sst s25  }
0xa6: {  	s5 =	sshll.u32 s26, $0x1;
	_ =	strace $0x8000004F;
	[dreg:$0x1] =	wrdreg $0xFFFFFFFF  }
0xa7: {  	s28 =	simm.s32 $_size_execute0_lowered;
	s3 =	sadd.s32 s3, s5;
	[dreg:$0x0] =	wrdreg $0x0  }
0xa8: {  	s5 =	sshll.u32 s28, $0x1;
	[dreg:$0x2] =	wrdreg s3  }
0xa9: {  	[dreg:$0x3] =	wrdreg s5  }
0xaa: {  	[dreg:$0x4] =	wrdreg $0xC0  }
0xab: {  	_ =	task [dreg:s7], $0x5FFFF  }
0xac: {  	[dreg:$0x1] =	wrdreg $0xFFFFFFFF  }
0xad: {  	[dreg:$0x0] =	wrdreg $0x60  }
0xae: {  	[dreg:$0x2] =	wrdreg s2  }
0xaf: {  	[dreg:$0x3] =	wrdreg s24  }
0xb0: {  	[dreg:$0x4] =	wrdreg $0x61000  }
0xb1: {  	[dreg:$0x5] =	wrdreg $0x9  }
0xb2: {  	_ =	task.clear_ibuf [dreg:s7], $0x6FFFF;
	_ =	strace $0x9000004F  }
0xb3: {  	s29 =	simm.s32 $0x9;
	_ =	strace $0x80000051  }
0xb4: {  	_ =	swait.ge [sflag:s29], $0x1  }
0xb5: {  	[sflag:s29] =	ssyncadd.s32 $0xFFFFFFFF  }
0xb6: {  	_ =	strace $0x90000051  }
0xb7: {  	_ =	sfence  }
0xb8: {  	s30 =	sld [smem:$0x0];
	_ =	sdelay $0x2  }
0xb9: {  	s31 =	sshll.u32 s1, $0xD;
	s1 =	sshrl.u32 s1, $0x2  }
0xba: {  	s3 =	sand.u32 $0x4000, s31;
	s1 =	sadd.s32 s1, s30  }
0xbb: {  	s0 =	sor.u32 s3, s0;
	s1 =	sshll.u32 s1, $0x11  }
0xbc: {  	s0 =	sor.u32 s1, s0  }
0xbd: {  	s0 =	sadd.s32 $0x8F2B, s0  }
0xbe: {  	[sflag:s0] =	ssyncadd.remote.s32 $0x1  }
0xbf: {  	_ =	sfence.sel $0xFFFF  }
0xc0: {  	[dreg:$0x0] =	wrdreg $0xFFFFFFFF;
	(pc) =	sbr.abs _section_cstart, $3  }
0xc1: {  	[dreg:$0x1] =	wrdreg $0xFFFFFFFF  }
0xc2: {  	_ =	task.clear_ibuf [dreg:s7], $0x2FFFF;
	_ =	strace $0x9FFFFFFF  }
0xc3: {  	(tm) =	ssettm $0x7FFFFFFF  }
tec
execute0_lowered:
.L_overlay_start_1:
0x0: {  	(tag) =	ssettag $0x1  }
0x1: {  	s15 =	stileid.u32  }
0x2: {  	s0 =	srdreg.scid;
	s1 =	rddreg [dreg:$0x0]  }
0x3: {  	s4 =	rddreg [dreg:$0x1];
	s3 =	smul.u32 $0x9E0, s15  }
0x4: {  	s2 =	simm.s32 $0x0;
	s0 =	sand.u32 $0x1, s0;
	s7 =	smul.u32 $0x14000, s15  }
0x5: {  	[smem:$0x7FF] =	sst s2;
	s5 =	smul.u32 $0x140000, s0  }
0x6: {  	s6 =	ssub.s32 $0x2, s0;
	s0 =	smul.u32 $0x4F0, s0;
	s3 =	sadd.s32 s3, s4  }
0x7: {  	s4 =	sadd.s32 $0x8CC00, s4;
	s8 =	sshrl.u32 s6, $0x1;
	s9 =	sor.u32 $0x2000, s7  }
0x8: {  	s11 =	sadd.s32 $0x4000, s7;
	s12 =	sadd.s32 $0x8000, s7;
	s24 =	sadd.s32 $0x10000, s7  }
0x9: {  	s6 =	ssub.s32 s6, s8;
	s13 =	sadd.s32 s5, s7;
	s10 =	sadd.s32 s5, s9  }
0xa: {  	s16 =	sadd.s32 s5, s11;
	s26 =	sadd.s32 s5, s24;
	s0 =	sadd.s32 s0, s3  }
0xb: {  	s8 =	sshrl.u32 s13, $0x3;
	s14 =	sshrl.u32 s10, $0x3;
	s17 =	sshrl.u32 s16, $0x3  }
0xc: {  	s10 =	sadd.s32 $0x6000, s7;
	s13 =	sadd.s32 s5, s12;
	s16 =	sadd.s32 $0xC000, s7  }
0xd: {  	s28 =	sadd.s32 $0xD800, s0;
	s8 =	sadd.s32 s4, s8;
	s18 =	sadd.s32 s5, s10  }
0xe: {  	s19 =	sshrl.u32 s13, $0x3;
	s22 =	sadd.s32 s5, s16;
	s13 =	rddreg [dreg:$0x2]  }
0xf: {  	[dreg:$0x4] =	wrdreg s8;
	s8 =	sadd.s32 s4, s14;
	s14 =	sadd.s32 $0xA000, s7  }
0x10: {  	s24 =	sadd.s32 s24, s13;
	[dreg:$0x5] =	wrdreg s8;
	s8 =	sadd.s32 s4, s17  }
0x11: {  	s20 =	sadd.s32 s5, s14;
	s17 =	sadd.s32 $0xE000, s7;
	s7 =	sadd.s32 $0x12000, s7  }
0x12: {  	[dreg:$0x6] =	wrdreg s8;
	s8 =	sshrl.u32 s18, $0x3;
	s21 =	sshrl.u32 s20, $0x3  }
0x13: {  	s23 =	sadd.s32 s5, s17;
	s18 =	sshrl.u32 s26, $0x3;
	s5 =	sadd.s32 s5, s7  }
0x14: {  	s26 =	sadd.s32 s12, s13;
	s8 =	sadd.s32 s4, s8;
	s25 =	sshrl.u32 s23, $0x3  }
0x15: {  	s5 =	sshrl.u32 s5, $0x3;
	s23 =	sadd.s32 s11, s13;
	s11 =	simm.s32 $0x1  }
0x16: {  	[dreg:$0x7] =	wrdreg s8;
	s8 =	sadd.s32 s4, s19;
	s19 =	smul.u32 $0x50000, s15  }
0x17: {  	[dreg:$0x8] =	wrdreg s8;
	s8 =	sadd.s32 s4, s21;
	s21 =	smax.u32 s6, $0x1  }
0x18: {  	[dreg:$0x9] =	wrdreg s8;
	s8 =	sshrl.u32 s22, $0x3;
	s20 =	sshrl.u32 s19, $0x2  }
0x19: {  	s22 =	sadd.s32 s9, s13;
	s9 =	simm.s32 $0x80;
	s8 =	sadd.s32 s4, s8  }
0x1a: {  	s15 =	sadd.s32 s20, s13;
	[dreg:$0xa] =	wrdreg s8;
	s8 =	sadd.s32 s4, s25  }
0x1b: {  	s25 =	sadd.s32 s10, s13;
	[dreg:$0xb] =	wrdreg s8;
	s8 =	sadd.s32 s4, s18  }
0x1c: {  	s29 =	sadd.s32 $0x2000, s15;
	s4 =	sadd.s32 s4, s5;
	[dreg:$0xc] =	wrdreg s8  }
0x1d: {  	s30 =	sadd.s32 $0x4000, s15;
	s31 =	sadd.s32 $0x6000, s15;
	[dreg:$0xd] =	wrdreg s4  }
0x1e: {  	s12 =	sadd.s32 $0x8000, s15;
	_ =	strace $0x80000050;
	[dreg:$0xe] =	wrdreg s21  }
0x1f: {  	s3 =	sadd.s32 $0xC000, s15;
	s6 =	sadd.s32 $0x12000, s15;
	[dreg:$0xf] =	wrdreg s22  }
0x20: {  	s10 =	simm.s32 $0x100;
	s5 =	sadd.s32 $0x10000, s15;
	[dreg:$0x10] =	wrdreg s23  }
0x21: {  	s4 =	sadd.s32 $0xE000, s15;
	s8 =	simm.s32 $0x2;
	[dreg:$0x11] =	wrdreg s25  }
0x22: {  	[dreg:$0x12] =	wrdreg s26;
	s21 =	sadd.s32 s14, s13;
	s22 =	sadd.s32 s16, s13  }
0x23: {  	s23 =	sadd.s32 s17, s13;
	s25 =	sadd.s32 s7, s13;
	s26 =	sadd.s32 $0x3A00, s0  }
0x24: {  	v0 =	vimm.f32 $0.0e+00;
	s0 =	sadd.s32 $0xA000, s15;
	s7 =	simm.s32 $0x4100;
	s14 =	simm.s32 $0x0  }
.LBB2_1:
0x25: {  	s16 =	simm.s32 $0x0;
	s17 =	simm.s32 $0x200  }
.LBB2_2:
0x26: {  	p0 =	sne.s32 s17, $0x7E00;
	[tilespmem:s16+$0x4170] =	vst v0  }
0x27: {  	[tilespmem:s16+$0x4100] =	vst v0  }
0x28: {  	[tilespmem:s16+$0x4110] =	vst v0  }
.Ltmp0:
0x29: {  	[tilespmem:s16+$0x4120] =	vst v0;
	(pc) =	sbr.rel @p0 .LBB2_2-.Ltmp0, $4  }
0x2a: {  	[tilespmem:s16+$0x4130] =	vst v0  }
0x2b: {  	[tilespmem:s16+$0x4140] =	vst v0  }
0x2c: {  	[tilespmem:s16+$0x4150] =	vst v0  }
0x2d: {  	[tilespmem:s16+$0x4160] =	vst v0;
	s16 =	sshra.s32 s17, $0x2;
	s17 =	sadd.s32 $0x200, s17  }
0x2e: {  	[tilespmem:s16+$0x4170] =	vst v0  }
0x2f: {  	[tilespmem:s16+$0x4100] =	vst v0  }
0x30: {  	[tilespmem:s16+$0x4110] =	vst v0  }
0x31: {  	[tilespmem:s16+$0x4120] =	vst v0  }
0x32: {  	[tilespmem:s16+$0x4130] =	vst v0  }
0x33: {  	[tilespmem:s16+$0x4140] =	vst v0  }
0x34: {  	[tilespmem:s16+$0x4150] =	vst v0  }
0x35: {  	[tilespmem:s16+$0x4160] =	vst v0  }
0x36: {  	[spmem:s15] =	stream.linear.scatter [tilespmem:s7], [sflag:$0x2], $0x2000, $0x38;
	[tilespmem:$0x1A100] =	vst v63  }
0x37: {  	_ =	swait.ge [sflag:s8], $0x2000  }
0x38: {  	[sflag:s8] =	ssyncset.done $0x0  }
0x39: {  	[sflag:s8] =	ssyncadd.s32 $0xFFFFE000  }
0x3a: {  	[spmem:s29] =	stream.linear.scatter [tilespmem:s7], [sflag:$0x2], $0x2000, $0x38;
	[tilespmem:$0x1A100] =	vst v63  }
0x3b: {  	_ =	swait.ge [sflag:s8], $0x2000  }
0x3c: {  	[sflag:s8] =	ssyncset.done $0x0  }
0x3d: {  	[sflag:s8] =	ssyncadd.s32 $0xFFFFE000  }
0x3e: {  	[spmem:s30] =	stream.linear.scatter [tilespmem:s7], [sflag:$0x2], $0x2000, $0x38;
	[tilespmem:$0x1A100] =	vst v63  }
0x3f: {  	_ =	swait.ge [sflag:s8], $0x2000  }
0x40: {  	[sflag:s8] =	ssyncset.done $0x0  }
0x41: {  	[sflag:s8] =	ssyncadd.s32 $0xFFFFE000  }
0x42: {  	[spmem:s31] =	stream.linear.scatter [tilespmem:s7], [sflag:$0x2], $0x2000, $0x38;
	[tilespmem:$0x1A100] =	vst v63  }
0x43: {  	_ =	swait.ge [sflag:s8], $0x2000  }
0x44: {  	[sflag:s8] =	ssyncset.done $0x0  }
0x45: {  	[sflag:s8] =	ssyncadd.s32 $0xFFFFE000  }
0x46: {  	[spmem:s12] =	stream.linear.scatter [tilespmem:s7], [sflag:$0x2], $0x2000, $0x38;
	[tilespmem:$0x1A100] =	vst v63  }
0x47: {  	_ =	swait.ge [sflag:s8], $0x2000  }
0x48: {  	[sflag:s8] =	ssyncset.done $0x0  }
0x49: {  	[sflag:s8] =	ssyncadd.s32 $0xFFFFE000  }
0x4a: {  	[spmem:s0] =	stream.linear.scatter [tilespmem:s7], [sflag:$0x2], $0x2000, $0x38;
	[tilespmem:$0x1A100] =	vst v63  }
0x4b: {  	_ =	swait.ge [sflag:s8], $0x2000  }
0x4c: {  	[sflag:s8] =	ssyncset.done $0x0  }
0x4d: {  	[sflag:s8] =	ssyncadd.s32 $0xFFFFE000  }
0x4e: {  	[spmem:s3] =	stream.linear.scatter [tilespmem:s7], [sflag:$0x2], $0x2000, $0x38;
	[tilespmem:$0x1A100] =	vst v63  }
0x4f: {  	_ =	swait.ge [sflag:s8], $0x2000  }
0x50: {  	[sflag:s8] =	ssyncset.done $0x0  }
0x51: {  	[sflag:s8] =	ssyncadd.s32 $0xFFFFE000  }
0x52: {  	[spmem:s4] =	stream.linear.scatter [tilespmem:s7], [sflag:$0x2], $0x2000, $0x38;
	[tilespmem:$0x1A100] =	vst v63  }
0x53: {  	_ =	swait.ge [sflag:s8], $0x2000  }
0x54: {  	[sflag:s8] =	ssyncset.done $0x0  }
0x55: {  	[sflag:s8] =	ssyncadd.s32 $0xFFFFE000  }
0x56: {  	[spmem:s5] =	stream.linear.scatter [tilespmem:s7], [sflag:$0x2], $0x2000, $0x38;
	[tilespmem:$0x1A100] =	vst v63  }
0x57: {  	_ =	swait.ge [sflag:s8], $0x2000  }
0x58: {  	[sflag:s8] =	ssyncset.done $0x0  }
0x59: {  	[sflag:s8] =	ssyncadd.s32 $0xFFFFE000  }
0x5a: {  	[spmem:s6] =	stream.linear.scatter [tilespmem:s7], [sflag:$0x2], $0x2000, $0x38;
	[tilespmem:$0x1A100] =	vst v63  }
0x5b: {  	_ =	swait.ge [sflag:s8], $0x2000  }
0x5c: {  	[sflag:s8] =	ssyncset.done $0x0  }
0x5d: {  	[sflag:s8] =	ssyncadd.s32 $0xFFFFE000  }
0x5e: {  	s19 =	sadd.s32 $0x0, s28;
	[bflag:$0x0] =	sbarrier.arrive $0xFFFF  }
0x5f: {  	[tilespmem:s2], [sflag:$0x2] =	stream.linear.gather [hbm4b:s19+s2], $0x80, $0x38;
	[tilespmem:$0x1A100] =	vst v63  }
0x60: {  	_ =	swait.ge [sflag:s8], $0x80  }
0x61: {  	[sflag:s8] =	ssyncset.done $0x0  }
0x62: {  	s20 =	sadd.s32 $0x0, s26;
	[sflag:s8] =	ssyncadd.s32 $0xFFFFFF80  }
0x63: {  	[tilespmem:s9], [sflag:$0x2] =	stream.linear.gather [hbm4b:s20+s2], $0x80, $0x38;
	[tilespmem:$0x1A100] =	vst v63  }
0x64: {  	_ =	swait.ge [sflag:s8], $0x80  }
0x65: {  	[sflag:s8] =	ssyncset.done $0x0  }
0x66: {  	[sflag:s8] =	ssyncadd.s32 $0xFFFFFF80  }
0x67: {  	[tilespmem:s10], [sflag:$0x1] =	stream.indirect.gather [hbm4b:s1+s9], $0x80, s2, s9, $0xb8;
	[tilespmem:$0x1A100] =	vst v63  }
0x68: {  	_ =	swait.ge [sflag:s11], $0x4000  }
0x69: {  	[sflag:s11] =	ssyncset.done $0x0  }
0x6a: {  	[sflag:s11] =	ssyncadd.s32 $0xFFFFC000  }
0x6b: {  	[spmem:s13] =	stream.indirect.scatter.add.f32 [tilespmem:s10], [sflag:$0x2], $0x80, s9, s9, $0xb8;
	[tilespmem:$0x1A100] =	vst v63  }
0x6c: {  	_ =	swait.ge [sflag:s8], $0x4000  }
0x6d: {  	s16 =	simm.s32 $0x10;
	s17 =	simm.s32 $0x20;
	[sflag:s8] =	ssyncset.done $0x0  }
.LBB2_4:
0x6e: {  	s18 =	sadd.s32 s16, s28  }
0x6f: {  	[sflag:s8] =	ssyncadd.s32 $0xFFFFC000;
	s19 =	smov.u32 s17;
	s20 =	sadd.s32 $0x10, s17  }
0x70: {  	[tilespmem:s2], [sflag:$0x2] =	stream.linear.gather [hbm4b:s18+s2], $0x80, $0x38;
	[tilespmem:$0x1A100] =	vst v63  }
0x71: {  	p0 =	sne.s32 s17, $0x4E0;
	_ =	swait.ge [sflag:s8], $0x80  }
0x72: {  	[sflag:s8] =	ssyncset.done $0x0  }
0x73: {  	s17 =	sadd.s32 s16, s26;
	s16 =	smov.u32 s19;
	[sflag:s8] =	ssyncadd.s32 $0xFFFFFF80  }
0x74: {  	[tilespmem:s9], [sflag:$0x2] =	stream.linear.gather [hbm4b:s17+s2], $0x80, $0x38;
	[tilespmem:$0x1A100] =	vst v63  }
0x75: {  	_ =	swait.ge [sflag:s8], $0x80  }
0x76: {  	[sflag:s8] =	ssyncset.done $0x0  }
0x77: {  	[sflag:s8] =	ssyncadd.s32 $0xFFFFFF80  }
0x78: {  	[tilespmem:s10], [sflag:$0x1] =	stream.indirect.gather [hbm4b:s1+s9], $0x80, s2, s9, $0xb8;
	[tilespmem:$0x1A100] =	vst v63  }
0x79: {  	_ =	swait.ge [sflag:s11], $0x4000  }
.Ltmp1:
0x7a: {  	[sflag:s11] =	ssyncset.done $0x0;
	(pc) =	sbr.rel @p0 .LBB2_4-.Ltmp1, $4  }
0x7b: {  	[sflag:s11] =	ssyncadd.s32 $0xFFFFC000  }
0x7c: {  	[spmem:s13] =	stream.indirect.scatter.add.f32 [tilespmem:s10], [sflag:$0x2], $0x80, s9, s9, $0xb8;
	[tilespmem:$0x1A100] =	vst v63  }
0x7d: {  	_ =	swait.ge [sflag:s8], $0x4000  }
0x7e: {  	s17 =	smov.u32 s20;
	[sflag:s8] =	ssyncset.done $0x0  }
0x7f: {  	s17 =	sadd.s32 s16, s28;
	[sflag:s8] =	ssyncadd.s32 $0xFFFFC000  }
0x80: {  	[tilespmem:s2], [sflag:$0x2] =	stream.linear.gather [hbm4b:s17+s2], $0x80, $0x38;
	[tilespmem:$0x1A100] =	vst v63  }
0x81: {  	_ =	swait.ge [sflag:s8], $0x80  }
0x82: {  	[sflag:s8] =	ssyncset.done $0x0  }
0x83: {  	s17 =	sadd.s32 s16, s26;
	[sflag:s8] =	ssyncadd.s32 $0xFFFFFF80  }
0x84: {  	[tilespmem:s9], [sflag:$0x2] =	stream.linear.gather [hbm4b:s17+s2], $0x80, $0x38;
	[tilespmem:$0x1A100] =	vst v63  }
0x85: {  	_ =	swait.ge [sflag:s8], $0x80  }
0x86: {  	[sflag:s8] =	ssyncset.done $0x0  }
0x87: {  	[sflag:s8] =	ssyncadd.s32 $0xFFFFFF80  }
0x88: {  	[tilespmem:s10], [sflag:$0x1] =	stream.indirect.gather [hbm4b:s1+s9], $0x80, s2, s9, $0xb8;
	[tilespmem:$0x1A100] =	vst v63  }
0x89: {  	_ =	swait.ge [sflag:s11], $0x4000  }
0x8a: {  	[sflag:s11] =	ssyncset.done $0x0  }
0x8b: {  	[sflag:s11] =	ssyncadd.s32 $0xFFFFC000  }
0x8c: {  	[spmem:s13] =	stream.indirect.scatter.add.f32 [tilespmem:s10], [sflag:$0x2], $0x80, s9, s9, $0xb8;
	[tilespmem:$0x1A100] =	vst v63  }
0x8d: {  	_ =	swait.ge [sflag:s8], $0x4000  }
0x8e: {  	[sflag:s8] =	ssyncset.done $0x0  }
0x8f: {  	[sflag:s8] =	ssyncadd.s32 $0xFFFFC000  }
0x90: {  	[bflag:$0x0] =	sbarrier.arrive $0xFFFF  }
0x91: {  	[tilespmem:s7], [sflag:$0x2] =	stream.linear.gather [spmem:s15], $0x2000, $0x38;
	[tilespmem:$0x1A100] =	vst v63  }
0x92: {  	_ =	swait.ge [sflag:s8], $0x2000  }
0x93: {  	[sflag:s8] =	ssyncset.done $0x0  }
0x94: {  	s18 =	rddreg [dreg:$0x4];
	[sflag:s8] =	ssyncadd.s32 $0xFFFFE000  }
0x95: {  	[hbm4b:s18+s2] =	stream.linear.scatter [tilespmem:s7], [sflag:$0x2], $0x2000, $0x38;
	[tilespmem:$0x1A100] =	vst v63  }
0x96: {  	_ =	swait.ge [sflag:s8], $0x2000  }
0x97: {  	[sflag:s8] =	ssyncset.done $0x0  }
0x98: {  	s19 =	rddreg [dreg:$0xf];
	[sflag:s8] =	ssyncadd.s32 $0xFFFFE000  }
0x99: {  	[tilespmem:s7], [sflag:$0x2] =	stream.linear.gather [spmem:s19], $0x2000, $0x38;
	[tilespmem:$0x1A100] =	vst v63  }
0x9a: {  	_ =	swait.ge [sflag:s8], $0x2000  }
0x9b: {  	[sflag:s8] =	ssyncset.done $0x0  }
0x9c: {  	s20 =	rddreg [dreg:$0x5];
	[sflag:s8] =	ssyncadd.s32 $0xFFFFE000  }
0x9d: {  	[hbm4b:s20+s2] =	stream.linear.scatter [tilespmem:s7], [sflag:$0x2], $0x2000, $0x38;
	[tilespmem:$0x1A100] =	vst v63  }
0x9e: {  	_ =	swait.ge [sflag:s8], $0x2000  }
0x9f: {  	[sflag:s8] =	ssyncset.done $0x0  }
0xa0: {  	s17 =	rddreg [dreg:$0x10];
	[sflag:s8] =	ssyncadd.s32 $0xFFFFE000  }
0xa1: {  	[tilespmem:s7], [sflag:$0x2] =	stream.linear.gather [spmem:s17], $0x2000, $0x38;
	[tilespmem:$0x1A100] =	vst v63  }
0xa2: {  	_ =	swait.ge [sflag:s8], $0x2000  }
0xa3: {  	[sflag:s8] =	ssyncset.done $0x0  }
0xa4: {  	s18 =	rddreg [dreg:$0x6];
	[sflag:s8] =	ssyncadd.s32 $0xFFFFE000  }
0xa5: {  	[hbm4b:s18+s2] =	stream.linear.scatter [tilespmem:s7], [sflag:$0x2], $0x2000, $0x38;
	[tilespmem:$0x1A100] =	vst v63  }
0xa6: {  	_ =	swait.ge [sflag:s8], $0x2000  }
0xa7: {  	[sflag:s8] =	ssyncset.done $0x0  }
0xa8: {  	s19 =	rddreg [dreg:$0x11];
	[sflag:s8] =	ssyncadd.s32 $0xFFFFE000  }
0xa9: {  	[tilespmem:s7], [sflag:$0x2] =	stream.linear.gather [spmem:s19], $0x2000, $0x38;
	[tilespmem:$0x1A100] =	vst v63  }
0xaa: {  	_ =	swait.ge [sflag:s8], $0x2000  }
0xab: {  	[sflag:s8] =	ssyncset.done $0x0  }
0xac: {  	s20 =	rddreg [dreg:$0x7];
	[sflag:s8] =	ssyncadd.s32 $0xFFFFE000  }
0xad: {  	[hbm4b:s20+s2] =	stream.linear.scatter [tilespmem:s7], [sflag:$0x2], $0x2000, $0x38;
	[tilespmem:$0x1A100] =	vst v63  }
0xae: {  	_ =	swait.ge [sflag:s8], $0x2000  }
0xaf: {  	[sflag:s8] =	ssyncset.done $0x0  }
0xb0: {  	s17 =	rddreg [dreg:$0x12];
	[sflag:s8] =	ssyncadd.s32 $0xFFFFE000  }
0xb1: {  	[tilespmem:s7], [sflag:$0x2] =	stream.linear.gather [spmem:s17], $0x2000, $0x38;
	[tilespmem:$0x1A100] =	vst v63  }
0xb2: {  	_ =	swait.ge [sflag:s8], $0x2000  }
0xb3: {  	[sflag:s8] =	ssyncset.done $0x0  }
0xb4: {  	s18 =	rddreg [dreg:$0x8];
	[sflag:s8] =	ssyncadd.s32 $0xFFFFE000  }
0xb5: {  	[hbm4b:s18+s2] =	stream.linear.scatter [tilespmem:s7], [sflag:$0x2], $0x2000, $0x38;
	[tilespmem:$0x1A100] =	vst v63  }
0xb6: {  	_ =	swait.ge [sflag:s8], $0x2000  }
0xb7: {  	[sflag:s8] =	ssyncset.done $0x0  }
0xb8: {  	[sflag:s8] =	ssyncadd.s32 $0xFFFFE000  }
0xb9: {  	[tilespmem:s7], [sflag:$0x2] =	stream.linear.gather [spmem:s21], $0x2000, $0x38;
	[tilespmem:$0x1A100] =	vst v63  }
0xba: {  	_ =	swait.ge [sflag:s8], $0x2000  }
0xbb: {  	[sflag:s8] =	ssyncset.done $0x0  }
0xbc: {  	s19 =	rddreg [dreg:$0x9];
	[sflag:s8] =	ssyncadd.s32 $0xFFFFE000  }
0xbd: {  	[hbm4b:s19+s2] =	stream.linear.scatter [tilespmem:s7], [sflag:$0x2], $0x2000, $0x38;
	[tilespmem:$0x1A100] =	vst v63  }
0xbe: {  	_ =	swait.ge [sflag:s8], $0x2000  }
0xbf: {  	[sflag:s8] =	ssyncset.done $0x0  }
0xc0: {  	[sflag:s8] =	ssyncadd.s32 $0xFFFFE000  }
0xc1: {  	[tilespmem:s7], [sflag:$0x2] =	stream.linear.gather [spmem:s22], $0x2000, $0x38;
	[tilespmem:$0x1A100] =	vst v63  }
0xc2: {  	_ =	swait.ge [sflag:s8], $0x2000  }
0xc3: {  	[sflag:s8] =	ssyncset.done $0x0  }
0xc4: {  	s20 =	rddreg [dreg:$0xa];
	[sflag:s8] =	ssyncadd.s32 $0xFFFFE000  }
0xc5: {  	[hbm4b:s20+s2] =	stream.linear.scatter [tilespmem:s7], [sflag:$0x2], $0x2000, $0x38;
	[tilespmem:$0x1A100] =	vst v63  }
0xc6: {  	_ =	swait.ge [sflag:s8], $0x2000  }
0xc7: {  	[sflag:s8] =	ssyncset.done $0x0  }
0xc8: {  	[sflag:s8] =	ssyncadd.s32 $0xFFFFE000  }
0xc9: {  	[tilespmem:s7], [sflag:$0x2] =	stream.linear.gather [spmem:s23], $0x2000, $0x38;
	[tilespmem:$0x1A100] =	vst v63  }
0xca: {  	_ =	swait.ge [sflag:s8], $0x2000  }
0xcb: {  	[sflag:s8] =	ssyncset.done $0x0  }
0xcc: {  	s17 =	rddreg [dreg:$0xb];
	[sflag:s8] =	ssyncadd.s32 $0xFFFFE000  }
0xcd: {  	[hbm4b:s17+s2] =	stream.linear.scatter [tilespmem:s7], [sflag:$0x2], $0x2000, $0x38;
	[tilespmem:$0x1A100] =	vst v63  }
0xce: {  	_ =	swait.ge [sflag:s8], $0x2000  }
0xcf: {  	[sflag:s8] =	ssyncset.done $0x0  }
0xd0: {  	[sflag:s8] =	ssyncadd.s32 $0xFFFFE000  }
0xd1: {  	[tilespmem:s7], [sflag:$0x2] =	stream.linear.gather [spmem:s24], $0x2000, $0x38;
	[tilespmem:$0x1A100] =	vst v63  }
0xd2: {  	_ =	swait.ge [sflag:s8], $0x2000  }
0xd3: {  	[sflag:s8] =	ssyncset.done $0x0  }
0xd4: {  	s18 =	rddreg [dreg:$0xc];
	[sflag:s8] =	ssyncadd.s32 $0xFFFFE000  }
0xd5: {  	[hbm4b:s18+s2] =	stream.linear.scatter [tilespmem:s7], [sflag:$0x2], $0x2000, $0x38;
	[tilespmem:$0x1A100] =	vst v63  }
0xd6: {  	_ =	swait.ge [sflag:s8], $0x2000  }
0xd7: {  	[sflag:s8] =	ssyncset.done $0x0  }
0xd8: {  	[sflag:s8] =	ssyncadd.s32 $0xFFFFE000  }
0xd9: {  	[tilespmem:s7], [sflag:$0x2] =	stream.linear.gather [spmem:s25], $0x2000, $0x38;
	[tilespmem:$0x1A100] =	vst v63  }
0xda: {  	_ =	swait.ge [sflag:s8], $0x2000  }
0xdb: {  	[sflag:s8] =	ssyncset.done $0x0  }
0xdc: {  	s19 =	rddreg [dreg:$0xd];
	[sflag:s8] =	ssyncadd.s32 $0xFFFFE000  }
0xdd: {  	[hbm4b:s19+s2] =	stream.linear.scatter [tilespmem:s7], [sflag:$0x2], $0x2000, $0x38;
	[tilespmem:$0x1A100] =	vst v63  }
0xde: {  	_ =	swait.ge [sflag:s8], $0x2000  }
0xdf: {  	s14 =	sadd.s32 $0x1, s14;
	s20 =	rddreg [dreg:$0xe]  }
0xe0: {  	p0 =	sne.s32 s14, s20  }
.Ltmp2:
0xe1: {  	_ = 	snop;
	(pc) =	sbr.rel @p0 .LBB2_1-.Ltmp2, $3  }
0xe2: {  	_ =	sdelay $0x1  }
0xe3: {  	[sflag:s8] =	ssyncset.done $0x0  }
0xe4: {  	[sflag:s8] =	ssyncadd.s32 $0xFFFFE000  }
0xe5: {  	_ =	sfence.sel $0x180000  }
0xe6: {  	[bflag:$0x0] =	sbarrier.arrive $0xFFFF  }
0xe7: {  	_ =	strace $0x90000050  }
0xe8: {  	s0 =	stileid.u32;
	[bflag:$0x2] =	sbarrier.arrive $0xFFFF  }
0xe9: {  	p0 =	sne.s32 s0, $0x0;
	s0 =	rddreg [dreg:$0x3]  }
0xea: {  	s0 =	sadd.s32 @!p0 $0x100000, s0  }
0xeb: {  	[sflag:s0] =	ssyncadd.tile.s32 @!p0 $0x1;
	_ =	shalt  }
.Lfunc_end2:
_tile_overlayer_lowered:
.L_overlay_start_2:
0xec: {  	(tag) =	ssettag $0x2  }
0xed: {  	s0 =	rddreg [dreg:$0x0];
	s2 =	stileid.u32  }
0xee: {  	s1 =	rddreg [dreg:$0x1];
	p0 =	sne.s32 s2, $0x0  }
0xef: {  	s3 =	rddreg [dreg:$0x2];
	[bflag:$0x3] =	sbarrier.arrive $0xFFFF;
	s2 =	simm.s32 @!p0 $0x1C02  }
0xf0: {  	[timem:s3], [sflag:s2] =	dma.local @!p0 [hbm:s0], s1  }
0xf1: {  	s0 =	simm.s32 @!p0 $0x2  }
0xf2: {  	_ =	swait.ge @!p0 [sflag:s0], s1  }
0xf3: {  	s1 =	ssub.s32 @!p0 $0x0, s1;
	[sflag:s0] =	ssyncset.done @!p0 $0x0  }
0xf4: {  	[sflag:s0] =	ssyncadd.s32 @!p0 s1  }
0xf5: {  	[bflag:$0x3] =	sbarrier.arrive $0xFFFF  }
0xf6: {  	_ =	shalt  }

</sc_bundles>
